<compile_context>
chip_gen: v7x
topology: tpu7x:2x2x1
jax: 0.10.2.dev20260603
libtpu: 0.0.44.dev20260713+nightly
codegen_flags: <defaults>
</compile_context>

<pallas_src>
import functools

import jax
import jax.numpy as jnp
from jax import lax
from jax.experimental import pallas as pl
from jax.experimental.pallas import tpu as pltpu
import jax.experimental.pallas.tpu_sc as plsc

N = 10000
D = 128
E = 320000

NC = 2
NS = 16
NW = NC * NS
EPW = E // NW
CHUNK = 96
NCHUNK = 104
TAIL = EPW - NCHUNK * CHUNK
NPAD = 10240
RPT = NPAD // NS
CPT = NPAD // NS


def _seg_body(with_counts, h_hbm, e_hbm, part_hbm, *rest):
    if with_counts:
        (cnt_hbm, src_v, dstc0, dstc1, dstct, rbuf0, rbuf1, tbuf,
         acc_s, cnt_s, ones_v, ones_t, cbuf,
         gsem0, gsem1, dsem0, dsem1) = rest
    else:
        (src_v, dstc0, dstc1, dstct, rbuf0, rbuf1, tbuf, acc_s,
         gsem0, gsem1, dsem0, dsem1) = rest
    c = lax.axis_index("c")
    s = lax.axis_index("s")
    w = c * NS + s
    dbase = E + w * EPW

    pltpu.sync_copy(e_hbm.at[pl.ds(w * EPW, EPW)], src_v)

    def _zrow(i, carry):
        def _zlane(j, carry2):
            rbuf0[i, pl.ds(j * 16, 16)] = jnp.zeros((16,), jnp.float32)
            return carry2
        return lax.fori_loop(0, D // 16, _zlane, carry)
    lax.fori_loop(0, CHUNK, _zrow, 0)
    zoffs = [(t * CHUNK, CHUNK) for t in range(RPT // CHUNK)]
    zoffs.append(((RPT // CHUNK) * CHUNK, RPT - (RPT // CHUNK) * CHUNK))
    for o, sz in zoffs:
        pltpu.sync_copy(rbuf0.at[pl.ds(0, sz), :],
                        acc_s.at[pl.ds(s * RPT + o, sz), :])

    if with_counts:
        def _zc(i, carry):
            cbuf[pl.ds(i * 16, 16)] = jnp.zeros((16,), jnp.float32)
            return carry
        lax.fori_loop(0, CPT // 16, _zc, 0)
        pltpu.sync_copy(cbuf, cnt_s.at[pl.ds(s * CPT, CPT)])
        for j in range(CHUNK // 16):
            ones_v[pl.ds(j * 16, 16)] = jnp.ones((16,), jnp.float32)
        ones_t[pl.ds(0, 16)] = jnp.ones((16,), jnp.float32)

    plsc.subcore_barrier()

    def _start(i, rb, dc, gsem, dsem):
        pltpu.async_copy(h_hbm.at[src_v.at[pl.ds(i * CHUNK, CHUNK)]], rb,
                         gsem)
        pltpu.async_copy(e_hbm.at[pl.ds(dbase + i * CHUNK, CHUNK)], dc, dsem)

    def _consume(i, rb, dc, gsem, dsem, prefetch_i):
        pltpu.make_async_copy(h_hbm.at[src_v.at[pl.ds(0, CHUNK)]], rb,
                              gsem).wait()
        pltpu.make_async_copy(e_hbm.at[pl.ds(0, CHUNK)], dc, dsem).wait()
        pltpu.sync_copy(rb, acc_s.at[dc], add=True)
        if with_counts:
            pltpu.sync_copy(ones_v, cnt_s.at[dc], add=True)

        @pl.when(prefetch_i < NCHUNK)
        def _():
            _start(prefetch_i, rb, dc, gsem, dsem)

    _start(0, rbuf0, dstc0, gsem0, dsem0)
    _start(1, rbuf1, dstc1, gsem1, dsem1)

    def _edge2(k, carry):
        i = 2 * k
        _consume(i, rbuf0, dstc0, gsem0, dsem0, i + 2)
        _consume(i + 1, rbuf1, dstc1, gsem1, dsem1, i + 3)
        return carry
    lax.fori_loop(0, NCHUNK // 2, _edge2, 0)

    pltpu.async_copy(h_hbm.at[src_v.at[pl.ds(NCHUNK * CHUNK, TAIL)]], tbuf,
                     gsem0)
    pltpu.sync_copy(e_hbm.at[pl.ds(dbase + NCHUNK * CHUNK, TAIL)], dstct)
    pltpu.make_async_copy(h_hbm.at[src_v.at[pl.ds(0, TAIL)]], tbuf,
                          gsem0).wait()
    pltpu.sync_copy(tbuf, acc_s.at[dstct], add=True)
    if with_counts:
        pltpu.sync_copy(ones_t, cnt_s.at[dstct], add=True)

    plsc.subcore_barrier()

    for o, sz in zoffs:
        pltpu.sync_copy(acc_s.at[pl.ds(s * RPT + o, sz), :],
                        rbuf0.at[pl.ds(0, sz), :])
        pltpu.sync_copy(rbuf0.at[pl.ds(0, sz), :],
                        part_hbm.at[c, pl.ds(s * RPT + o, sz), :])
    if with_counts:
        pltpu.sync_copy(cnt_s.at[pl.ds(s * CPT, CPT)], cbuf)
        pltpu.sync_copy(cbuf, cnt_hbm.at[pl.ds(c * NPAD + s * CPT, CPT)])


def _make_seg(with_counts):
    out_type = [jax.ShapeDtypeStruct((NC, NPAD, D), jnp.float32)]
    scratch = [
        pltpu.VMEM((EPW,), jnp.int32),
        pltpu.VMEM((CHUNK,), jnp.int32),
        pltpu.VMEM((CHUNK,), jnp.int32),
        pltpu.VMEM((TAIL,), jnp.int32),
        pltpu.VMEM((CHUNK, D), jnp.float32),
        pltpu.VMEM((CHUNK, D), jnp.float32),
        pltpu.VMEM((TAIL, D), jnp.float32),
        pltpu.VMEM_SHARED((NPAD, D), jnp.float32),
    ]
    if with_counts:
        out_type.append(jax.ShapeDtypeStruct((NC * NPAD,), jnp.float32))
        scratch += [
            pltpu.VMEM_SHARED((NPAD,), jnp.float32),
            pltpu.VMEM((CHUNK,), jnp.float32),
            pltpu.VMEM((TAIL,), jnp.float32),
            pltpu.VMEM((CPT,), jnp.float32),
        ]
    scratch += [pltpu.SemaphoreType.DMA] * 4
    return pl.kernel(
        functools.partial(_seg_body, with_counts),
        out_type=out_type,
        mesh=plsc.VectorSubcoreMesh(core_axis_name="c", subcore_axis_name="s"),
        scratch_types=scratch,
    )


_seg_with_counts = _make_seg(True)
_seg_no_counts = _make_seg(False)



TBLK = 1024


def _t0_body(x_ref, w_ref, b_ref, o_ref):
    o_ref[...] = jnp.maximum(
        jnp.dot(x_ref[...], w_ref[...], preferred_element_type=jnp.float32)
        + b_ref[...], 0.0)


def _mean_agg(p0_ref, p1_ref, c_ref):
    cs = c_ref[0] + c_ref[1]
    cols = []
    for j in range(TBLK // 128):
        m = jnp.broadcast_to(cs[j][None, :], (128, 128))
        cols.append(m.T)
    cnt = jnp.maximum(jnp.concatenate(cols, axis=0), 1.0)
    return (p0_ref[0] + p1_ref[0]) / cnt


def _layer_body(p0_ref, p1_ref, c_ref, h_ref, wl_ref, bl_ref,
                wr_ref, o_ref):
    agg = _mean_agg(p0_ref, p1_ref, c_ref)
    o_ref[...] = jnp.maximum(
        jnp.dot(agg, wl_ref[...], preferred_element_type=jnp.float32)
        + bl_ref[...]
        + jnp.dot(h_ref[...], wr_ref[...], preferred_element_type=jnp.float32),
        0.0)


def _layer_final_body(p0_ref, p1_ref, c_ref, h_ref, wl_ref, bl_ref,
                      wr_ref, w1_ref, b1_ref, o_ref):
    agg = _mean_agg(p0_ref, p1_ref, c_ref)
    h2 = jnp.maximum(
        jnp.dot(agg, wl_ref[...], preferred_element_type=jnp.float32)
        + bl_ref[...]
        + jnp.dot(h_ref[...], wr_ref[...], preferred_element_type=jnp.float32),
        0.0)
    o_ref[...] = (jnp.dot(h2, w1_ref[...], preferred_element_type=jnp.float32)
                  + b1_ref[...])


_row_spec = pl.BlockSpec((TBLK, D), lambda i: (i, 0))
_p0_spec = pl.BlockSpec((1, TBLK, D), lambda i: (0, i, 0))
_p1_spec = pl.BlockSpec((1, TBLK, D), lambda i: (1, i, 0))
_w_spec = pl.BlockSpec((D, D), lambda i: (0, 0))
_b_spec = pl.BlockSpec((1, D), lambda i: (0, 0))
_c_spec = pl.BlockSpec((2, TBLK // 128, 128), lambda i: (0, i, 0))
_out_pad = jax.ShapeDtypeStruct((NPAD, D), jnp.float32)
_out_n = jax.ShapeDtypeStruct((N, D), jnp.float32)
_grid = (NPAD // TBLK,)

_t0 = pl.pallas_call(
    _t0_body, grid=_grid,
    in_specs=[_row_spec, _w_spec, _b_spec],
    out_specs=_row_spec, out_shape=_out_pad)

_layer = pl.pallas_call(
    _layer_body, grid=_grid,
    in_specs=[_p0_spec, _p1_spec, _c_spec, _row_spec,
              _w_spec, _b_spec, _w_spec],
    out_specs=_row_spec, out_shape=_out_pad)

_layer_final = pl.pallas_call(
    _layer_final_body, grid=_grid,
    in_specs=[_p0_spec, _p1_spec, _c_spec, _row_spec,
              _w_spec, _b_spec, _w_spec, _w_spec, _b_spec],
    out_specs=_row_spec, out_shape=_out_n)


def kernel(x, edge_index, W0, b0, Wl1, bl1, Wr1, Wl2, bl2, Wr2, W1, b1):
    eflat = edge_index.reshape(2 * E)
    b0r = b0.reshape(1, D)
    bl1r = bl1.reshape(1, D)
    bl2r = bl2.reshape(1, D)
    b1r = b1.reshape(1, D)

    h0 = _t0(x, W0, b0r)
    part1, cnt = _seg_with_counts(h0, eflat)
    cnt3 = cnt.reshape(NC, NPAD // 128, 128)
    h1 = _layer(part1, part1, cnt3, h0, Wl1, bl1r, Wr1)
    (part2,) = _seg_no_counts(h1, eflat)
    out = _layer_final(part2, part2, cnt3, h1, Wl2, bl2r, Wr2, W1, b1r)
    return out

# --- scband reference (transcript-rebuilt; emitter-appended) ---
"""Pipeline reference for scband-sage-53197464928927 (READ-ONLY COPY).

The authoritative reference and input builder live on the scoring server;
editing this copy changes nothing except your own understanding.
"""

import jax, jax.numpy as jnp
import numpy as np

N = 10000
E = 320000
D = 128


def setup_inputs(seed: int = 0) -> dict:
    key = jax.random.key(seed)
    ks = jax.random.split(key, 12)
    s = 1.0 / np.sqrt(D)
    x = jax.random.normal(ks[0], (N, D), dtype=jnp.float32)
    edge_index = jax.random.randint(ks[1], (2, E), 0, N, dtype=jnp.int32)
    W0 = jax.random.normal(ks[2], (D, D), dtype=jnp.float32) * s
    b0 = jax.random.normal(ks[3], (D,), dtype=jnp.float32) * s
    Wl1 = jax.random.normal(ks[4], (D, D), dtype=jnp.float32) * s
    bl1 = jax.random.normal(ks[5], (D,), dtype=jnp.float32) * s
    Wr1 = jax.random.normal(ks[6], (D, D), dtype=jnp.float32) * s
    Wl2 = jax.random.normal(ks[7], (D, D), dtype=jnp.float32) * s
    bl2 = jax.random.normal(ks[8], (D,), dtype=jnp.float32) * s
    Wr2 = jax.random.normal(ks[9], (D, D), dtype=jnp.float32) * s
    W1 = jax.random.normal(ks[10], (D, D), dtype=jnp.float32) * s
    b1 = jax.random.normal(ks[11], (D,), dtype=jnp.float32) * s
    return {"x": x, "edge_index": edge_index, "W0": W0, "b0": b0,
            "Wl1": Wl1, "bl1": bl1, "Wr1": Wr1,
            "Wl2": Wl2, "bl2": bl2, "Wr2": Wr2,
            "W1": W1, "b1": b1}


def _sage_conv(h, src, dst, Wl, bl, Wr):
    # PyG SAGEConv with mean aggregation:
    # out = lin_l(mean_{j in N(i)} h_j) + lin_r(h_i)
    msgs = h[src]
    agg = jax.ops.segment_sum(msgs, dst, num_segments=N)
    cnt = jax.ops.segment_sum(jnp.ones((src.shape[0],), dtype=h.dtype), dst, num_segments=N)
    agg = agg / jnp.clip(cnt, 1.0)[:, None]
    return agg @ Wl + bl + h @ Wr


def reference(x, edge_index, W0, b0, Wl1, bl1, Wr1, Wl2, bl2, Wr2, W1, b1):
    # eval mode: dropout(p=0.5, training=False) is identity
    src = edge_index[0]
    dst = edge_index[1]
    h = jax.nn.relu(x @ W0 + b0)
    h = jax.nn.relu(_sage_conv(h, src, dst, Wl1, bl1, Wr1))
    h = jax.nn.relu(_sage_conv(h, src, dst, Wl2, bl2, Wr2))
    out = h @ W1 + b1
    return out

if __name__ == "__main__":
    import jax
    _d = setup_inputs()
    print(jax.jit(kernel)(*tuple(_d.values())))

</pallas_src>

<mosaic_0001>
#map = affine_map<(d0, d1) -> (0, 0)>
#map1 = affine_map<(d0, d1) -> (0)>
#map2 = affine_map<(d0, d1) -> (0, 0, 0)>
module attributes {stable_mosaic.version = 14 : i64} {
  func.func @_seg_body(%arg0: i32, %arg1: i32, %arg2: memref<10240x128xf32, #tpu.memory_space<hbm>>, %arg3: memref<640000xi32, #tpu.memory_space<hbm>>, %arg4: memref<2x10240x128xf32, #tpu.memory_space<hbm>>, %arg5: memref<10000xi32, #tpu.memory_space<vmem>>, %arg6: memref<96xi32, #tpu.memory_space<vmem>>, %arg7: memref<96xi32, #tpu.memory_space<vmem>>, %arg8: memref<16xi32, #tpu.memory_space<vmem>>, %arg9: memref<96x128xf32, #tpu.memory_space<vmem>>, %arg10: memref<96x128xf32, #tpu.memory_space<vmem>>, %arg11: memref<16x128xf32, #tpu.memory_space<vmem>>, %arg12: memref<10240x128xf32, #tpu.memory_space<vmem_shared>>, %arg13: memref<!tpu.dma_semaphore, #tpu.memory_space<semaphore_mem>>, %arg14: memref<!tpu.dma_semaphore, #tpu.memory_space<semaphore_mem>>, %arg15: memref<!tpu.dma_semaphore, #tpu.memory_space<semaphore_mem>>, %arg16: memref<!tpu.dma_semaphore, #tpu.memory_space<semaphore_mem>>) attributes {dimension_semantics = [#tpu.dimension_semantics<core_parallel>, #tpu.dimension_semantics<subcore_parallel>], iteration_bounds = array<i64: 2, 16>, scalar_prefetch = 0 : i64, scratch_operands = 12 : i64, tpu.core_type = #tpu.core_type<sc_vector_subcore>, window_params = [{transform_indices = #map}, {transform_indices = #map1}, {transform_indices = #map2}]} {
    %mul3A = arith.constant 16 : i32
    %mul3A_0 = arith.muli %arg0, %mul3A : i32
    %add3A = arith.addi %mul3A_0, %arg1 : i32
    %mul3A_1 = arith.constant 10000 : i32
    %mul3A_2 = arith.muli %add3A, %mul3A_1 : i32
    %add3A_3 = arith.constant 320000 : i32
    %add3A_4 = arith.addi %add3A_3, %mul3A_2 : i32
    %mul3A_5 = arith.constant 10000 : i32
    %mul3A_6 = arith.muli %add3A, %mul3A_5 : i32
    "tpu.region"() ({
      %run_scoped3A = tpu.sem_alloc : memref<!tpu.dma_semaphore, #tpu.memory_space<semaphore_mem>>
      %dma_start3A_131 = tpu.memref_slice %arg3[%mul3A_6] : memref<640000xi32, #tpu.memory_space<hbm>> -> memref<10000xi32, #tpu.memory_space<hbm>>
      %dma_start3A_132 = tpu.memref_slice %arg3[%mul3A_6] : memref<640000xi32, #tpu.memory_space<hbm>> -> memref<10000xi32, #tpu.memory_space<hbm>>
      tpu.enqueue_dma source(%dma_start3A_132 : memref<10000xi32, #tpu.memory_space<hbm>>) target(%arg5 : memref<10000xi32, #tpu.memory_space<vmem>>) target_semaphore(%run_scoped3A : memref<!tpu.dma_semaphore, #tpu.memory_space<semaphore_mem>>)
      %dma_wait3A_133 = tpu.memref_slice %arg3[%mul3A_6] : memref<640000xi32, #tpu.memory_space<hbm>> -> memref<10000xi32, #tpu.memory_space<hbm>>
      %dma_wait3A_134 = tpu.memref_slice %arg3[%mul3A_6] : memref<640000xi32, #tpu.memory_space<hbm>> -> memref<10000xi32, #tpu.memory_space<hbm>>
      tpu.wait_dma2 semaphore(%run_scoped3A : memref<!tpu.dma_semaphore, #tpu.memory_space<semaphore_mem>>) src(%dma_wait3A_134 : memref<10000xi32, #tpu.memory_space<hbm>>) dst(%arg5 : memref<10000xi32, #tpu.memory_space<vmem>>)
      tpu.yield
    }) : () -> ()
    %scan3A = arith.constant 0 : i32
    %scan3A_7 = arith.constant 0 : i32
    %scan3A_8 = arith.constant 96 : i32
    %scan3A_9 = arith.addi %scan3A_7, %scan3A_8 : i32
    %scan3A_10 = arith.constant 1 : i32
    scf.for %scan3A_131 = %scan3A_7 to %scan3A_9 step %scan3A_10  : i32 {
      %scan3A_132 = arith.constant 0 : i32
      %scan3A_133 = arith.constant 8 : i32
      %scan3A_134 = arith.addi %scan3A_132, %scan3A_133 : i32
      %scan3A_135 = arith.constant 1 : i32
      scf.for %scan3A_137 = %scan3A_132 to %scan3A_134 step %scan3A_135  : i32 {
        %broadcast_in_dim3A = arith.constant 0.000000e+00 : f32
        %broadcast_in_dim3A_138 = vector.broadcast %broadcast_in_dim3A : f32 to vector<16xf32>
        %mul3A_139 = arith.constant 16 : i32
        %mul3A_140 = arith.muli %scan3A_137, %mul3A_139 : i32
        %swap3A = arith.index_cast %scan3A_131 : i32 to index
        %swap3A_141 = arith.index_cast %mul3A_140 : i32 to index
        %swap3A_142 = tpu.vector_load %arg9[%swap3A, %swap3A_141] {strides = array<i32>} : memref<96x128xf32, #tpu.memory_space<vmem>>, vector<1x16xf32>,
        %swap3A_143 = vector.shape_cast %swap3A_142 : vector<1x16xf32> to vector<16xf32>
        %swap3A_144 = vector.shape_cast %broadcast_in_dim3A_138 : vector<16xf32> to vector<1x16xf32>
        tpu.vector_store %arg9[%swap3A, %swap3A_141], %swap3A_144 {strides = array<i32>} : memref<96x128xf32, #tpu.memory_space<vmem>>, vector<1x16xf32>,
      }
      %scan3A_136 = arith.constant 8 : i32
    }
    %scan3A_11 = arith.constant 96 : i32
    %mul3A_12 = arith.constant 640 : i32
    %mul3A_13 = arith.muli %arg1, %mul3A_12 : i32
    %add3A_14 = arith.constant 0 : i32
    %add3A_15 = arith.addi %mul3A_13, %add3A_14 : i32
    "tpu.region"() ({
      %run_scoped3A = tpu.sem_alloc : memref<!tpu.dma_semaphore, #tpu.memory_space<semaphore_mem>>
      %dma_start3A_131 = arith.constant 0 : i32
      %dma_start3A_132 = arith.constant 0 : i32
      %dma_start3A_133 = tpu.memref_slice %arg9[%dma_start3A_131, %dma_start3A_132] : memref<96x128xf32, #tpu.memory_space<vmem>> -> memref<96x128xf32, #tpu.memory_space<vmem>>
      %dma_start3A_134 = arith.constant 0 : i32
      %dma_start3A_135 = tpu.memref_slice %arg12[%add3A_15, %dma_start3A_134] : memref<10240x128xf32, #tpu.memory_space<vmem_shared>> -> memref<96x128xf32, #tpu.memory_space<vmem_shared>>
      %dma_start3A_136 = arith.constant 0 : i32
      %dma_start3A_137 = tpu.memref_slice %arg12[%add3A_15, %dma_start3A_136] : memref<10240x128xf32, #tpu.memory_space<vmem_shared>> -> memref<96x128xf32, #tpu.memory_space<vmem_shared>>
      %dma_start3A_138 = arith.constant 0 : i32
      %dma_start3A_139 = arith.constant 0 : i32
      %dma_start3A_140 = tpu.memref_slice %arg9[%dma_start3A_138, %dma_start3A_139] : memref<96x128xf32, #tpu.memory_space<vmem>> -> memref<96x128xf32, #tpu.memory_space<vmem>>
      tpu.enqueue_dma source(%dma_start3A_140 : memref<96x128xf32, #tpu.memory_space<vmem>>) target(%dma_start3A_137 : memref<96x128xf32, #tpu.memory_space<vmem_shared>>) target_semaphore(%run_scoped3A : memref<!tpu.dma_semaphore, #tpu.memory_space<semaphore_mem>>)
      %dma_wait3A_141 = arith.constant 0 : i32
      %dma_wait3A_142 = arith.constant 0 : i32
      %dma_wait3A_143 = tpu.memref_slice %arg9[%dma_wait3A_141, %dma_wait3A_142] : memref<96x128xf32, #tpu.memory_space<vmem>> -> memref<96x128xf32, #tpu.memory_space<vmem>>
      %dma_wait3A_144 = arith.constant 0 : i32
      %dma_wait3A_145 = tpu.memref_slice %arg12[%add3A_15, %dma_wait3A_144] : memref<10240x128xf32, #tpu.memory_space<vmem_shared>> -> memref<96x128xf32, #tpu.memory_space<vmem_shared>>
      %dma_wait3A_146 = arith.constant 0 : i32
      %dma_wait3A_147 = tpu.memref_slice %arg12[%add3A_15, %dma_wait3A_146] : memref<10240x128xf32, #tpu.memory_space<vmem_shared>> -> memref<96x128xf32, #tpu.memory_space<vmem_shared>>
      %dma_wait3A_148 = arith.constant 0 : i32
      %dma_wait3A_149 = arith.constant 0 : i32
      %dma_wait3A_150 = tpu.memref_slice %arg9[%dma_wait3A_148, %dma_wait3A_149] : memref<96x128xf32, #tpu.memory_space<vmem>> -> memref<96x128xf32, #tpu.memory_space<vmem>>
      tpu.wait_dma2 semaphore(%run_scoped3A : memref<!tpu.dma_semaphore, #tpu.memory_space<semaphore_mem>>) src(%dma_wait3A_150 : memref<96x128xf32, #tpu.memory_space<vmem>>) dst(%dma_wait3A_147 : memref<96x128xf32, #tpu.memory_space<vmem_shared>>)
      tpu.yield
    }) : () -> ()
    %mul3A_16 = arith.constant 640 : i32
    %mul3A_17 = arith.muli %arg1, %mul3A_16 : i32
    %add3A_18 = arith.constant 96 : i32
    %add3A_19 = arith.addi %mul3A_17, %add3A_18 : i32
    "tpu.region"() ({
      %run_scoped3A = tpu.sem_alloc : memref<!tpu.dma_semaphore, #tpu.memory_space<semaphore_mem>>
      %dma_start3A_131 = arith.constant 0 : i32
      %dma_start3A_132 = arith.constant 0 : i32
      %dma_start3A_133 = tpu.memref_slice %arg9[%dma_start3A_131, %dma_start3A_132] : memref<96x128xf32, #tpu.memory_space<vmem>> -> memref<96x128xf32, #tpu.memory_space<vmem>>
      %dma_start3A_134 = arith.constant 0 : i32
      %dma_start3A_135 = tpu.memref_slice %arg12[%add3A_19, %dma_start3A_134] : memref<10240x128xf32, #tpu.memory_space<vmem_shared>> -> memref<96x128xf32, #tpu.memory_space<vmem_shared>>
      %dma_start3A_136 = arith.constant 0 : i32
      %dma_start3A_137 = tpu.memref_slice %arg12[%add3A_19, %dma_start3A_136] : memref<10240x128xf32, #tpu.memory_space<vmem_shared>> -> memref<96x128xf32, #tpu.memory_space<vmem_shared>>
      %dma_start3A_138 = arith.constant 0 : i32
      %dma_start3A_139 = arith.constant 0 : i32
      %dma_start3A_140 = tpu.memref_slice %arg9[%dma_start3A_138, %dma_start3A_139] : memref<96x128xf32, #tpu.memory_space<vmem>> -> memref<96x128xf32, #tpu.memory_space<vmem>>
      tpu.enqueue_dma source(%dma_start3A_140 : memref<96x128xf32, #tpu.memory_space<vmem>>) target(%dma_start3A_137 : memref<96x128xf32, #tpu.memory_space<vmem_shared>>) target_semaphore(%run_scoped3A : memref<!tpu.dma_semaphore, #tpu.memory_space<semaphore_mem>>)
      %dma_wait3A_141 = arith.constant 0 : i32
      %dma_wait3A_142 = arith.constant 0 : i32
      %dma_wait3A_143 = tpu.memref_slice %arg9[%dma_wait3A_141, %dma_wait3A_142] : memref<96x128xf32, #tpu.memory_space<vmem>> -> memref<96x128xf32, #tpu.memory_space<vmem>>
      %dma_wait3A_144 = arith.constant 0 : i32
      %dma_wait3A_145 = tpu.memref_slice %arg12[%add3A_19, %dma_wait3A_144] : memref<10240x128xf32, #tpu.memory_space<vmem_shared>> -> memref<96x128xf32, #tpu.memory_space<vmem_shared>>
      %dma_wait3A_146 = arith.constant 0 : i32
      %dma_wait3A_147 = tpu.memref_slice %arg12[%add3A_19, %dma_wait3A_146] : memref<10240x128xf32, #tpu.memory_space<vmem_shared>> -> memref<96x128xf32, #tpu.memory_space<vmem_shared>>
      %dma_wait3A_148 = arith.constant 0 : i32
      %dma_wait3A_149 = arith.constant 0 : i32
      %dma_wait3A_150 = tpu.memref_slice %arg9[%dma_wait3A_148, %dma_wait3A_149] : memref<96x128xf32, #tpu.memory_space<vmem>> -> memref<96x128xf32, #tpu.memory_space<vmem>>
      tpu.wait_dma2 semaphore(%run_scoped3A : memref<!tpu.dma_semaphore, #tpu.memory_space<semaphore_mem>>) src(%dma_wait3A_150 : memref<96x128xf32, #tpu.memory_space<vmem>>) dst(%dma_wait3A_147 : memref<96x128xf32, #tpu.memory_space<vmem_shared>>)
      tpu.yield
    }) : () -> ()
    %mul3A_20 = arith.constant 640 : i32
    %mul3A_21 = arith.muli %arg1, %mul3A_20 : i32
    %add3A_22 = arith.constant 192 : i32
    %add3A_23 = arith.addi %mul3A_21, %add3A_22 : i32
    "tpu.region"() ({
      %run_scoped3A = tpu.sem_alloc : memref<!tpu.dma_semaphore, #tpu.memory_space<semaphore_mem>>
      %dma_start3A_131 = arith.constant 0 : i32
      %dma_start3A_132 = arith.constant 0 : i32
      %dma_start3A_133 = tpu.memref_slice %arg9[%dma_start3A_131, %dma_start3A_132] : memref<96x128xf32, #tpu.memory_space<vmem>> -> memref<96x128xf32, #tpu.memory_space<vmem>>
      %dma_start3A_134 = arith.constant 0 : i32
      %dma_start3A_135 = tpu.memref_slice %arg12[%add3A_23, %dma_start3A_134] : memref<10240x128xf32, #tpu.memory_space<vmem_shared>> -> memref<96x128xf32, #tpu.memory_space<vmem_shared>>
      %dma_start3A_136 = arith.constant 0 : i32
      %dma_start3A_137 = tpu.memref_slice %arg12[%add3A_23, %dma_start3A_136] : memref<10240x128xf32, #tpu.memory_space<vmem_shared>> -> memref<96x128xf32, #tpu.memory_space<vmem_shared>>
      %dma_start3A_138 = arith.constant 0 : i32
      %dma_start3A_139 = arith.constant 0 : i32
      %dma_start3A_140 = tpu.memref_slice %arg9[%dma_start3A_138, %dma_start3A_139] : memref<96x128xf32, #tpu.memory_space<vmem>> -> memref<96x128xf32, #tpu.memory_space<vmem>>
      tpu.enqueue_dma source(%dma_start3A_140 : memref<96x128xf32, #tpu.memory_space<vmem>>) target(%dma_start3A_137 : memref<96x128xf32, #tpu.memory_space<vmem_shared>>) target_semaphore(%run_scoped3A : memref<!tpu.dma_semaphore, #tpu.memory_space<semaphore_mem>>)
      %dma_wait3A_141 = arith.constant 0 : i32
      %dma_wait3A_142 = arith.constant 0 : i32
      %dma_wait3A_143 = tpu.memref_slice %arg9[%dma_wait3A_141, %dma_wait3A_142] : memref<96x128xf32, #tpu.memory_space<vmem>> -> memref<96x128xf32, #tpu.memory_space<vmem>>
      %dma_wait3A_144 = arith.constant 0 : i32
      %dma_wait3A_145 = tpu.memref_slice %arg12[%add3A_23, %dma_wait3A_144] : memref<10240x128xf32, #tpu.memory_space<vmem_shared>> -> memref<96x128xf32, #tpu.memory_space<vmem_shared>>
      %dma_wait3A_146 = arith.constant 0 : i32
      %dma_wait3A_147 = tpu.memref_slice %arg12[%add3A_23, %dma_wait3A_146] : memref<10240x128xf32, #tpu.memory_space<vmem_shared>> -> memref<96x128xf32, #tpu.memory_space<vmem_shared>>
      %dma_wait3A_148 = arith.constant 0 : i32
      %dma_wait3A_149 = arith.constant 0 : i32
      %dma_wait3A_150 = tpu.memref_slice %arg9[%dma_wait3A_148, %dma_wait3A_149] : memref<96x128xf32, #tpu.memory_space<vmem>> -> memref<96x128xf32, #tpu.memory_space<vmem>>
      tpu.wait_dma2 semaphore(%run_scoped3A : memref<!tpu.dma_semaphore, #tpu.memory_space<semaphore_mem>>) src(%dma_wait3A_150 : memref<96x128xf32, #tpu.memory_space<vmem>>) dst(%dma_wait3A_147 : memref<96x128xf32, #tpu.memory_space<vmem_shared>>)
      tpu.yield
    }) : () -> ()
    %mul3A_24 = arith.constant 640 : i32
    %mul3A_25 = arith.muli %arg1, %mul3A_24 : i32
    %add3A_26 = arith.constant 288 : i32
    %add3A_27 = arith.addi %mul3A_25, %add3A_26 : i32
    "tpu.region"() ({
      %run_scoped3A = tpu.sem_alloc : memref<!tpu.dma_semaphore, #tpu.memory_space<semaphore_mem>>
      %dma_start3A_131 = arith.constant 0 : i32
      %dma_start3A_132 = arith.constant 0 : i32
      %dma_start3A_133 = tpu.memref_slice %arg9[%dma_start3A_131, %dma_start3A_132] : memref<96x128xf32, #tpu.memory_space<vmem>> -> memref<96x128xf32, #tpu.memory_space<vmem>>
      %dma_start3A_134 = arith.constant 0 : i32
      %dma_start3A_135 = tpu.memref_slice %arg12[%add3A_27, %dma_start3A_134] : memref<10240x128xf32, #tpu.memory_space<vmem_shared>> -> memref<96x128xf32, #tpu.memory_space<vmem_shared>>
      %dma_start3A_136 = arith.constant 0 : i32
      %dma_start3A_137 = tpu.memref_slice %arg12[%add3A_27, %dma_start3A_136] : memref<10240x128xf32, #tpu.memory_space<vmem_shared>> -> memref<96x128xf32, #tpu.memory_space<vmem_shared>>
      %dma_start3A_138 = arith.constant 0 : i32
      %dma_start3A_139 = arith.constant 0 : i32
      %dma_start3A_140 = tpu.memref_slice %arg9[%dma_start3A_138, %dma_start3A_139] : memref<96x128xf32, #tpu.memory_space<vmem>> -> memref<96x128xf32, #tpu.memory_space<vmem>>
      tpu.enqueue_dma source(%dma_start3A_140 : memref<96x128xf32, #tpu.memory_space<vmem>>) target(%dma_start3A_137 : memref<96x128xf32, #tpu.memory_space<vmem_shared>>) target_semaphore(%run_scoped3A : memref<!tpu.dma_semaphore, #tpu.memory_space<semaphore_mem>>)
      %dma_wait3A_141 = arith.constant 0 : i32
      %dma_wait3A_142 = arith.constant 0 : i32
      %dma_wait3A_143 = tpu.memref_slice %arg9[%dma_wait3A_141, %dma_wait3A_142] : memref<96x128xf32, #tpu.memory_space<vmem>> -> memref<96x128xf32, #tpu.memory_space<vmem>>
      %dma_wait3A_144 = arith.constant 0 : i32
      %dma_wait3A_145 = tpu.memref_slice %arg12[%add3A_27, %dma_wait3A_144] : memref<10240x128xf32, #tpu.memory_space<vmem_shared>> -> memref<96x128xf32, #tpu.memory_space<vmem_shared>>
      %dma_wait3A_146 = arith.constant 0 : i32
      %dma_wait3A_147 = tpu.memref_slice %arg12[%add3A_27, %dma_wait3A_146] : memref<10240x128xf32, #tpu.memory_space<vmem_shared>> -> memref<96x128xf32, #tpu.memory_space<vmem_shared>>
      %dma_wait3A_148 = arith.constant 0 : i32
      %dma_wait3A_149 = arith.constant 0 : i32
      %dma_wait3A_150 = tpu.memref_slice %arg9[%dma_wait3A_148, %dma_wait3A_149] : memref<96x128xf32, #tpu.memory_space<vmem>> -> memref<96x128xf32, #tpu.memory_space<vmem>>
      tpu.wait_dma2 semaphore(%run_scoped3A : memref<!tpu.dma_semaphore, #tpu.memory_space<semaphore_mem>>) src(%dma_wait3A_150 : memref<96x128xf32, #tpu.memory_space<vmem>>) dst(%dma_wait3A_147 : memref<96x128xf32, #tpu.memory_space<vmem_shared>>)
      tpu.yield
    }) : () -> ()
    %mul3A_28 = arith.constant 640 : i32
    %mul3A_29 = arith.muli %arg1, %mul3A_28 : i32
    %add3A_30 = arith.constant 384 : i32
    %add3A_31 = arith.addi %mul3A_29, %add3A_30 : i32
    "tpu.region"() ({
      %run_scoped3A = tpu.sem_alloc : memref<!tpu.dma_semaphore, #tpu.memory_space<semaphore_mem>>
      %dma_start3A_131 = arith.constant 0 : i32
      %dma_start3A_132 = arith.constant 0 : i32
      %dma_start3A_133 = tpu.memref_slice %arg9[%dma_start3A_131, %dma_start3A_132] : memref<96x128xf32, #tpu.memory_space<vmem>> -> memref<96x128xf32, #tpu.memory_space<vmem>>
      %dma_start3A_134 = arith.constant 0 : i32
      %dma_start3A_135 = tpu.memref_slice %arg12[%add3A_31, %dma_start3A_134] : memref<10240x128xf32, #tpu.memory_space<vmem_shared>> -> memref<96x128xf32, #tpu.memory_space<vmem_shared>>
      %dma_start3A_136 = arith.constant 0 : i32
      %dma_start3A_137 = tpu.memref_slice %arg12[%add3A_31, %dma_start3A_136] : memref<10240x128xf32, #tpu.memory_space<vmem_shared>> -> memref<96x128xf32, #tpu.memory_space<vmem_shared>>
      %dma_start3A_138 = arith.constant 0 : i32
      %dma_start3A_139 = arith.constant 0 : i32
      %dma_start3A_140 = tpu.memref_slice %arg9[%dma_start3A_138, %dma_start3A_139] : memref<96x128xf32, #tpu.memory_space<vmem>> -> memref<96x128xf32, #tpu.memory_space<vmem>>
      tpu.enqueue_dma source(%dma_start3A_140 : memref<96x128xf32, #tpu.memory_space<vmem>>) target(%dma_start3A_137 : memref<96x128xf32, #tpu.memory_space<vmem_shared>>) target_semaphore(%run_scoped3A : memref<!tpu.dma_semaphore, #tpu.memory_space<semaphore_mem>>)
      %dma_wait3A_141 = arith.constant 0 : i32
      %dma_wait3A_142 = arith.constant 0 : i32
      %dma_wait3A_143 = tpu.memref_slice %arg9[%dma_wait3A_141, %dma_wait3A_142] : memref<96x128xf32, #tpu.memory_space<vmem>> -> memref<96x128xf32, #tpu.memory_space<vmem>>
      %dma_wait3A_144 = arith.constant 0 : i32
      %dma_wait3A_145 = tpu.memref_slice %arg12[%add3A_31, %dma_wait3A_144] : memref<10240x128xf32, #tpu.memory_space<vmem_shared>> -> memref<96x128xf32, #tpu.memory_space<vmem_shared>>
      %dma_wait3A_146 = arith.constant 0 : i32
      %dma_wait3A_147 = tpu.memref_slice %arg12[%add3A_31, %dma_wait3A_146] : memref<10240x128xf32, #tpu.memory_space<vmem_shared>> -> memref<96x128xf32, #tpu.memory_space<vmem_shared>>
      %dma_wait3A_148 = arith.constant 0 : i32
      %dma_wait3A_149 = arith.constant 0 : i32
      %dma_wait3A_150 = tpu.memref_slice %arg9[%dma_wait3A_148, %dma_wait3A_149] : memref<96x128xf32, #tpu.memory_space<vmem>> -> memref<96x128xf32, #tpu.memory_space<vmem>>
      tpu.wait_dma2 semaphore(%run_scoped3A : memref<!tpu.dma_semaphore, #tpu.memory_space<semaphore_mem>>) src(%dma_wait3A_150 : memref<96x128xf32, #tpu.memory_space<vmem>>) dst(%dma_wait3A_147 : memref<96x128xf32, #tpu.memory_space<vmem_shared>>)
      tpu.yield
    }) : () -> ()
    %mul3A_32 = arith.constant 640 : i32
    %mul3A_33 = arith.muli %arg1, %mul3A_32 : i32
    %add3A_34 = arith.constant 480 : i32
    %add3A_35 = arith.addi %mul3A_33, %add3A_34 : i32
    "tpu.region"() ({
      %run_scoped3A = tpu.sem_alloc : memref<!tpu.dma_semaphore, #tpu.memory_space<semaphore_mem>>
      %dma_start3A_131 = arith.constant 0 : i32
      %dma_start3A_132 = arith.constant 0 : i32
      %dma_start3A_133 = tpu.memref_slice %arg9[%dma_start3A_131, %dma_start3A_132] : memref<96x128xf32, #tpu.memory_space<vmem>> -> memref<96x128xf32, #tpu.memory_space<vmem>>
      %dma_start3A_134 = arith.constant 0 : i32
      %dma_start3A_135 = tpu.memref_slice %arg12[%add3A_35, %dma_start3A_134] : memref<10240x128xf32, #tpu.memory_space<vmem_shared>> -> memref<96x128xf32, #tpu.memory_space<vmem_shared>>
      %dma_start3A_136 = arith.constant 0 : i32
      %dma_start3A_137 = tpu.memref_slice %arg12[%add3A_35, %dma_start3A_136] : memref<10240x128xf32, #tpu.memory_space<vmem_shared>> -> memref<96x128xf32, #tpu.memory_space<vmem_shared>>
      %dma_start3A_138 = arith.constant 0 : i32
      %dma_start3A_139 = arith.constant 0 : i32
      %dma_start3A_140 = tpu.memref_slice %arg9[%dma_start3A_138, %dma_start3A_139] : memref<96x128xf32, #tpu.memory_space<vmem>> -> memref<96x128xf32, #tpu.memory_space<vmem>>
      tpu.enqueue_dma source(%dma_start3A_140 : memref<96x128xf32, #tpu.memory_space<vmem>>) target(%dma_start3A_137 : memref<96x128xf32, #tpu.memory_space<vmem_shared>>) target_semaphore(%run_scoped3A : memref<!tpu.dma_semaphore, #tpu.memory_space<semaphore_mem>>)
      %dma_wait3A_141 = arith.constant 0 : i32
      %dma_wait3A_142 = arith.constant 0 : i32
      %dma_wait3A_143 = tpu.memref_slice %arg9[%dma_wait3A_141, %dma_wait3A_142] : memref<96x128xf32, #tpu.memory_space<vmem>> -> memref<96x128xf32, #tpu.memory_space<vmem>>
      %dma_wait3A_144 = arith.constant 0 : i32
      %dma_wait3A_145 = tpu.memref_slice %arg12[%add3A_35, %dma_wait3A_144] : memref<10240x128xf32, #tpu.memory_space<vmem_shared>> -> memref<96x128xf32, #tpu.memory_space<vmem_shared>>
      %dma_wait3A_146 = arith.constant 0 : i32
      %dma_wait3A_147 = tpu.memref_slice %arg12[%add3A_35, %dma_wait3A_146] : memref<10240x128xf32, #tpu.memory_space<vmem_shared>> -> memref<96x128xf32, #tpu.memory_space<vmem_shared>>
      %dma_wait3A_148 = arith.constant 0 : i32
      %dma_wait3A_149 = arith.constant 0 : i32
      %dma_wait3A_150 = tpu.memref_slice %arg9[%dma_wait3A_148, %dma_wait3A_149] : memref<96x128xf32, #tpu.memory_space<vmem>> -> memref<96x128xf32, #tpu.memory_space<vmem>>
      tpu.wait_dma2 semaphore(%run_scoped3A : memref<!tpu.dma_semaphore, #tpu.memory_space<semaphore_mem>>) src(%dma_wait3A_150 : memref<96x128xf32, #tpu.memory_space<vmem>>) dst(%dma_wait3A_147 : memref<96x128xf32, #tpu.memory_space<vmem_shared>>)
      tpu.yield
    }) : () -> ()
    %mul3A_36 = arith.constant 640 : i32
    %mul3A_37 = arith.muli %arg1, %mul3A_36 : i32
    %add3A_38 = arith.constant 576 : i32
    %add3A_39 = arith.addi %mul3A_37, %add3A_38 : i32
    "tpu.region"() ({
      %run_scoped3A = tpu.sem_alloc : memref<!tpu.dma_semaphore, #tpu.memory_space<semaphore_mem>>
      %dma_start3A_131 = arith.constant 0 : i32
      %dma_start3A_132 = arith.constant 0 : i32
      %dma_start3A_133 = tpu.memref_slice %arg9[%dma_start3A_131, %dma_start3A_132] : memref<96x128xf32, #tpu.memory_space<vmem>> -> memref<64x128xf32, #tpu.memory_space<vmem>>
      %dma_start3A_134 = arith.constant 0 : i32
      %dma_start3A_135 = tpu.memref_slice %arg12[%add3A_39, %dma_start3A_134] : memref<10240x128xf32, #tpu.memory_space<vmem_shared>> -> memref<64x128xf32, #tpu.memory_space<vmem_shared>>
      %dma_start3A_136 = arith.constant 0 : i32
      %dma_start3A_137 = tpu.memref_slice %arg12[%add3A_39, %dma_start3A_136] : memref<10240x128xf32, #tpu.memory_space<vmem_shared>> -> memref<64x128xf32, #tpu.memory_space<vmem_shared>>
      %dma_start3A_138 = arith.constant 0 : i32
      %dma_start3A_139 = arith.constant 0 : i32
      %dma_start3A_140 = tpu.memref_slice %arg9[%dma_start3A_138, %dma_start3A_139] : memref<96x128xf32, #tpu.memory_space<vmem>> -> memref<64x128xf32, #tpu.memory_space<vmem>>
      tpu.enqueue_dma source(%dma_start3A_140 : memref<64x128xf32, #tpu.memory_space<vmem>>) target(%dma_start3A_137 : memref<64x128xf32, #tpu.memory_space<vmem_shared>>) target_semaphore(%run_scoped3A : memref<!tpu.dma_semaphore, #tpu.memory_space<semaphore_mem>>)
      %dma_wait3A_141 = arith.constant 0 : i32
      %dma_wait3A_142 = arith.constant 0 : i32
      %dma_wait3A_143 = tpu.memref_slice %arg9[%dma_wait3A_141, %dma_wait3A_142] : memref<96x128xf32, #tpu.memory_space<vmem>> -> memref<64x128xf32, #tpu.memory_space<vmem>>
      %dma_wait3A_144 = arith.constant 0 : i32
      %dma_wait3A_145 = tpu.memref_slice %arg12[%add3A_39, %dma_wait3A_144] : memref<10240x128xf32, #tpu.memory_space<vmem_shared>> -> memref<64x128xf32, #tpu.memory_space<vmem_shared>>
      %dma_wait3A_146 = arith.constant 0 : i32
      %dma_wait3A_147 = tpu.memref_slice %arg12[%add3A_39, %dma_wait3A_146] : memref<10240x128xf32, #tpu.memory_space<vmem_shared>> -> memref<64x128xf32, #tpu.memory_space<vmem_shared>>
      %dma_wait3A_148 = arith.constant 0 : i32
      %dma_wait3A_149 = arith.constant 0 : i32
      %dma_wait3A_150 = tpu.memref_slice %arg9[%dma_wait3A_148, %dma_wait3A_149] : memref<96x128xf32, #tpu.memory_space<vmem>> -> memref<64x128xf32, #tpu.memory_space<vmem>>
      tpu.wait_dma2 semaphore(%run_scoped3A : memref<!tpu.dma_semaphore, #tpu.memory_space<semaphore_mem>>) src(%dma_wait3A_150 : memref<64x128xf32, #tpu.memory_space<vmem>>) dst(%dma_wait3A_147 : memref<64x128xf32, #tpu.memory_space<vmem_shared>>)
      tpu.yield
    }) : () -> ()
    %barrier3A = arith.constant 0 : index
    tpu.barrier barrier_id(%barrier3A)
    %dma_start3A = arith.constant 0 : i32
    %dma_start3A_40 = tpu.memref_slice %arg5[%dma_start3A] : memref<10000xi32, #tpu.memory_space<vmem>> -> memref<96xi32, #tpu.memory_space<vmem>>
    %dma_start3A_41 = arith.constant 0 : i32
    %dma_start3A_42 = arith.constant 0 : i32
    %dma_start3A_43 = tpu.memref_slice %arg2[%dma_start3A_41, %dma_start3A_42] : memref<10240x128xf32, #tpu.memory_space<hbm>> -> memref<10240x128xf32, #tpu.memory_space<hbm>>
    tpu.enqueue_indirect_dma source(%dma_start3A_43 : memref<10240x128xf32, #tpu.memory_space<hbm>>) target(%arg9 : memref<96x128xf32, #tpu.memory_space<vmem>>) offsets(%dma_start3A_40 : memref<96xi32, #tpu.memory_space<vmem>>) semaphore(%arg13 : memref<!tpu.dma_semaphore, #tpu.memory_space<semaphore_mem>>)
    %add3A_44 = arith.constant 0 : i32
    %add3A_45 = arith.addi %add3A_4, %add3A_44 : i32
    %dma_start3A_46 = tpu.memref_slice %arg3[%add3A_45] : memref<640000xi32, #tpu.memory_space<hbm>> -> memref<96xi32, #tpu.memory_space<hbm>>
    %dma_start3A_47 = tpu.memref_slice %arg3[%add3A_45] : memref<640000xi32, #tpu.memory_space<hbm>> -> memref<96xi32, #tpu.memory_space<hbm>>
    tpu.enqueue_dma source(%dma_start3A_47 : memref<96xi32, #tpu.memory_space<hbm>>) target(%arg6 : memref<96xi32, #tpu.memory_space<vmem>>) target_semaphore(%arg15 : memref<!tpu.dma_semaphore, #tpu.memory_space<semaphore_mem>>)
    %dma_start3A_48 = arith.constant 96 : i32
    %dma_start3A_49 = tpu.memref_slice %arg5[%dma_start3A_48] : memref<10000xi32, #tpu.memory_space<vmem>> -> memref<96xi32, #tpu.memory_space<vmem>>
    %dma_start3A_50 = arith.constant 0 : i32
    %dma_start3A_51 = arith.constant 0 : i32
    %dma_start3A_52 = tpu.memref_slice %arg2[%dma_start3A_50, %dma_start3A_51] : memref<10240x128xf32, #tpu.memory_space<hbm>> -> memref<10240x128xf32, #tpu.memory_space<hbm>>
    tpu.enqueue_indirect_dma source(%dma_start3A_52 : memref<10240x128xf32, #tpu.memory_space<hbm>>) target(%arg10 : memref<96x128xf32, #tpu.memory_space<vmem>>) offsets(%dma_start3A_49 : memref<96xi32, #tpu.memory_space<vmem>>) semaphore(%arg14 : memref<!tpu.dma_semaphore, #tpu.memory_space<semaphore_mem>>)
    %add3A_53 = arith.constant 96 : i32
    %add3A_54 = arith.addi %add3A_4, %add3A_53 : i32
    %dma_start3A_55 = tpu.memref_slice %arg3[%add3A_54] : memref<640000xi32, #tpu.memory_space<hbm>> -> memref<96xi32, #tpu.memory_space<hbm>>
    %dma_start3A_56 = tpu.memref_slice %arg3[%add3A_54] : memref<640000xi32, #tpu.memory_space<hbm>> -> memref<96xi32, #tpu.memory_space<hbm>>
    tpu.enqueue_dma source(%dma_start3A_56 : memref<96xi32, #tpu.memory_space<hbm>>) target(%arg7 : memref<96xi32, #tpu.memory_space<vmem>>) target_semaphore(%arg16 : memref<!tpu.dma_semaphore, #tpu.memory_space<semaphore_mem>>)
    %scan3A_57 = arith.constant 0 : i32
    %scan3A_58 = arith.constant 0 : i32
    %scan3A_59 = arith.constant 52 : i32
    %scan3A_60 = arith.addi %scan3A_58, %scan3A_59 : i32
    %scan3A_61 = arith.constant 1 : i32
    scf.for %scan3A_131 = %scan3A_58 to %scan3A_60 step %scan3A_61  : i32 {
      %mul3A_132 = arith.constant 2 : i32
      %mul3A_133 = arith.muli %mul3A_132, %scan3A_131 : i32
      %add3A_134 = arith.constant 2 : i32
      %add3A_135 = arith.addi %mul3A_133, %add3A_134 : i32
      %dma_wait3A_136 = arith.constant 0 : i32
      %dma_wait3A_137 = tpu.memref_slice %arg5[%dma_wait3A_136] : memref<10000xi32, #tpu.memory_space<vmem>> -> memref<96xi32, #tpu.memory_space<vmem>>
      %dma_wait3A_138 = arith.constant 0 : i32
      %dma_wait3A_139 = arith.constant 0 : i32
      %dma_wait3A_140 = tpu.memref_slice %arg2[%dma_wait3A_138, %dma_wait3A_139] : memref<10240x128xf32, #tpu.memory_space<hbm>> -> memref<10240x128xf32, #tpu.memory_space<hbm>>
      tpu.wait_indirect_dma semaphore(%arg13 : memref<!tpu.dma_semaphore, #tpu.memory_space<semaphore_mem>>) src(%dma_wait3A_140 : memref<10240x128xf32, #tpu.memory_space<hbm>>) dst(%arg9 : memref<96x128xf32, #tpu.memory_space<vmem>>)
      %dma_wait3A_141 = arith.constant 0 : i32
      %dma_wait3A_142 = tpu.memref_slice %arg3[%dma_wait3A_141] : memref<640000xi32, #tpu.memory_space<hbm>> -> memref<96xi32, #tpu.memory_space<hbm>>
      %dma_wait3A_143 = arith.constant 0 : i32
      %dma_wait3A_144 = tpu.memref_slice %arg3[%dma_wait3A_143] : memref<640000xi32, #tpu.memory_space<hbm>> -> memref<96xi32, #tpu.memory_space<hbm>>
      tpu.wait_dma2 semaphore(%arg15 : memref<!tpu.dma_semaphore, #tpu.memory_space<semaphore_mem>>) src(%dma_wait3A_144 : memref<96xi32, #tpu.memory_space<hbm>>) dst(%arg6 : memref<96xi32, #tpu.memory_space<vmem>>)
      "tpu.region"() ({
        %run_scoped3A = tpu.sem_alloc : memref<!tpu.dma_semaphore, #tpu.memory_space<semaphore_mem>>
        %dma_start3A_165 = arith.constant 0 : i32
        %dma_start3A_166 = arith.constant 0 : i32
        %dma_start3A_167 = tpu.memref_slice %arg12[%dma_start3A_165, %dma_start3A_166] : memref<10240x128xf32, #tpu.memory_space<vmem_shared>> -> memref<10240x128xf32, #tpu.memory_space<vmem_shared>>
        tpu.enqueue_indirect_dma source(%arg9 : memref<96x128xf32, #tpu.memory_space<vmem>>) target(%dma_start3A_167 : memref<10240x128xf32, #tpu.memory_space<vmem_shared>>) offsets(%arg6 : memref<96xi32, #tpu.memory_space<vmem>>) semaphore(%run_scoped3A : memref<!tpu.dma_semaphore, #tpu.memory_space<semaphore_mem>>) {add = true}
        %dma_wait3A_168 = arith.constant 0 : i32
        %dma_wait3A_169 = arith.constant 0 : i32
        %dma_wait3A_170 = tpu.memref_slice %arg12[%dma_wait3A_168, %dma_wait3A_169] : memref<10240x128xf32, #tpu.memory_space<vmem_shared>> -> memref<10240x128xf32, #tpu.memory_space<vmem_shared>>
        tpu.wait_indirect_dma semaphore(%run_scoped3A : memref<!tpu.dma_semaphore, #tpu.memory_space<semaphore_mem>>) src(%arg9 : memref<96x128xf32, #tpu.memory_space<vmem>>) dst(%dma_wait3A_170 : memref<10240x128xf32, #tpu.memory_space<vmem_shared>>)
        tpu.yield
      }) : () -> ()
      %lt3A = arith.constant 104 : i32
      %lt3A_145 = arith.cmpi slt, %add3A_135, %lt3A : i32
      %convert_element_type3A = arith.extui %lt3A_145 : i1 to i32
      %cond3A = arith.constant 0 : i32
      %cond3A_146 = arith.cmpi ne, %convert_element_type3A, %cond3A : i32
      scf.if %cond3A_146 {
        %mul3A_165 = arith.constant 96 : i32
        %mul3A_166 = arith.muli %add3A_135, %mul3A_165 : i32
        %dma_start3A_167 = tpu.memref_slice %arg5[%mul3A_166] : memref<10000xi32, #tpu.memory_space<vmem>> -> memref<96xi32, #tpu.memory_space<vmem>>
        %dma_start3A_168 = arith.constant 0 : i32
        %dma_start3A_169 = arith.constant 0 : i32
        %dma_start3A_170 = tpu.memref_slice %arg2[%dma_start3A_168, %dma_start3A_169] : memref<10240x128xf32, #tpu.memory_space<hbm>> -> memref<10240x128xf32, #tpu.memory_space<hbm>>
        tpu.enqueue_indirect_dma source(%dma_start3A_170 : memref<10240x128xf32, #tpu.memory_space<hbm>>) target(%arg9 : memref<96x128xf32, #tpu.memory_space<vmem>>) offsets(%dma_start3A_167 : memref<96xi32, #tpu.memory_space<vmem>>) semaphore(%arg13 : memref<!tpu.dma_semaphore, #tpu.memory_space<semaphore_mem>>)
        %mul3A_171 = arith.constant 96 : i32
        %mul3A_172 = arith.muli %add3A_135, %mul3A_171 : i32
        %add3A_173 = arith.addi %add3A_4, %mul3A_172 : i32
        %dma_start3A_174 = tpu.memref_slice %arg3[%add3A_173] : memref<640000xi32, #tpu.memory_space<hbm>> -> memref<96xi32, #tpu.memory_space<hbm>>
        %dma_start3A_175 = tpu.memref_slice %arg3[%add3A_173] : memref<640000xi32, #tpu.memory_space<hbm>> -> memref<96xi32, #tpu.memory_space<hbm>>
        tpu.enqueue_dma source(%dma_start3A_175 : memref<96xi32, #tpu.memory_space<hbm>>) target(%arg6 : memref<96xi32, #tpu.memory_space<vmem>>) target_semaphore(%arg15 : memref<!tpu.dma_semaphore, #tpu.memory_space<semaphore_mem>>)
      } else {
      }
      %add3A_147 = arith.constant 1 : i32
      %add3A_148 = arith.addi %mul3A_133, %add3A_147 : i32
      %add3A_149 = arith.constant 3 : i32
      %add3A_150 = arith.addi %mul3A_133, %add3A_149 : i32
      %dma_wait3A_151 = arith.constant 0 : i32
      %dma_wait3A_152 = tpu.memref_slice %arg5[%dma_wait3A_151] : memref<10000xi32, #tpu.memory_space<vmem>> -> memref<96xi32, #tpu.memory_space<vmem>>
      %dma_wait3A_153 = arith.constant 0 : i32
      %dma_wait3A_154 = arith.constant 0 : i32
      %dma_wait3A_155 = tpu.memref_slice %arg2[%dma_wait3A_153, %dma_wait3A_154] : memref<10240x128xf32, #tpu.memory_space<hbm>> -> memref<10240x128xf32, #tpu.memory_space<hbm>>
      tpu.wait_indirect_dma semaphore(%arg14 : memref<!tpu.dma_semaphore, #tpu.memory_space<semaphore_mem>>) src(%dma_wait3A_155 : memref<10240x128xf32, #tpu.memory_space<hbm>>) dst(%arg10 : memref<96x128xf32, #tpu.memory_space<vmem>>)
      %dma_wait3A_156 = arith.constant 0 : i32
      %dma_wait3A_157 = tpu.memref_slice %arg3[%dma_wait3A_156] : memref<640000xi32, #tpu.memory_space<hbm>> -> memref<96xi32, #tpu.memory_space<hbm>>
      %dma_wait3A_158 = arith.constant 0 : i32
      %dma_wait3A_159 = tpu.memref_slice %arg3[%dma_wait3A_158] : memref<640000xi32, #tpu.memory_space<hbm>> -> memref<96xi32, #tpu.memory_space<hbm>>
      tpu.wait_dma2 semaphore(%arg16 : memref<!tpu.dma_semaphore, #tpu.memory_space<semaphore_mem>>) src(%dma_wait3A_159 : memref<96xi32, #tpu.memory_space<hbm>>) dst(%arg7 : memref<96xi32, #tpu.memory_space<vmem>>)
      "tpu.region"() ({
        %run_scoped3A = tpu.sem_alloc : memref<!tpu.dma_semaphore, #tpu.memory_space<semaphore_mem>>
        %dma_start3A_165 = arith.constant 0 : i32
        %dma_start3A_166 = arith.constant 0 : i32
        %dma_start3A_167 = tpu.memref_slice %arg12[%dma_start3A_165, %dma_start3A_166] : memref<10240x128xf32, #tpu.memory_space<vmem_shared>> -> memref<10240x128xf32, #tpu.memory_space<vmem_shared>>
        tpu.enqueue_indirect_dma source(%arg10 : memref<96x128xf32, #tpu.memory_space<vmem>>) target(%dma_start3A_167 : memref<10240x128xf32, #tpu.memory_space<vmem_shared>>) offsets(%arg7 : memref<96xi32, #tpu.memory_space<vmem>>) semaphore(%run_scoped3A : memref<!tpu.dma_semaphore, #tpu.memory_space<semaphore_mem>>) {add = true}
        %dma_wait3A_168 = arith.constant 0 : i32
        %dma_wait3A_169 = arith.constant 0 : i32
        %dma_wait3A_170 = tpu.memref_slice %arg12[%dma_wait3A_168, %dma_wait3A_169] : memref<10240x128xf32, #tpu.memory_space<vmem_shared>> -> memref<10240x128xf32, #tpu.memory_space<vmem_shared>>
        tpu.wait_indirect_dma semaphore(%run_scoped3A : memref<!tpu.dma_semaphore, #tpu.memory_space<semaphore_mem>>) src(%arg10 : memref<96x128xf32, #tpu.memory_space<vmem>>) dst(%dma_wait3A_170 : memref<10240x128xf32, #tpu.memory_space<vmem_shared>>)
        tpu.yield
      }) : () -> ()
      %lt3A_160 = arith.constant 104 : i32
      %lt3A_161 = arith.cmpi slt, %add3A_150, %lt3A_160 : i32
      %convert_element_type3A_162 = arith.extui %lt3A_161 : i1 to i32
      %cond3A_163 = arith.constant 0 : i32
      %cond3A_164 = arith.cmpi ne, %convert_element_type3A_162, %cond3A_163 : i32
      scf.if %cond3A_164 {
        %mul3A_165 = arith.constant 96 : i32
        %mul3A_166 = arith.muli %add3A_150, %mul3A_165 : i32
        %dma_start3A_167 = tpu.memref_slice %arg5[%mul3A_166] : memref<10000xi32, #tpu.memory_space<vmem>> -> memref<96xi32, #tpu.memory_space<vmem>>
        %dma_start3A_168 = arith.constant 0 : i32
        %dma_start3A_169 = arith.constant 0 : i32
        %dma_start3A_170 = tpu.memref_slice %arg2[%dma_start3A_168, %dma_start3A_169] : memref<10240x128xf32, #tpu.memory_space<hbm>> -> memref<10240x128xf32, #tpu.memory_space<hbm>>
        tpu.enqueue_indirect_dma source(%dma_start3A_170 : memref<10240x128xf32, #tpu.memory_space<hbm>>) target(%arg10 : memref<96x128xf32, #tpu.memory_space<vmem>>) offsets(%dma_start3A_167 : memref<96xi32, #tpu.memory_space<vmem>>) semaphore(%arg14 : memref<!tpu.dma_semaphore, #tpu.memory_space<semaphore_mem>>)
        %mul3A_171 = arith.constant 96 : i32
        %mul3A_172 = arith.muli %add3A_150, %mul3A_171 : i32
        %add3A_173 = arith.addi %add3A_4, %mul3A_172 : i32
        %dma_start3A_174 = tpu.memref_slice %arg3[%add3A_173] : memref<640000xi32, #tpu.memory_space<hbm>> -> memref<96xi32, #tpu.memory_space<hbm>>
        %dma_start3A_175 = tpu.memref_slice %arg3[%add3A_173] : memref<640000xi32, #tpu.memory_space<hbm>> -> memref<96xi32, #tpu.memory_space<hbm>>
        tpu.enqueue_dma source(%dma_start3A_175 : memref<96xi32, #tpu.memory_space<hbm>>) target(%arg7 : memref<96xi32, #tpu.memory_space<vmem>>) target_semaphore(%arg16 : memref<!tpu.dma_semaphore, #tpu.memory_space<semaphore_mem>>)
      } else {
      }
    }
    %scan3A_62 = arith.constant 52 : i32
    %dma_start3A_63 = arith.constant 9984 : i32
    %dma_start3A_64 = tpu.memref_slice %arg5[%dma_start3A_63] : memref<10000xi32, #tpu.memory_space<vmem>> -> memref<16xi32, #tpu.memory_space<vmem>>
    %dma_start3A_65 = arith.constant 0 : i32
    %dma_start3A_66 = arith.constant 0 : i32
    %dma_start3A_67 = tpu.memref_slice %arg2[%dma_start3A_65, %dma_start3A_66] : memref<10240x128xf32, #tpu.memory_space<hbm>> -> memref<10240x128xf32, #tpu.memory_space<hbm>>
    tpu.enqueue_indirect_dma source(%dma_start3A_67 : memref<10240x128xf32, #tpu.memory_space<hbm>>) target(%arg11 : memref<16x128xf32, #tpu.memory_space<vmem>>) offsets(%dma_start3A_64 : memref<16xi32, #tpu.memory_space<vmem>>) semaphore(%arg13 : memref<!tpu.dma_semaphore, #tpu.memory_space<semaphore_mem>>)
    %add3A_68 = arith.constant 9984 : i32
    %add3A_69 = arith.addi %add3A_4, %add3A_68 : i32
    "tpu.region"() ({
      %run_scoped3A = tpu.sem_alloc : memref<!tpu.dma_semaphore, #tpu.memory_space<semaphore_mem>>
      %dma_start3A_131 = tpu.memref_slice %arg3[%add3A_69] : memref<640000xi32, #tpu.memory_space<hbm>> -> memref<16xi32, #tpu.memory_space<hbm>>
      %dma_start3A_132 = tpu.memref_slice %arg3[%add3A_69] : memref<640000xi32, #tpu.memory_space<hbm>> -> memref<16xi32, #tpu.memory_space<hbm>>
      tpu.enqueue_dma source(%dma_start3A_132 : memref<16xi32, #tpu.memory_space<hbm>>) target(%arg8 : memref<16xi32, #tpu.memory_space<vmem>>) target_semaphore(%run_scoped3A : memref<!tpu.dma_semaphore, #tpu.memory_space<semaphore_mem>>)
      %dma_wait3A_133 = tpu.memref_slice %arg3[%add3A_69] : memref<640000xi32, #tpu.memory_space<hbm>> -> memref<16xi32, #tpu.memory_space<hbm>>
      %dma_wait3A_134 = tpu.memref_slice %arg3[%add3A_69] : memref<640000xi32, #tpu.memory_space<hbm>> -> memref<16xi32, #tpu.memory_space<hbm>>
      tpu.wait_dma2 semaphore(%run_scoped3A : memref<!tpu.dma_semaphore, #tpu.memory_space<semaphore_mem>>) src(%dma_wait3A_134 : memref<16xi32, #tpu.memory_space<hbm>>) dst(%arg8 : memref<16xi32, #tpu.memory_space<vmem>>)
      tpu.yield
    }) : () -> ()
    %dma_wait3A = arith.constant 0 : i32
    %dma_wait3A_70 = tpu.memref_slice %arg5[%dma_wait3A] : memref<10000xi32, #tpu.memory_space<vmem>> -> memref<16xi32, #tpu.memory_space<vmem>>
    %dma_wait3A_71 = arith.constant 0 : i32
    %dma_wait3A_72 = arith.constant 0 : i32
    %dma_wait3A_73 = tpu.memref_slice %arg2[%dma_wait3A_71, %dma_wait3A_72] : memref<10240x128xf32, #tpu.memory_space<hbm>> -> memref<10240x128xf32, #tpu.memory_space<hbm>>
    tpu.wait_indirect_dma semaphore(%arg13 : memref<!tpu.dma_semaphore, #tpu.memory_space<semaphore_mem>>) src(%dma_wait3A_73 : memref<10240x128xf32, #tpu.memory_space<hbm>>) dst(%arg11 : memref<16x128xf32, #tpu.memory_space<vmem>>)
    "tpu.region"() ({
      %run_scoped3A = tpu.sem_alloc : memref<!tpu.dma_semaphore, #tpu.memory_space<semaphore_mem>>
      %dma_start3A_131 = arith.constant 0 : i32
      %dma_start3A_132 = arith.constant 0 : i32
      %dma_start3A_133 = tpu.memref_slice %arg12[%dma_start3A_131, %dma_start3A_132] : memref<10240x128xf32, #tpu.memory_space<vmem_shared>> -> memref<10240x128xf32, #tpu.memory_space<vmem_shared>>
      tpu.enqueue_indirect_dma source(%arg11 : memref<16x128xf32, #tpu.memory_space<vmem>>) target(%dma_start3A_133 : memref<10240x128xf32, #tpu.memory_space<vmem_shared>>) offsets(%arg8 : memref<16xi32, #tpu.memory_space<vmem>>) semaphore(%run_scoped3A : memref<!tpu.dma_semaphore, #tpu.memory_space<semaphore_mem>>) {add = true}
      %dma_wait3A_134 = arith.constant 0 : i32
      %dma_wait3A_135 = arith.constant 0 : i32
      %dma_wait3A_136 = tpu.memref_slice %arg12[%dma_wait3A_134, %dma_wait3A_135] : memref<10240x128xf32, #tpu.memory_space<vmem_shared>> -> memref<10240x128xf32, #tpu.memory_space<vmem_shared>>
      tpu.wait_indirect_dma semaphore(%run_scoped3A : memref<!tpu.dma_semaphore, #tpu.memory_space<semaphore_mem>>) src(%arg11 : memref<16x128xf32, #tpu.memory_space<vmem>>) dst(%dma_wait3A_136 : memref<10240x128xf32, #tpu.memory_space<vmem_shared>>)
      tpu.yield
    }) : () -> ()
    %barrier3A_74 = arith.constant 0 : index
    tpu.barrier barrier_id(%barrier3A_74)
    %mul3A_75 = arith.constant 640 : i32
    %mul3A_76 = arith.muli %arg1, %mul3A_75 : i32
    %add3A_77 = arith.constant 0 : i32
    %add3A_78 = arith.addi %mul3A_76, %add3A_77 : i32
    "tpu.region"() ({
      %run_scoped3A = tpu.sem_alloc : memref<!tpu.dma_semaphore, #tpu.memory_space<semaphore_mem>>
      %dma_start3A_131 = arith.constant 0 : i32
      %dma_start3A_132 = arith.constant 0 : i32
      %dma_start3A_133 = tpu.memref_slice %arg9[%dma_start3A_131, %dma_start3A_132] : memref<96x128xf32, #tpu.memory_space<vmem>> -> memref<96x128xf32, #tpu.memory_space<vmem>>
      %dma_start3A_134 = arith.constant 0 : i32
      %dma_start3A_135 = tpu.memref_slice %arg12[%add3A_78, %dma_start3A_134] : memref<10240x128xf32, #tpu.memory_space<vmem_shared>> -> memref<96x128xf32, #tpu.memory_space<vmem_shared>>
      %dma_start3A_136 = arith.constant 0 : i32
      %dma_start3A_137 = arith.constant 0 : i32
      %dma_start3A_138 = tpu.memref_slice %arg9[%dma_start3A_136, %dma_start3A_137] : memref<96x128xf32, #tpu.memory_space<vmem>> -> memref<96x128xf32, #tpu.memory_space<vmem>>
      %dma_start3A_139 = arith.constant 0 : i32
      %dma_start3A_140 = tpu.memref_slice %arg12[%add3A_78, %dma_start3A_139] : memref<10240x128xf32, #tpu.memory_space<vmem_shared>> -> memref<96x128xf32, #tpu.memory_space<vmem_shared>>
      tpu.enqueue_dma source(%dma_start3A_140 : memref<96x128xf32, #tpu.memory_space<vmem_shared>>) target(%dma_start3A_138 : memref<96x128xf32, #tpu.memory_space<vmem>>) target_semaphore(%run_scoped3A : memref<!tpu.dma_semaphore, #tpu.memory_space<semaphore_mem>>)
      %dma_wait3A_141 = arith.constant 0 : i32
      %dma_wait3A_142 = arith.constant 0 : i32
      %dma_wait3A_143 = tpu.memref_slice %arg9[%dma_wait3A_141, %dma_wait3A_142] : memref<96x128xf32, #tpu.memory_space<vmem>> -> memref<96x128xf32, #tpu.memory_space<vmem>>
      %dma_wait3A_144 = arith.constant 0 : i32
      %dma_wait3A_145 = tpu.memref_slice %arg12[%add3A_78, %dma_wait3A_144] : memref<10240x128xf32, #tpu.memory_space<vmem_shared>> -> memref<96x128xf32, #tpu.memory_space<vmem_shared>>
      %dma_wait3A_146 = arith.constant 0 : i32
      %dma_wait3A_147 = arith.constant 0 : i32
      %dma_wait3A_148 = tpu.memref_slice %arg9[%dma_wait3A_146, %dma_wait3A_147] : memref<96x128xf32, #tpu.memory_space<vmem>> -> memref<96x128xf32, #tpu.memory_space<vmem>>
      %dma_wait3A_149 = arith.constant 0 : i32
      %dma_wait3A_150 = tpu.memref_slice %arg12[%add3A_78, %dma_wait3A_149] : memref<10240x128xf32, #tpu.memory_space<vmem_shared>> -> memref<96x128xf32, #tpu.memory_space<vmem_shared>>
      tpu.wait_dma2 semaphore(%run_scoped3A : memref<!tpu.dma_semaphore, #tpu.memory_space<semaphore_mem>>) src(%dma_wait3A_150 : memref<96x128xf32, #tpu.memory_space<vmem_shared>>) dst(%dma_wait3A_148 : memref<96x128xf32, #tpu.memory_space<vmem>>)
      tpu.yield
    }) : () -> ()
    %mul3A_79 = arith.constant 640 : i32
    %mul3A_80 = arith.muli %arg1, %mul3A_79 : i32
    %add3A_81 = arith.constant 0 : i32
    %add3A_82 = arith.addi %mul3A_80, %add3A_81 : i32
    "tpu.region"() ({
      %run_scoped3A = tpu.sem_alloc : memref<!tpu.dma_semaphore, #tpu.memory_space<semaphore_mem>>
      %dma_start3A_131 = arith.constant 0 : i32
      %dma_start3A_132 = arith.constant 0 : i32
      %dma_start3A_133 = tpu.memref_slice %arg9[%dma_start3A_131, %dma_start3A_132] : memref<96x128xf32, #tpu.memory_space<vmem>> -> memref<96x128xf32, #tpu.memory_space<vmem>>
      %dma_start3A_134 = arith.constant 0 : i32
      %dma_start3A_135 = tpu.memref_slice %arg4[%arg0, %add3A_82, %dma_start3A_134] : memref<2x10240x128xf32, #tpu.memory_space<hbm>> -> memref<1x96x128xf32, #tpu.memory_space<hbm>>
      %dma_start3A_136 = tpu.memref_squeeze %dma_start3A_135 : memref<1x96x128xf32, #tpu.memory_space<hbm>> -> memref<96x128xf32, #tpu.memory_space<hbm>>
      %dma_start3A_137 = arith.constant 0 : i32
      %dma_start3A_138 = tpu.memref_slice %arg4[%arg0, %add3A_82, %dma_start3A_137] : memref<2x10240x128xf32, #tpu.memory_space<hbm>> -> memref<1x96x128xf32, #tpu.memory_space<hbm>>
      %dma_start3A_139 = tpu.memref_squeeze %dma_start3A_138 : memref<1x96x128xf32, #tpu.memory_space<hbm>> -> memref<96x128xf32, #tpu.memory_space<hbm>>
      %dma_start3A_140 = arith.constant 0 : i32
      %dma_start3A_141 = arith.constant 0 : i32
      %dma_start3A_142 = tpu.memref_slice %arg9[%dma_start3A_140, %dma_start3A_141] : memref<96x128xf32, #tpu.memory_space<vmem>> -> memref<96x128xf32, #tpu.memory_space<vmem>>
      tpu.enqueue_dma source(%dma_start3A_142 : memref<96x128xf32, #tpu.memory_space<vmem>>) target(%dma_start3A_139 : memref<96x128xf32, #tpu.memory_space<hbm>>) target_semaphore(%run_scoped3A : memref<!tpu.dma_semaphore, #tpu.memory_space<semaphore_mem>>)
      %dma_wait3A_143 = arith.constant 0 : i32
      %dma_wait3A_144 = arith.constant 0 : i32
      %dma_wait3A_145 = tpu.memref_slice %arg9[%dma_wait3A_143, %dma_wait3A_144] : memref<96x128xf32, #tpu.memory_space<vmem>> -> memref<96x128xf32, #tpu.memory_space<vmem>>
      %dma_wait3A_146 = arith.constant 0 : i32
      %dma_wait3A_147 = tpu.memref_slice %arg4[%arg0, %add3A_82, %dma_wait3A_146] : memref<2x10240x128xf32, #tpu.memory_space<hbm>> -> memref<1x96x128xf32, #tpu.memory_space<hbm>>
      %dma_wait3A_148 = tpu.memref_squeeze %dma_wait3A_147 : memref<1x96x128xf32, #tpu.memory_space<hbm>> -> memref<96x128xf32, #tpu.memory_space<hbm>>
      %dma_wait3A_149 = arith.constant 0 : i32
      %dma_wait3A_150 = tpu.memref_slice %arg4[%arg0, %add3A_82, %dma_wait3A_149] : memref<2x10240x128xf32, #tpu.memory_space<hbm>> -> memref<1x96x128xf32, #tpu.memory_space<hbm>>
      %dma_wait3A_151 = tpu.memref_squeeze %dma_wait3A_150 : memref<1x96x128xf32, #tpu.memory_space<hbm>> -> memref<96x128xf32, #tpu.memory_space<hbm>>
      %dma_wait3A_152 = arith.constant 0 : i32
      %dma_wait3A_153 = arith.constant 0 : i32
      %dma_wait3A_154 = tpu.memref_slice %arg9[%dma_wait3A_152, %dma_wait3A_153] : memref<96x128xf32, #tpu.memory_space<vmem>> -> memref<96x128xf32, #tpu.memory_space<vmem>>
      tpu.wait_dma2 semaphore(%run_scoped3A : memref<!tpu.dma_semaphore, #tpu.memory_space<semaphore_mem>>) src(%dma_wait3A_154 : memref<96x128xf32, #tpu.memory_space<vmem>>) dst(%dma_wait3A_151 : memref<96x128xf32, #tpu.memory_space<hbm>>)
      tpu.yield
    }) : () -> ()
    %mul3A_83 = arith.constant 640 : i32
    %mul3A_84 = arith.muli %arg1, %mul3A_83 : i32
    %add3A_85 = arith.constant 96 : i32
    %add3A_86 = arith.addi %mul3A_84, %add3A_85 : i32
    "tpu.region"() ({
      %run_scoped3A = tpu.sem_alloc : memref<!tpu.dma_semaphore, #tpu.memory_space<semaphore_mem>>
      %dma_start3A_131 = arith.constant 0 : i32
      %dma_start3A_132 = arith.constant 0 : i32
      %dma_start3A_133 = tpu.memref_slice %arg9[%dma_start3A_131, %dma_start3A_132] : memref<96x128xf32, #tpu.memory_space<vmem>> -> memref<96x128xf32, #tpu.memory_space<vmem>>
      %dma_start3A_134 = arith.constant 0 : i32
      %dma_start3A_135 = tpu.memref_slice %arg12[%add3A_86, %dma_start3A_134] : memref<10240x128xf32, #tpu.memory_space<vmem_shared>> -> memref<96x128xf32, #tpu.memory_space<vmem_shared>>
      %dma_start3A_136 = arith.constant 0 : i32
      %dma_start3A_137 = arith.constant 0 : i32
      %dma_start3A_138 = tpu.memref_slice %arg9[%dma_start3A_136, %dma_start3A_137] : memref<96x128xf32, #tpu.memory_space<vmem>> -> memref<96x128xf32, #tpu.memory_space<vmem>>
      %dma_start3A_139 = arith.constant 0 : i32
      %dma_start3A_140 = tpu.memref_slice %arg12[%add3A_86, %dma_start3A_139] : memref<10240x128xf32, #tpu.memory_space<vmem_shared>> -> memref<96x128xf32, #tpu.memory_space<vmem_shared>>
      tpu.enqueue_dma source(%dma_start3A_140 : memref<96x128xf32, #tpu.memory_space<vmem_shared>>) target(%dma_start3A_138 : memref<96x128xf32, #tpu.memory_space<vmem>>) target_semaphore(%run_scoped3A : memref<!tpu.dma_semaphore, #tpu.memory_space<semaphore_mem>>)
      %dma_wait3A_141 = arith.constant 0 : i32
      %dma_wait3A_142 = arith.constant 0 : i32
      %dma_wait3A_143 = tpu.memref_slice %arg9[%dma_wait3A_141, %dma_wait3A_142] : memref<96x128xf32, #tpu.memory_space<vmem>> -> memref<96x128xf32, #tpu.memory_space<vmem>>
      %dma_wait3A_144 = arith.constant 0 : i32
      %dma_wait3A_145 = tpu.memref_slice %arg12[%add3A_86, %dma_wait3A_144] : memref<10240x128xf32, #tpu.memory_space<vmem_shared>> -> memref<96x128xf32, #tpu.memory_space<vmem_shared>>
      %dma_wait3A_146 = arith.constant 0 : i32
      %dma_wait3A_147 = arith.constant 0 : i32
      %dma_wait3A_148 = tpu.memref_slice %arg9[%dma_wait3A_146, %dma_wait3A_147] : memref<96x128xf32, #tpu.memory_space<vmem>> -> memref<96x128xf32, #tpu.memory_space<vmem>>
      %dma_wait3A_149 = arith.constant 0 : i32
      %dma_wait3A_150 = tpu.memref_slice %arg12[%add3A_86, %dma_wait3A_149] : memref<10240x128xf32, #tpu.memory_space<vmem_shared>> -> memref<96x128xf32, #tpu.memory_space<vmem_shared>>
      tpu.wait_dma2 semaphore(%run_scoped3A : memref<!tpu.dma_semaphore, #tpu.memory_space<semaphore_mem>>) src(%dma_wait3A_150 : memref<96x128xf32, #tpu.memory_space<vmem_shared>>) dst(%dma_wait3A_148 : memref<96x128xf32, #tpu.memory_space<vmem>>)
      tpu.yield
    }) : () -> ()
    %mul3A_87 = arith.constant 640 : i32
    %mul3A_88 = arith.muli %arg1, %mul3A_87 : i32
    %add3A_89 = arith.constant 96 : i32
    %add3A_90 = arith.addi %mul3A_88, %add3A_89 : i32
    "tpu.region"() ({
      %run_scoped3A = tpu.sem_alloc : memref<!tpu.dma_semaphore, #tpu.memory_space<semaphore_mem>>
      %dma_start3A_131 = arith.constant 0 : i32
      %dma_start3A_132 = arith.constant 0 : i32
      %dma_start3A_133 = tpu.memref_slice %arg9[%dma_start3A_131, %dma_start3A_132] : memref<96x128xf32, #tpu.memory_space<vmem>> -> memref<96x128xf32, #tpu.memory_space<vmem>>
      %dma_start3A_134 = arith.constant 0 : i32
      %dma_start3A_135 = tpu.memref_slice %arg4[%arg0, %add3A_90, %dma_start3A_134] : memref<2x10240x128xf32, #tpu.memory_space<hbm>> -> memref<1x96x128xf32, #tpu.memory_space<hbm>>
      %dma_start3A_136 = tpu.memref_squeeze %dma_start3A_135 : memref<1x96x128xf32, #tpu.memory_space<hbm>> -> memref<96x128xf32, #tpu.memory_space<hbm>>
      %dma_start3A_137 = arith.constant 0 : i32
      %dma_start3A_138 = tpu.memref_slice %arg4[%arg0, %add3A_90, %dma_start3A_137] : memref<2x10240x128xf32, #tpu.memory_space<hbm>> -> memref<1x96x128xf32, #tpu.memory_space<hbm>>
      %dma_start3A_139 = tpu.memref_squeeze %dma_start3A_138 : memref<1x96x128xf32, #tpu.memory_space<hbm>> -> memref<96x128xf32, #tpu.memory_space<hbm>>
      %dma_start3A_140 = arith.constant 0 : i32
      %dma_start3A_141 = arith.constant 0 : i32
      %dma_start3A_142 = tpu.memref_slice %arg9[%dma_start3A_140, %dma_start3A_141] : memref<96x128xf32, #tpu.memory_space<vmem>> -> memref<96x128xf32, #tpu.memory_space<vmem>>
      tpu.enqueue_dma source(%dma_start3A_142 : memref<96x128xf32, #tpu.memory_space<vmem>>) target(%dma_start3A_139 : memref<96x128xf32, #tpu.memory_space<hbm>>) target_semaphore(%run_scoped3A : memref<!tpu.dma_semaphore, #tpu.memory_space<semaphore_mem>>)
      %dma_wait3A_143 = arith.constant 0 : i32
      %dma_wait3A_144 = arith.constant 0 : i32
      %dma_wait3A_145 = tpu.memref_slice %arg9[%dma_wait3A_143, %dma_wait3A_144] : memref<96x128xf32, #tpu.memory_space<vmem>> -> memref<96x128xf32, #tpu.memory_space<vmem>>
      %dma_wait3A_146 = arith.constant 0 : i32
      %dma_wait3A_147 = tpu.memref_slice %arg4[%arg0, %add3A_90, %dma_wait3A_146] : memref<2x10240x128xf32, #tpu.memory_space<hbm>> -> memref<1x96x128xf32, #tpu.memory_space<hbm>>
      %dma_wait3A_148 = tpu.memref_squeeze %dma_wait3A_147 : memref<1x96x128xf32, #tpu.memory_space<hbm>> -> memref<96x128xf32, #tpu.memory_space<hbm>>
      %dma_wait3A_149 = arith.constant 0 : i32
      %dma_wait3A_150 = tpu.memref_slice %arg4[%arg0, %add3A_90, %dma_wait3A_149] : memref<2x10240x128xf32, #tpu.memory_space<hbm>> -> memref<1x96x128xf32, #tpu.memory_space<hbm>>
      %dma_wait3A_151 = tpu.memref_squeeze %dma_wait3A_150 : memref<1x96x128xf32, #tpu.memory_space<hbm>> -> memref<96x128xf32, #tpu.memory_space<hbm>>
      %dma_wait3A_152 = arith.constant 0 : i32
      %dma_wait3A_153 = arith.constant 0 : i32
      %dma_wait3A_154 = tpu.memref_slice %arg9[%dma_wait3A_152, %dma_wait3A_153] : memref<96x128xf32, #tpu.memory_space<vmem>> -> memref<96x128xf32, #tpu.memory_space<vmem>>
      tpu.wait_dma2 semaphore(%run_scoped3A : memref<!tpu.dma_semaphore, #tpu.memory_space<semaphore_mem>>) src(%dma_wait3A_154 : memref<96x128xf32, #tpu.memory_space<vmem>>) dst(%dma_wait3A_151 : memref<96x128xf32, #tpu.memory_space<hbm>>)
      tpu.yield
    }) : () -> ()
    %mul3A_91 = arith.constant 640 : i32
    %mul3A_92 = arith.muli %arg1, %mul3A_91 : i32
    %add3A_93 = arith.constant 192 : i32
    %add3A_94 = arith.addi %mul3A_92, %add3A_93 : i32
    "tpu.region"() ({
      %run_scoped3A = tpu.sem_alloc : memref<!tpu.dma_semaphore, #tpu.memory_space<semaphore_mem>>
      %dma_start3A_131 = arith.constant 0 : i32
      %dma_start3A_132 = arith.constant 0 : i32
      %dma_start3A_133 = tpu.memref_slice %arg9[%dma_start3A_131, %dma_start3A_132] : memref<96x128xf32, #tpu.memory_space<vmem>> -> memref<96x128xf32, #tpu.memory_space<vmem>>
      %dma_start3A_134 = arith.constant 0 : i32
      %dma_start3A_135 = tpu.memref_slice %arg12[%add3A_94, %dma_start3A_134] : memref<10240x128xf32, #tpu.memory_space<vmem_shared>> -> memref<96x128xf32, #tpu.memory_space<vmem_shared>>
      %dma_start3A_136 = arith.constant 0 : i32
      %dma_start3A_137 = arith.constant 0 : i32
      %dma_start3A_138 = tpu.memref_slice %arg9[%dma_start3A_136, %dma_start3A_137] : memref<96x128xf32, #tpu.memory_space<vmem>> -> memref<96x128xf32, #tpu.memory_space<vmem>>
      %dma_start3A_139 = arith.constant 0 : i32
      %dma_start3A_140 = tpu.memref_slice %arg12[%add3A_94, %dma_start3A_139] : memref<10240x128xf32, #tpu.memory_space<vmem_shared>> -> memref<96x128xf32, #tpu.memory_space<vmem_shared>>
      tpu.enqueue_dma source(%dma_start3A_140 : memref<96x128xf32, #tpu.memory_space<vmem_shared>>) target(%dma_start3A_138 : memref<96x128xf32, #tpu.memory_space<vmem>>) target_semaphore(%run_scoped3A : memref<!tpu.dma_semaphore, #tpu.memory_space<semaphore_mem>>)
      %dma_wait3A_141 = arith.constant 0 : i32
      %dma_wait3A_142 = arith.constant 0 : i32
      %dma_wait3A_143 = tpu.memref_slice %arg9[%dma_wait3A_141, %dma_wait3A_142] : memref<96x128xf32, #tpu.memory_space<vmem>> -> memref<96x128xf32, #tpu.memory_space<vmem>>
      %dma_wait3A_144 = arith.constant 0 : i32
      %dma_wait3A_145 = tpu.memref_slice %arg12[%add3A_94, %dma_wait3A_144] : memref<10240x128xf32, #tpu.memory_space<vmem_shared>> -> memref<96x128xf32, #tpu.memory_space<vmem_shared>>
      %dma_wait3A_146 = arith.constant 0 : i32
      %dma_wait3A_147 = arith.constant 0 : i32
      %dma_wait3A_148 = tpu.memref_slice %arg9[%dma_wait3A_146, %dma_wait3A_147] : memref<96x128xf32, #tpu.memory_space<vmem>> -> memref<96x128xf32, #tpu.memory_space<vmem>>
      %dma_wait3A_149 = arith.constant 0 : i32
      %dma_wait3A_150 = tpu.memref_slice %arg12[%add3A_94, %dma_wait3A_149] : memref<10240x128xf32, #tpu.memory_space<vmem_shared>> -> memref<96x128xf32, #tpu.memory_space<vmem_shared>>
      tpu.wait_dma2 semaphore(%run_scoped3A : memref<!tpu.dma_semaphore, #tpu.memory_space<semaphore_mem>>) src(%dma_wait3A_150 : memref<96x128xf32, #tpu.memory_space<vmem_shared>>) dst(%dma_wait3A_148 : memref<96x128xf32, #tpu.memory_space<vmem>>)
      tpu.yield
    }) : () -> ()
    %mul3A_95 = arith.constant 640 : i32
    %mul3A_96 = arith.muli %arg1, %mul3A_95 : i32
    %add3A_97 = arith.constant 192 : i32
    %add3A_98 = arith.addi %mul3A_96, %add3A_97 : i32
    "tpu.region"() ({
      %run_scoped3A = tpu.sem_alloc : memref<!tpu.dma_semaphore, #tpu.memory_space<semaphore_mem>>
      %dma_start3A_131 = arith.constant 0 : i32
      %dma_start3A_132 = arith.constant 0 : i32
      %dma_start3A_133 = tpu.memref_slice %arg9[%dma_start3A_131, %dma_start3A_132] : memref<96x128xf32, #tpu.memory_space<vmem>> -> memref<96x128xf32, #tpu.memory_space<vmem>>
      %dma_start3A_134 = arith.constant 0 : i32
      %dma_start3A_135 = tpu.memref_slice %arg4[%arg0, %add3A_98, %dma_start3A_134] : memref<2x10240x128xf32, #tpu.memory_space<hbm>> -> memref<1x96x128xf32, #tpu.memory_space<hbm>>
      %dma_start3A_136 = tpu.memref_squeeze %dma_start3A_135 : memref<1x96x128xf32, #tpu.memory_space<hbm>> -> memref<96x128xf32, #tpu.memory_space<hbm>>
      %dma_start3A_137 = arith.constant 0 : i32
      %dma_start3A_138 = tpu.memref_slice %arg4[%arg0, %add3A_98, %dma_start3A_137] : memref<2x10240x128xf32, #tpu.memory_space<hbm>> -> memref<1x96x128xf32, #tpu.memory_space<hbm>>
      %dma_start3A_139 = tpu.memref_squeeze %dma_start3A_138 : memref<1x96x128xf32, #tpu.memory_space<hbm>> -> memref<96x128xf32, #tpu.memory_space<hbm>>
      %dma_start3A_140 = arith.constant 0 : i32
      %dma_start3A_141 = arith.constant 0 : i32
      %dma_start3A_142 = tpu.memref_slice %arg9[%dma_start3A_140, %dma_start3A_141] : memref<96x128xf32, #tpu.memory_space<vmem>> -> memref<96x128xf32, #tpu.memory_space<vmem>>
      tpu.enqueue_dma source(%dma_start3A_142 : memref<96x128xf32, #tpu.memory_space<vmem>>) target(%dma_start3A_139 : memref<96x128xf32, #tpu.memory_space<hbm>>) target_semaphore(%run_scoped3A : memref<!tpu.dma_semaphore, #tpu.memory_space<semaphore_mem>>)
      %dma_wait3A_143 = arith.constant 0 : i32
      %dma_wait3A_144 = arith.constant 0 : i32
      %dma_wait3A_145 = tpu.memref_slice %arg9[%dma_wait3A_143, %dma_wait3A_144] : memref<96x128xf32, #tpu.memory_space<vmem>> -> memref<96x128xf32, #tpu.memory_space<vmem>>
      %dma_wait3A_146 = arith.constant 0 : i32
      %dma_wait3A_147 = tpu.memref_slice %arg4[%arg0, %add3A_98, %dma_wait3A_146] : memref<2x10240x128xf32, #tpu.memory_space<hbm>> -> memref<1x96x128xf32, #tpu.memory_space<hbm>>
      %dma_wait3A_148 = tpu.memref_squeeze %dma_wait3A_147 : memref<1x96x128xf32, #tpu.memory_space<hbm>> -> memref<96x128xf32, #tpu.memory_space<hbm>>
      %dma_wait3A_149 = arith.constant 0 : i32
      %dma_wait3A_150 = tpu.memref_slice %arg4[%arg0, %add3A_98, %dma_wait3A_149] : memref<2x10240x128xf32, #tpu.memory_space<hbm>> -> memref<1x96x128xf32, #tpu.memory_space<hbm>>
      %dma_wait3A_151 = tpu.memref_squeeze %dma_wait3A_150 : memref<1x96x128xf32, #tpu.memory_space<hbm>> -> memref<96x128xf32, #tpu.memory_space<hbm>>
      %dma_wait3A_152 = arith.constant 0 : i32
      %dma_wait3A_153 = arith.constant 0 : i32
      %dma_wait3A_154 = tpu.memref_slice %arg9[%dma_wait3A_152, %dma_wait3A_153] : memref<96x128xf32, #tpu.memory_space<vmem>> -> memref<96x128xf32, #tpu.memory_space<vmem>>
      tpu.wait_dma2 semaphore(%run_scoped3A : memref<!tpu.dma_semaphore, #tpu.memory_space<semaphore_mem>>) src(%dma_wait3A_154 : memref<96x128xf32, #tpu.memory_space<vmem>>) dst(%dma_wait3A_151 : memref<96x128xf32, #tpu.memory_space<hbm>>)
      tpu.yield
    }) : () -> ()
    %mul3A_99 = arith.constant 640 : i32
    %mul3A_100 = arith.muli %arg1, %mul3A_99 : i32
    %add3A_101 = arith.constant 288 : i32
    %add3A_102 = arith.addi %mul3A_100, %add3A_101 : i32
    "tpu.region"() ({
      %run_scoped3A = tpu.sem_alloc : memref<!tpu.dma_semaphore, #tpu.memory_space<semaphore_mem>>
      %dma_start3A_131 = arith.constant 0 : i32
      %dma_start3A_132 = arith.constant 0 : i32
      %dma_start3A_133 = tpu.memref_slice %arg9[%dma_start3A_131, %dma_start3A_132] : memref<96x128xf32, #tpu.memory_space<vmem>> -> memref<96x128xf32, #tpu.memory_space<vmem>>
      %dma_start3A_134 = arith.constant 0 : i32
      %dma_start3A_135 = tpu.memref_slice %arg12[%add3A_102, %dma_start3A_134] : memref<10240x128xf32, #tpu.memory_space<vmem_shared>> -> memref<96x128xf32, #tpu.memory_space<vmem_shared>>
      %dma_start3A_136 = arith.constant 0 : i32
      %dma_start3A_137 = arith.constant 0 : i32
      %dma_start3A_138 = tpu.memref_slice %arg9[%dma_start3A_136, %dma_start3A_137] : memref<96x128xf32, #tpu.memory_space<vmem>> -> memref<96x128xf32, #tpu.memory_space<vmem>>
      %dma_start3A_139 = arith.constant 0 : i32
      %dma_start3A_140 = tpu.memref_slice %arg12[%add3A_102, %dma_start3A_139] : memref<10240x128xf32, #tpu.memory_space<vmem_shared>> -> memref<96x128xf32, #tpu.memory_space<vmem_shared>>
      tpu.enqueue_dma source(%dma_start3A_140 : memref<96x128xf32, #tpu.memory_space<vmem_shared>>) target(%dma_start3A_138 : memref<96x128xf32, #tpu.memory_space<vmem>>) target_semaphore(%run_scoped3A : memref<!tpu.dma_semaphore, #tpu.memory_space<semaphore_mem>>)
      %dma_wait3A_141 = arith.constant 0 : i32
      %dma_wait3A_142 = arith.constant 0 : i32
      %dma_wait3A_143 = tpu.memref_slice %arg9[%dma_wait3A_141, %dma_wait3A_142] : memref<96x128xf32, #tpu.memory_space<vmem>> -> memref<96x128xf32, #tpu.memory_space<vmem>>
      %dma_wait3A_144 = arith.constant 0 : i32
      %dma_wait3A_145 = tpu.memref_slice %arg12[%add3A_102, %dma_wait3A_144] : memref<10240x128xf32, #tpu.memory_space<vmem_shared>> -> memref<96x128xf32, #tpu.memory_space<vmem_shared>>
      %dma_wait3A_146 = arith.constant 0 : i32
      %dma_wait3A_147 = arith.constant 0 : i32
      %dma_wait3A_148 = tpu.memref_slice %arg9[%dma_wait3A_146, %dma_wait3A_147] : memref<96x128xf32, #tpu.memory_space<vmem>> -> memref<96x128xf32, #tpu.memory_space<vmem>>
      %dma_wait3A_149 = arith.constant 0 : i32
      %dma_wait3A_150 = tpu.memref_slice %arg12[%add3A_102, %dma_wait3A_149] : memref<10240x128xf32, #tpu.memory_space<vmem_shared>> -> memref<96x128xf32, #tpu.memory_space<vmem_shared>>
      tpu.wait_dma2 semaphore(%run_scoped3A : memref<!tpu.dma_semaphore, #tpu.memory_space<semaphore_mem>>) src(%dma_wait3A_150 : memref<96x128xf32, #tpu.memory_space<vmem_shared>>) dst(%dma_wait3A_148 : memref<96x128xf32, #tpu.memory_space<vmem>>)
      tpu.yield
    }) : () -> ()
    %mul3A_103 = arith.constant 640 : i32
    %mul3A_104 = arith.muli %arg1, %mul3A_103 : i32
    %add3A_105 = arith.constant 288 : i32
    %add3A_106 = arith.addi %mul3A_104, %add3A_105 : i32
    "tpu.region"() ({
      %run_scoped3A = tpu.sem_alloc : memref<!tpu.dma_semaphore, #tpu.memory_space<semaphore_mem>>
      %dma_start3A_131 = arith.constant 0 : i32
      %dma_start3A_132 = arith.constant 0 : i32
      %dma_start3A_133 = tpu.memref_slice %arg9[%dma_start3A_131, %dma_start3A_132] : memref<96x128xf32, #tpu.memory_space<vmem>> -> memref<96x128xf32, #tpu.memory_space<vmem>>
      %dma_start3A_134 = arith.constant 0 : i32
      %dma_start3A_135 = tpu.memref_slice %arg4[%arg0, %add3A_106, %dma_start3A_134] : memref<2x10240x128xf32, #tpu.memory_space<hbm>> -> memref<1x96x128xf32, #tpu.memory_space<hbm>>
      %dma_start3A_136 = tpu.memref_squeeze %dma_start3A_135 : memref<1x96x128xf32, #tpu.memory_space<hbm>> -> memref<96x128xf32, #tpu.memory_space<hbm>>
      %dma_start3A_137 = arith.constant 0 : i32
      %dma_start3A_138 = tpu.memref_slice %arg4[%arg0, %add3A_106, %dma_start3A_137] : memref<2x10240x128xf32, #tpu.memory_space<hbm>> -> memref<1x96x128xf32, #tpu.memory_space<hbm>>
      %dma_start3A_139 = tpu.memref_squeeze %dma_start3A_138 : memref<1x96x128xf32, #tpu.memory_space<hbm>> -> memref<96x128xf32, #tpu.memory_space<hbm>>
      %dma_start3A_140 = arith.constant 0 : i32
      %dma_start3A_141 = arith.constant 0 : i32
      %dma_start3A_142 = tpu.memref_slice %arg9[%dma_start3A_140, %dma_start3A_141] : memref<96x128xf32, #tpu.memory_space<vmem>> -> memref<96x128xf32, #tpu.memory_space<vmem>>
      tpu.enqueue_dma source(%dma_start3A_142 : memref<96x128xf32, #tpu.memory_space<vmem>>) target(%dma_start3A_139 : memref<96x128xf32, #tpu.memory_space<hbm>>) target_semaphore(%run_scoped3A : memref<!tpu.dma_semaphore, #tpu.memory_space<semaphore_mem>>)
      %dma_wait3A_143 = arith.constant 0 : i32
      %dma_wait3A_144 = arith.constant 0 : i32
      %dma_wait3A_145 = tpu.memref_slice %arg9[%dma_wait3A_143, %dma_wait3A_144] : memref<96x128xf32, #tpu.memory_space<vmem>> -> memref<96x128xf32, #tpu.memory_space<vmem>>
      %dma_wait3A_146 = arith.constant 0 : i32
      %dma_wait3A_147 = tpu.memref_slice %arg4[%arg0, %add3A_106, %dma_wait3A_146] : memref<2x10240x128xf32, #tpu.memory_space<hbm>> -> memref<1x96x128xf32, #tpu.memory_space<hbm>>
      %dma_wait3A_148 = tpu.memref_squeeze %dma_wait3A_147 : memref<1x96x128xf32, #tpu.memory_space<hbm>> -> memref<96x128xf32, #tpu.memory_space<hbm>>
      %dma_wait3A_149 = arith.constant 0 : i32
      %dma_wait3A_150 = tpu.memref_slice %arg4[%arg0, %add3A_106, %dma_wait3A_149] : memref<2x10240x128xf32, #tpu.memory_space<hbm>> -> memref<1x96x128xf32, #tpu.memory_space<hbm>>
      %dma_wait3A_151 = tpu.memref_squeeze %dma_wait3A_150 : memref<1x96x128xf32, #tpu.memory_space<hbm>> -> memref<96x128xf32, #tpu.memory_space<hbm>>
      %dma_wait3A_152 = arith.constant 0 : i32
      %dma_wait3A_153 = arith.constant 0 : i32
      %dma_wait3A_154 = tpu.memref_slice %arg9[%dma_wait3A_152, %dma_wait3A_153] : memref<96x128xf32, #tpu.memory_space<vmem>> -> memref<96x128xf32, #tpu.memory_space<vmem>>
      tpu.wait_dma2 semaphore(%run_scoped3A : memref<!tpu.dma_semaphore, #tpu.memory_space<semaphore_mem>>) src(%dma_wait3A_154 : memref<96x128xf32, #tpu.memory_space<vmem>>) dst(%dma_wait3A_151 : memref<96x128xf32, #tpu.memory_space<hbm>>)
      tpu.yield
    }) : () -> ()
    %mul3A_107 = arith.constant 640 : i32
    %mul3A_108 = arith.muli %arg1, %mul3A_107 : i32
    %add3A_109 = arith.constant 384 : i32
    %add3A_110 = arith.addi %mul3A_108, %add3A_109 : i32
    "tpu.region"() ({
      %run_scoped3A = tpu.sem_alloc : memref<!tpu.dma_semaphore, #tpu.memory_space<semaphore_mem>>
      %dma_start3A_131 = arith.constant 0 : i32
      %dma_start3A_132 = arith.constant 0 : i32
      %dma_start3A_133 = tpu.memref_slice %arg9[%dma_start3A_131, %dma_start3A_132] : memref<96x128xf32, #tpu.memory_space<vmem>> -> memref<96x128xf32, #tpu.memory_space<vmem>>
      %dma_start3A_134 = arith.constant 0 : i32
      %dma_start3A_135 = tpu.memref_slice %arg12[%add3A_110, %dma_start3A_134] : memref<10240x128xf32, #tpu.memory_space<vmem_shared>> -> memref<96x128xf32, #tpu.memory_space<vmem_shared>>
      %dma_start3A_136 = arith.constant 0 : i32
      %dma_start3A_137 = arith.constant 0 : i32
      %dma_start3A_138 = tpu.memref_slice %arg9[%dma_start3A_136, %dma_start3A_137] : memref<96x128xf32, #tpu.memory_space<vmem>> -> memref<96x128xf32, #tpu.memory_space<vmem>>
      %dma_start3A_139 = arith.constant 0 : i32
      %dma_start3A_140 = tpu.memref_slice %arg12[%add3A_110, %dma_start3A_139] : memref<10240x128xf32, #tpu.memory_space<vmem_shared>> -> memref<96x128xf32, #tpu.memory_space<vmem_shared>>
      tpu.enqueue_dma source(%dma_start3A_140 : memref<96x128xf32, #tpu.memory_space<vmem_shared>>) target(%dma_start3A_138 : memref<96x128xf32, #tpu.memory_space<vmem>>) target_semaphore(%run_scoped3A : memref<!tpu.dma_semaphore, #tpu.memory_space<semaphore_mem>>)
      %dma_wait3A_141 = arith.constant 0 : i32
      %dma_wait3A_142 = arith.constant 0 : i32
      %dma_wait3A_143 = tpu.memref_slice %arg9[%dma_wait3A_141, %dma_wait3A_142] : memref<96x128xf32, #tpu.memory_space<vmem>> -> memref<96x128xf32, #tpu.memory_space<vmem>>
      %dma_wait3A_144 = arith.constant 0 : i32
      %dma_wait3A_145 = tpu.memref_slice %arg12[%add3A_110, %dma_wait3A_144] : memref<10240x128xf32, #tpu.memory_space<vmem_shared>> -> memref<96x128xf32, #tpu.memory_space<vmem_shared>>
      %dma_wait3A_146 = arith.constant 0 : i32
      %dma_wait3A_147 = arith.constant 0 : i32
      %dma_wait3A_148 = tpu.memref_slice %arg9[%dma_wait3A_146, %dma_wait3A_147] : memref<96x128xf32, #tpu.memory_space<vmem>> -> memref<96x128xf32, #tpu.memory_space<vmem>>
      %dma_wait3A_149 = arith.constant 0 : i32
      %dma_wait3A_150 = tpu.memref_slice %arg12[%add3A_110, %dma_wait3A_149] : memref<10240x128xf32, #tpu.memory_space<vmem_shared>> -> memref<96x128xf32, #tpu.memory_space<vmem_shared>>
      tpu.wait_dma2 semaphore(%run_scoped3A : memref<!tpu.dma_semaphore, #tpu.memory_space<semaphore_mem>>) src(%dma_wait3A_150 : memref<96x128xf32, #tpu.memory_space<vmem_shared>>) dst(%dma_wait3A_148 : memref<96x128xf32, #tpu.memory_space<vmem>>)
      tpu.yield
    }) : () -> ()
    %mul3A_111 = arith.constant 640 : i32
    %mul3A_112 = arith.muli %arg1, %mul3A_111 : i32
    %add3A_113 = arith.constant 384 : i32
    %add3A_114 = arith.addi %mul3A_112, %add3A_113 : i32
    "tpu.region"() ({
      %run_scoped3A = tpu.sem_alloc : memref<!tpu.dma_semaphore, #tpu.memory_space<semaphore_mem>>
      %dma_start3A_131 = arith.constant 0 : i32
      %dma_start3A_132 = arith.constant 0 : i32
      %dma_start3A_133 = tpu.memref_slice %arg9[%dma_start3A_131, %dma_start3A_132] : memref<96x128xf32, #tpu.memory_space<vmem>> -> memref<96x128xf32, #tpu.memory_space<vmem>>
      %dma_start3A_134 = arith.constant 0 : i32
      %dma_start3A_135 = tpu.memref_slice %arg4[%arg0, %add3A_114, %dma_start3A_134] : memref<2x10240x128xf32, #tpu.memory_space<hbm>> -> memref<1x96x128xf32, #tpu.memory_space<hbm>>
      %dma_start3A_136 = tpu.memref_squeeze %dma_start3A_135 : memref<1x96x128xf32, #tpu.memory_space<hbm>> -> memref<96x128xf32, #tpu.memory_space<hbm>>
      %dma_start3A_137 = arith.constant 0 : i32
      %dma_start3A_138 = tpu.memref_slice %arg4[%arg0, %add3A_114, %dma_start3A_137] : memref<2x10240x128xf32, #tpu.memory_space<hbm>> -> memref<1x96x128xf32, #tpu.memory_space<hbm>>
      %dma_start3A_139 = tpu.memref_squeeze %dma_start3A_138 : memref<1x96x128xf32, #tpu.memory_space<hbm>> -> memref<96x128xf32, #tpu.memory_space<hbm>>
      %dma_start3A_140 = arith.constant 0 : i32
      %dma_start3A_141 = arith.constant 0 : i32
      %dma_start3A_142 = tpu.memref_slice %arg9[%dma_start3A_140, %dma_start3A_141] : memref<96x128xf32, #tpu.memory_space<vmem>> -> memref<96x128xf32, #tpu.memory_space<vmem>>
      tpu.enqueue_dma source(%dma_start3A_142 : memref<96x128xf32, #tpu.memory_space<vmem>>) target(%dma_start3A_139 : memref<96x128xf32, #tpu.memory_space<hbm>>) target_semaphore(%run_scoped3A : memref<!tpu.dma_semaphore, #tpu.memory_space<semaphore_mem>>)
      %dma_wait3A_143 = arith.constant 0 : i32
      %dma_wait3A_144 = arith.constant 0 : i32
      %dma_wait3A_145 = tpu.memref_slice %arg9[%dma_wait3A_143, %dma_wait3A_144] : memref<96x128xf32, #tpu.memory_space<vmem>> -> memref<96x128xf32, #tpu.memory_space<vmem>>
      %dma_wait3A_146 = arith.constant 0 : i32
      %dma_wait3A_147 = tpu.memref_slice %arg4[%arg0, %add3A_114, %dma_wait3A_146] : memref<2x10240x128xf32, #tpu.memory_space<hbm>> -> memref<1x96x128xf32, #tpu.memory_space<hbm>>
      %dma_wait3A_148 = tpu.memref_squeeze %dma_wait3A_147 : memref<1x96x128xf32, #tpu.memory_space<hbm>> -> memref<96x128xf32, #tpu.memory_space<hbm>>
      %dma_wait3A_149 = arith.constant 0 : i32
      %dma_wait3A_150 = tpu.memref_slice %arg4[%arg0, %add3A_114, %dma_wait3A_149] : memref<2x10240x128xf32, #tpu.memory_space<hbm>> -> memref<1x96x128xf32, #tpu.memory_space<hbm>>
      %dma_wait3A_151 = tpu.memref_squeeze %dma_wait3A_150 : memref<1x96x128xf32, #tpu.memory_space<hbm>> -> memref<96x128xf32, #tpu.memory_space<hbm>>
      %dma_wait3A_152 = arith.constant 0 : i32
      %dma_wait3A_153 = arith.constant 0 : i32
      %dma_wait3A_154 = tpu.memref_slice %arg9[%dma_wait3A_152, %dma_wait3A_153] : memref<96x128xf32, #tpu.memory_space<vmem>> -> memref<96x128xf32, #tpu.memory_space<vmem>>
      tpu.wait_dma2 semaphore(%run_scoped3A : memref<!tpu.dma_semaphore, #tpu.memory_space<semaphore_mem>>) src(%dma_wait3A_154 : memref<96x128xf32, #tpu.memory_space<vmem>>) dst(%dma_wait3A_151 : memref<96x128xf32, #tpu.memory_space<hbm>>)
      tpu.yield
    }) : () -> ()
    %mul3A_115 = arith.constant 640 : i32
    %mul3A_116 = arith.muli %arg1, %mul3A_115 : i32
    %add3A_117 = arith.constant 480 : i32
    %add3A_118 = arith.addi %mul3A_116, %add3A_117 : i32
    "tpu.region"() ({
      %run_scoped3A = tpu.sem_alloc : memref<!tpu.dma_semaphore, #tpu.memory_space<semaphore_mem>>
      %dma_start3A_131 = arith.constant 0 : i32
      %dma_start3A_132 = arith.constant 0 : i32
      %dma_start3A_133 = tpu.memref_slice %arg9[%dma_start3A_131, %dma_start3A_132] : memref<96x128xf32, #tpu.memory_space<vmem>> -> memref<96x128xf32, #tpu.memory_space<vmem>>
      %dma_start3A_134 = arith.constant 0 : i32
      %dma_start3A_135 = tpu.memref_slice %arg12[%add3A_118, %dma_start3A_134] : memref<10240x128xf32, #tpu.memory_space<vmem_shared>> -> memref<96x128xf32, #tpu.memory_space<vmem_shared>>
      %dma_start3A_136 = arith.constant 0 : i32
      %dma_start3A_137 = arith.constant 0 : i32
      %dma_start3A_138 = tpu.memref_slice %arg9[%dma_start3A_136, %dma_start3A_137] : memref<96x128xf32, #tpu.memory_space<vmem>> -> memref<96x128xf32, #tpu.memory_space<vmem>>
      %dma_start3A_139 = arith.constant 0 : i32
      %dma_start3A_140 = tpu.memref_slice %arg12[%add3A_118, %dma_start3A_139] : memref<10240x128xf32, #tpu.memory_space<vmem_shared>> -> memref<96x128xf32, #tpu.memory_space<vmem_shared>>
      tpu.enqueue_dma source(%dma_start3A_140 : memref<96x128xf32, #tpu.memory_space<vmem_shared>>) target(%dma_start3A_138 : memref<96x128xf32, #tpu.memory_space<vmem>>) target_semaphore(%run_scoped3A : memref<!tpu.dma_semaphore, #tpu.memory_space<semaphore_mem>>)
      %dma_wait3A_141 = arith.constant 0 : i32
      %dma_wait3A_142 = arith.constant 0 : i32
      %dma_wait3A_143 = tpu.memref_slice %arg9[%dma_wait3A_141, %dma_wait3A_142] : memref<96x128xf32, #tpu.memory_space<vmem>> -> memref<96x128xf32, #tpu.memory_space<vmem>>
      %dma_wait3A_144 = arith.constant 0 : i32
      %dma_wait3A_145 = tpu.memref_slice %arg12[%add3A_118, %dma_wait3A_144] : memref<10240x128xf32, #tpu.memory_space<vmem_shared>> -> memref<96x128xf32, #tpu.memory_space<vmem_shared>>
      %dma_wait3A_146 = arith.constant 0 : i32
      %dma_wait3A_147 = arith.constant 0 : i32
      %dma_wait3A_148 = tpu.memref_slice %arg9[%dma_wait3A_146, %dma_wait3A_147] : memref<96x128xf32, #tpu.memory_space<vmem>> -> memref<96x128xf32, #tpu.memory_space<vmem>>
      %dma_wait3A_149 = arith.constant 0 : i32
      %dma_wait3A_150 = tpu.memref_slice %arg12[%add3A_118, %dma_wait3A_149] : memref<10240x128xf32, #tpu.memory_space<vmem_shared>> -> memref<96x128xf32, #tpu.memory_space<vmem_shared>>
      tpu.wait_dma2 semaphore(%run_scoped3A : memref<!tpu.dma_semaphore, #tpu.memory_space<semaphore_mem>>) src(%dma_wait3A_150 : memref<96x128xf32, #tpu.memory_space<vmem_shared>>) dst(%dma_wait3A_148 : memref<96x128xf32, #tpu.memory_space<vmem>>)
      tpu.yield
    }) : () -> ()
    %mul3A_119 = arith.constant 640 : i32
    %mul3A_120 = arith.muli %arg1, %mul3A_119 : i32
    %add3A_121 = arith.constant 480 : i32
    %add3A_122 = arith.addi %mul3A_120, %add3A_121 : i32
    "tpu.region"() ({
      %run_scoped3A = tpu.sem_alloc : memref<!tpu.dma_semaphore, #tpu.memory_space<semaphore_mem>>
      %dma_start3A_131 = arith.constant 0 : i32
      %dma_start3A_132 = arith.constant 0 : i32
      %dma_start3A_133 = tpu.memref_slice %arg9[%dma_start3A_131, %dma_start3A_132] : memref<96x128xf32, #tpu.memory_space<vmem>> -> memref<96x128xf32, #tpu.memory_space<vmem>>
      %dma_start3A_134 = arith.constant 0 : i32
      %dma_start3A_135 = tpu.memref_slice %arg4[%arg0, %add3A_122, %dma_start3A_134] : memref<2x10240x128xf32, #tpu.memory_space<hbm>> -> memref<1x96x128xf32, #tpu.memory_space<hbm>>
      %dma_start3A_136 = tpu.memref_squeeze %dma_start3A_135 : memref<1x96x128xf32, #tpu.memory_space<hbm>> -> memref<96x128xf32, #tpu.memory_space<hbm>>
      %dma_start3A_137 = arith.constant 0 : i32
      %dma_start3A_138 = tpu.memref_slice %arg4[%arg0, %add3A_122, %dma_start3A_137] : memref<2x10240x128xf32, #tpu.memory_space<hbm>> -> memref<1x96x128xf32, #tpu.memory_space<hbm>>
      %dma_start3A_139 = tpu.memref_squeeze %dma_start3A_138 : memref<1x96x128xf32, #tpu.memory_space<hbm>> -> memref<96x128xf32, #tpu.memory_space<hbm>>
      %dma_start3A_140 = arith.constant 0 : i32
      %dma_start3A_141 = arith.constant 0 : i32
      %dma_start3A_142 = tpu.memref_slice %arg9[%dma_start3A_140, %dma_start3A_141] : memref<96x128xf32, #tpu.memory_space<vmem>> -> memref<96x128xf32, #tpu.memory_space<vmem>>
      tpu.enqueue_dma source(%dma_start3A_142 : memref<96x128xf32, #tpu.memory_space<vmem>>) target(%dma_start3A_139 : memref<96x128xf32, #tpu.memory_space<hbm>>) target_semaphore(%run_scoped3A : memref<!tpu.dma_semaphore, #tpu.memory_space<semaphore_mem>>)
      %dma_wait3A_143 = arith.constant 0 : i32
      %dma_wait3A_144 = arith.constant 0 : i32
      %dma_wait3A_145 = tpu.memref_slice %arg9[%dma_wait3A_143, %dma_wait3A_144] : memref<96x128xf32, #tpu.memory_space<vmem>> -> memref<96x128xf32, #tpu.memory_space<vmem>>
      %dma_wait3A_146 = arith.constant 0 : i32
      %dma_wait3A_147 = tpu.memref_slice %arg4[%arg0, %add3A_122, %dma_wait3A_146] : memref<2x10240x128xf32, #tpu.memory_space<hbm>> -> memref<1x96x128xf32, #tpu.memory_space<hbm>>
      %dma_wait3A_148 = tpu.memref_squeeze %dma_wait3A_147 : memref<1x96x128xf32, #tpu.memory_space<hbm>> -> memref<96x128xf32, #tpu.memory_space<hbm>>
      %dma_wait3A_149 = arith.constant 0 : i32
      %dma_wait3A_150 = tpu.memref_slice %arg4[%arg0, %add3A_122, %dma_wait3A_149] : memref<2x10240x128xf32, #tpu.memory_space<hbm>> -> memref<1x96x128xf32, #tpu.memory_space<hbm>>
      %dma_wait3A_151 = tpu.memref_squeeze %dma_wait3A_150 : memref<1x96x128xf32, #tpu.memory_space<hbm>> -> memref<96x128xf32, #tpu.memory_space<hbm>>
      %dma_wait3A_152 = arith.constant 0 : i32
      %dma_wait3A_153 = arith.constant 0 : i32
      %dma_wait3A_154 = tpu.memref_slice %arg9[%dma_wait3A_152, %dma_wait3A_153] : memref<96x128xf32, #tpu.memory_space<vmem>> -> memref<96x128xf32, #tpu.memory_space<vmem>>
      tpu.wait_dma2 semaphore(%run_scoped3A : memref<!tpu.dma_semaphore, #tpu.memory_space<semaphore_mem>>) src(%dma_wait3A_154 : memref<96x128xf32, #tpu.memory_space<vmem>>) dst(%dma_wait3A_151 : memref<96x128xf32, #tpu.memory_space<hbm>>)
      tpu.yield
    }) : () -> ()
    %mul3A_123 = arith.constant 640 : i32
    %mul3A_124 = arith.muli %arg1, %mul3A_123 : i32
    %add3A_125 = arith.constant 576 : i32
    %add3A_126 = arith.addi %mul3A_124, %add3A_125 : i32
    "tpu.region"() ({
      %run_scoped3A = tpu.sem_alloc : memref<!tpu.dma_semaphore, #tpu.memory_space<semaphore_mem>>
      %dma_start3A_131 = arith.constant 0 : i32
      %dma_start3A_132 = arith.constant 0 : i32
      %dma_start3A_133 = tpu.memref_slice %arg9[%dma_start3A_131, %dma_start3A_132] : memref<96x128xf32, #tpu.memory_space<vmem>> -> memref<64x128xf32, #tpu.memory_space<vmem>>
      %dma_start3A_134 = arith.constant 0 : i32
      %dma_start3A_135 = tpu.memref_slice %arg12[%add3A_126, %dma_start3A_134] : memref<10240x128xf32, #tpu.memory_space<vmem_shared>> -> memref<64x128xf32, #tpu.memory_space<vmem_shared>>
      %dma_start3A_136 = arith.constant 0 : i32
      %dma_start3A_137 = arith.constant 0 : i32
      %dma_start3A_138 = tpu.memref_slice %arg9[%dma_start3A_136, %dma_start3A_137] : memref<96x128xf32, #tpu.memory_space<vmem>> -> memref<64x128xf32, #tpu.memory_space<vmem>>
      %dma_start3A_139 = arith.constant 0 : i32
      %dma_start3A_140 = tpu.memref_slice %arg12[%add3A_126, %dma_start3A_139] : memref<10240x128xf32, #tpu.memory_space<vmem_shared>> -> memref<64x128xf32, #tpu.memory_space<vmem_shared>>
      tpu.enqueue_dma source(%dma_start3A_140 : memref<64x128xf32, #tpu.memory_space<vmem_shared>>) target(%dma_start3A_138 : memref<64x128xf32, #tpu.memory_space<vmem>>) target_semaphore(%run_scoped3A : memref<!tpu.dma_semaphore, #tpu.memory_space<semaphore_mem>>)
      %dma_wait3A_141 = arith.constant 0 : i32
      %dma_wait3A_142 = arith.constant 0 : i32
      %dma_wait3A_143 = tpu.memref_slice %arg9[%dma_wait3A_141, %dma_wait3A_142] : memref<96x128xf32, #tpu.memory_space<vmem>> -> memref<64x128xf32, #tpu.memory_space<vmem>>
      %dma_wait3A_144 = arith.constant 0 : i32
      %dma_wait3A_145 = tpu.memref_slice %arg12[%add3A_126, %dma_wait3A_144] : memref<10240x128xf32, #tpu.memory_space<vmem_shared>> -> memref<64x128xf32, #tpu.memory_space<vmem_shared>>
      %dma_wait3A_146 = arith.constant 0 : i32
      %dma_wait3A_147 = arith.constant 0 : i32
      %dma_wait3A_148 = tpu.memref_slice %arg9[%dma_wait3A_146, %dma_wait3A_147] : memref<96x128xf32, #tpu.memory_space<vmem>> -> memref<64x128xf32, #tpu.memory_space<vmem>>
      %dma_wait3A_149 = arith.constant 0 : i32
      %dma_wait3A_150 = tpu.memref_slice %arg12[%add3A_126, %dma_wait3A_149] : memref<10240x128xf32, #tpu.memory_space<vmem_shared>> -> memref<64x128xf32, #tpu.memory_space<vmem_shared>>
      tpu.wait_dma2 semaphore(%run_scoped3A : memref<!tpu.dma_semaphore, #tpu.memory_space<semaphore_mem>>) src(%dma_wait3A_150 : memref<64x128xf32, #tpu.memory_space<vmem_shared>>) dst(%dma_wait3A_148 : memref<64x128xf32, #tpu.memory_space<vmem>>)
      tpu.yield
    }) : () -> ()
    %mul3A_127 = arith.constant 640 : i32
    %mul3A_128 = arith.muli %arg1, %mul3A_127 : i32
    %add3A_129 = arith.constant 576 : i32
    %add3A_130 = arith.addi %mul3A_128, %add3A_129 : i32
    "tpu.region"() ({
      %run_scoped3A = tpu.sem_alloc : memref<!tpu.dma_semaphore, #tpu.memory_space<semaphore_mem>>
      %dma_start3A_131 = arith.constant 0 : i32
      %dma_start3A_132 = arith.constant 0 : i32
      %dma_start3A_133 = tpu.memref_slice %arg9[%dma_start3A_131, %dma_start3A_132] : memref<96x128xf32, #tpu.memory_space<vmem>> -> memref<64x128xf32, #tpu.memory_space<vmem>>
      %dma_start3A_134 = arith.constant 0 : i32
      %dma_start3A_135 = tpu.memref_slice %arg4[%arg0, %add3A_130, %dma_start3A_134] : memref<2x10240x128xf32, #tpu.memory_space<hbm>> -> memref<1x64x128xf32, #tpu.memory_space<hbm>>
      %dma_start3A_136 = tpu.memref_squeeze %dma_start3A_135 : memref<1x64x128xf32, #tpu.memory_space<hbm>> -> memref<64x128xf32, #tpu.memory_space<hbm>>
      %dma_start3A_137 = arith.constant 0 : i32
      %dma_start3A_138 = tpu.memref_slice %arg4[%arg0, %add3A_130, %dma_start3A_137] : memref<2x10240x128xf32, #tpu.memory_space<hbm>> -> memref<1x64x128xf32, #tpu.memory_space<hbm>>
      %dma_start3A_139 = tpu.memref_squeeze %dma_start3A_138 : memref<1x64x128xf32, #tpu.memory_space<hbm>> -> memref<64x128xf32, #tpu.memory_space<hbm>>
      %dma_start3A_140 = arith.constant 0 : i32
      %dma_start3A_141 = arith.constant 0 : i32
      %dma_start3A_142 = tpu.memref_slice %arg9[%dma_start3A_140, %dma_start3A_141] : memref<96x128xf32, #tpu.memory_space<vmem>> -> memref<64x128xf32, #tpu.memory_space<vmem>>
      tpu.enqueue_dma source(%dma_start3A_142 : memref<64x128xf32, #tpu.memory_space<vmem>>) target(%dma_start3A_139 : memref<64x128xf32, #tpu.memory_space<hbm>>) target_semaphore(%run_scoped3A : memref<!tpu.dma_semaphore, #tpu.memory_space<semaphore_mem>>)
      %dma_wait3A_143 = arith.constant 0 : i32
      %dma_wait3A_144 = arith.constant 0 : i32
      %dma_wait3A_145 = tpu.memref_slice %arg9[%dma_wait3A_143, %dma_wait3A_144] : memref<96x128xf32, #tpu.memory_space<vmem>> -> memref<64x128xf32, #tpu.memory_space<vmem>>
      %dma_wait3A_146 = arith.constant 0 : i32
      %dma_wait3A_147 = tpu.memref_slice %arg4[%arg0, %add3A_130, %dma_wait3A_146] : memref<2x10240x128xf32, #tpu.memory_space<hbm>> -> memref<1x64x128xf32, #tpu.memory_space<hbm>>
      %dma_wait3A_148 = tpu.memref_squeeze %dma_wait3A_147 : memref<1x64x128xf32, #tpu.memory_space<hbm>> -> memref<64x128xf32, #tpu.memory_space<hbm>>
      %dma_wait3A_149 = arith.constant 0 : i32
      %dma_wait3A_150 = tpu.memref_slice %arg4[%arg0, %add3A_130, %dma_wait3A_149] : memref<2x10240x128xf32, #tpu.memory_space<hbm>> -> memref<1x64x128xf32, #tpu.memory_space<hbm>>
      %dma_wait3A_151 = tpu.memref_squeeze %dma_wait3A_150 : memref<1x64x128xf32, #tpu.memory_space<hbm>> -> memref<64x128xf32, #tpu.memory_space<hbm>>
      %dma_wait3A_152 = arith.constant 0 : i32
      %dma_wait3A_153 = arith.constant 0 : i32
      %dma_wait3A_154 = tpu.memref_slice %arg9[%dma_wait3A_152, %dma_wait3A_153] : memref<96x128xf32, #tpu.memory_space<vmem>> -> memref<64x128xf32, #tpu.memory_space<vmem>>
      tpu.wait_dma2 semaphore(%run_scoped3A : memref<!tpu.dma_semaphore, #tpu.memory_space<semaphore_mem>>) src(%dma_wait3A_154 : memref<64x128xf32, #tpu.memory_space<vmem>>) dst(%dma_wait3A_151 : memref<64x128xf32, #tpu.memory_space<hbm>>)
      tpu.yield
    }) : () -> ()
    return
  }
}

#map = affine_map<(d0, d1) -> (0, 0)>
#map1 = affine_map<(d0, d1) -> (0)>
#map2 = affine_map<(d0, d1) -> (0, 0, 0)>
module attributes {stable_mosaic.version = 14 : i64} {
  func.func @_seg_body(%arg0: i32, %arg1: i32, %arg2: memref<10240x128xf32, #tpu.memory_space<hbm>>, %arg3: memref<640000xi32, #tpu.memory_space<hbm>>, %arg4: memref<2x10240x128xf32, #tpu.memory_space<hbm>>, %arg5: memref<20480xf32, #tpu.memory_space<hbm>>, %arg6: memref<10000xi32, #tpu.memory_space<vmem>>, %arg7: memref<96xi32, #tpu.memory_space<vmem>>, %arg8: memref<96xi32, #tpu.memory_space<vmem>>, %arg9: memref<16xi32, #tpu.memory_space<vmem>>, %arg10: memref<96x128xf32, #tpu.memory_space<vmem>>, %arg11: memref<96x128xf32, #tpu.memory_space<vmem>>, %arg12: memref<16x128xf32, #tpu.memory_space<vmem>>, %arg13: memref<10240x128xf32, #tpu.memory_space<vmem_shared>>, %arg14: memref<10240xf32, #tpu.memory_space<vmem_shared>>, %arg15: memref<96xf32, #tpu.memory_space<vmem>>, %arg16: memref<16xf32, #tpu.memory_space<vmem>>, %arg17: memref<640xf32, #tpu.memory_space<vmem>>, %arg18: memref<!tpu.dma_semaphore, #tpu.memory_space<semaphore_mem>>, %arg19: memref<!tpu.dma_semaphore, #tpu.memory_space<semaphore_mem>>, %arg20: memref<!tpu.dma_semaphore, #tpu.memory_space<semaphore_mem>>, %arg21: memref<!tpu.dma_semaphore, #tpu.memory_space<semaphore_mem>>) attributes {dimension_semantics = [#tpu.dimension_semantics<core_parallel>, #tpu.dimension_semantics<subcore_parallel>], iteration_bounds = array<i64: 2, 16>, scalar_prefetch = 0 : i64, scratch_operands = 16 : i64, tpu.core_type = #tpu.core_type<sc_vector_subcore>, window_params = [{transform_indices = #map}, {transform_indices = #map1}, {transform_indices = #map2}, {transform_indices = #map1}]} {
    %mul3A = arith.constant 16 : i32
    %mul3A_0 = arith.muli %arg0, %mul3A : i32
    %add3A = arith.addi %mul3A_0, %arg1 : i32
    %mul3A_1 = arith.constant 10000 : i32
    %mul3A_2 = arith.muli %add3A, %mul3A_1 : i32
    %add3A_3 = arith.constant 320000 : i32
    %add3A_4 = arith.addi %add3A_3, %mul3A_2 : i32
    %mul3A_5 = arith.constant 10000 : i32
    %mul3A_6 = arith.muli %add3A, %mul3A_5 : i32
    "tpu.region"() ({
      %run_scoped3A = tpu.sem_alloc : memref<!tpu.dma_semaphore, #tpu.memory_space<semaphore_mem>>
      %dma_start3A_186 = tpu.memref_slice %arg3[%mul3A_6] : memref<640000xi32, #tpu.memory_space<hbm>> -> memref<10000xi32, #tpu.memory_space<hbm>>
      %dma_start3A_187 = tpu.memref_slice %arg3[%mul3A_6] : memref<640000xi32, #tpu.memory_space<hbm>> -> memref<10000xi32, #tpu.memory_space<hbm>>
      tpu.enqueue_dma source(%dma_start3A_187 : memref<10000xi32, #tpu.memory_space<hbm>>) target(%arg6 : memref<10000xi32, #tpu.memory_space<vmem>>) target_semaphore(%run_scoped3A : memref<!tpu.dma_semaphore, #tpu.memory_space<semaphore_mem>>)
      %dma_wait3A_188 = tpu.memref_slice %arg3[%mul3A_6] : memref<640000xi32, #tpu.memory_space<hbm>> -> memref<10000xi32, #tpu.memory_space<hbm>>
      %dma_wait3A_189 = tpu.memref_slice %arg3[%mul3A_6] : memref<640000xi32, #tpu.memory_space<hbm>> -> memref<10000xi32, #tpu.memory_space<hbm>>
      tpu.wait_dma2 semaphore(%run_scoped3A : memref<!tpu.dma_semaphore, #tpu.memory_space<semaphore_mem>>) src(%dma_wait3A_189 : memref<10000xi32, #tpu.memory_space<hbm>>) dst(%arg6 : memref<10000xi32, #tpu.memory_space<vmem>>)
      tpu.yield
    }) : () -> ()
    %scan3A = arith.constant 0 : i32
    %scan3A_7 = arith.constant 0 : i32
    %scan3A_8 = arith.constant 96 : i32
    %scan3A_9 = arith.addi %scan3A_7, %scan3A_8 : i32
    %scan3A_10 = arith.constant 1 : i32
    scf.for %scan3A_186 = %scan3A_7 to %scan3A_9 step %scan3A_10  : i32 {
      %scan3A_187 = arith.constant 0 : i32
      %scan3A_188 = arith.constant 8 : i32
      %scan3A_189 = arith.addi %scan3A_187, %scan3A_188 : i32
      %scan3A_190 = arith.constant 1 : i32
      scf.for %scan3A_192 = %scan3A_187 to %scan3A_189 step %scan3A_190  : i32 {
        %broadcast_in_dim3A_193 = arith.constant 0.000000e+00 : f32
        %broadcast_in_dim3A_194 = vector.broadcast %broadcast_in_dim3A_193 : f32 to vector<16xf32>
        %mul3A_195 = arith.constant 16 : i32
        %mul3A_196 = arith.muli %scan3A_192, %mul3A_195 : i32
        %swap3A_197 = arith.index_cast %scan3A_186 : i32 to index
        %swap3A_198 = arith.index_cast %mul3A_196 : i32 to index
        %swap3A_199 = tpu.vector_load %arg10[%swap3A_197, %swap3A_198] {strides = array<i32>} : memref<96x128xf32, #tpu.memory_space<vmem>>, vector<1x16xf32>,
        %swap3A_200 = vector.shape_cast %swap3A_199 : vector<1x16xf32> to vector<16xf32>
        %swap3A_201 = vector.shape_cast %broadcast_in_dim3A_194 : vector<16xf32> to vector<1x16xf32>
        tpu.vector_store %arg10[%swap3A_197, %swap3A_198], %swap3A_201 {strides = array<i32>} : memref<96x128xf32, #tpu.memory_space<vmem>>, vector<1x16xf32>,
      }
      %scan3A_191 = arith.constant 8 : i32
    }
    %scan3A_11 = arith.constant 96 : i32
    %mul3A_12 = arith.constant 640 : i32
    %mul3A_13 = arith.muli %arg1, %mul3A_12 : i32
    %add3A_14 = arith.constant 0 : i32
    %add3A_15 = arith.addi %mul3A_13, %add3A_14 : i32
    "tpu.region"() ({
      %run_scoped3A = tpu.sem_alloc : memref<!tpu.dma_semaphore, #tpu.memory_space<semaphore_mem>>
      %dma_start3A_186 = arith.constant 0 : i32
      %dma_start3A_187 = arith.constant 0 : i32
      %dma_start3A_188 = tpu.memref_slice %arg10[%dma_start3A_186, %dma_start3A_187] : memref<96x128xf32, #tpu.memory_space<vmem>> -> memref<96x128xf32, #tpu.memory_space<vmem>>
      %dma_start3A_189 = arith.constant 0 : i32
      %dma_start3A_190 = tpu.memref_slice %arg13[%add3A_15, %dma_start3A_189] : memref<10240x128xf32, #tpu.memory_space<vmem_shared>> -> memref<96x128xf32, #tpu.memory_space<vmem_shared>>
      %dma_start3A_191 = arith.constant 0 : i32
      %dma_start3A_192 = tpu.memref_slice %arg13[%add3A_15, %dma_start3A_191] : memref<10240x128xf32, #tpu.memory_space<vmem_shared>> -> memref<96x128xf32, #tpu.memory_space<vmem_shared>>
      %dma_start3A_193 = arith.constant 0 : i32
      %dma_start3A_194 = arith.constant 0 : i32
      %dma_start3A_195 = tpu.memref_slice %arg10[%dma_start3A_193, %dma_start3A_194] : memref<96x128xf32, #tpu.memory_space<vmem>> -> memref<96x128xf32, #tpu.memory_space<vmem>>
      tpu.enqueue_dma source(%dma_start3A_195 : memref<96x128xf32, #tpu.memory_space<vmem>>) target(%dma_start3A_192 : memref<96x128xf32, #tpu.memory_space<vmem_shared>>) target_semaphore(%run_scoped3A : memref<!tpu.dma_semaphore, #tpu.memory_space<semaphore_mem>>)
      %dma_wait3A_196 = arith.constant 0 : i32
      %dma_wait3A_197 = arith.constant 0 : i32
      %dma_wait3A_198 = tpu.memref_slice %arg10[%dma_wait3A_196, %dma_wait3A_197] : memref<96x128xf32, #tpu.memory_space<vmem>> -> memref<96x128xf32, #tpu.memory_space<vmem>>
      %dma_wait3A_199 = arith.constant 0 : i32
      %dma_wait3A_200 = tpu.memref_slice %arg13[%add3A_15, %dma_wait3A_199] : memref<10240x128xf32, #tpu.memory_space<vmem_shared>> -> memref<96x128xf32, #tpu.memory_space<vmem_shared>>
      %dma_wait3A_201 = arith.constant 0 : i32
      %dma_wait3A_202 = tpu.memref_slice %arg13[%add3A_15, %dma_wait3A_201] : memref<10240x128xf32, #tpu.memory_space<vmem_shared>> -> memref<96x128xf32, #tpu.memory_space<vmem_shared>>
      %dma_wait3A_203 = arith.constant 0 : i32
      %dma_wait3A_204 = arith.constant 0 : i32
      %dma_wait3A_205 = tpu.memref_slice %arg10[%dma_wait3A_203, %dma_wait3A_204] : memref<96x128xf32, #tpu.memory_space<vmem>> -> memref<96x128xf32, #tpu.memory_space<vmem>>
      tpu.wait_dma2 semaphore(%run_scoped3A : memref<!tpu.dma_semaphore, #tpu.memory_space<semaphore_mem>>) src(%dma_wait3A_205 : memref<96x128xf32, #tpu.memory_space<vmem>>) dst(%dma_wait3A_202 : memref<96x128xf32, #tpu.memory_space<vmem_shared>>)
      tpu.yield
    }) : () -> ()
    %mul3A_16 = arith.constant 640 : i32
    %mul3A_17 = arith.muli %arg1, %mul3A_16 : i32
    %add3A_18 = arith.constant 96 : i32
    %add3A_19 = arith.addi %mul3A_17, %add3A_18 : i32
    "tpu.region"() ({
      %run_scoped3A = tpu.sem_alloc : memref<!tpu.dma_semaphore, #tpu.memory_space<semaphore_mem>>
      %dma_start3A_186 = arith.constant 0 : i32
      %dma_start3A_187 = arith.constant 0 : i32
      %dma_start3A_188 = tpu.memref_slice %arg10[%dma_start3A_186, %dma_start3A_187] : memref<96x128xf32, #tpu.memory_space<vmem>> -> memref<96x128xf32, #tpu.memory_space<vmem>>
      %dma_start3A_189 = arith.constant 0 : i32
      %dma_start3A_190 = tpu.memref_slice %arg13[%add3A_19, %dma_start3A_189] : memref<10240x128xf32, #tpu.memory_space<vmem_shared>> -> memref<96x128xf32, #tpu.memory_space<vmem_shared>>
      %dma_start3A_191 = arith.constant 0 : i32
      %dma_start3A_192 = tpu.memref_slice %arg13[%add3A_19, %dma_start3A_191] : memref<10240x128xf32, #tpu.memory_space<vmem_shared>> -> memref<96x128xf32, #tpu.memory_space<vmem_shared>>
      %dma_start3A_193 = arith.constant 0 : i32
      %dma_start3A_194 = arith.constant 0 : i32
      %dma_start3A_195 = tpu.memref_slice %arg10[%dma_start3A_193, %dma_start3A_194] : memref<96x128xf32, #tpu.memory_space<vmem>> -> memref<96x128xf32, #tpu.memory_space<vmem>>
      tpu.enqueue_dma source(%dma_start3A_195 : memref<96x128xf32, #tpu.memory_space<vmem>>) target(%dma_start3A_192 : memref<96x128xf32, #tpu.memory_space<vmem_shared>>) target_semaphore(%run_scoped3A : memref<!tpu.dma_semaphore, #tpu.memory_space<semaphore_mem>>)
      %dma_wait3A_196 = arith.constant 0 : i32
      %dma_wait3A_197 = arith.constant 0 : i32
      %dma_wait3A_198 = tpu.memref_slice %arg10[%dma_wait3A_196, %dma_wait3A_197] : memref<96x128xf32, #tpu.memory_space<vmem>> -> memref<96x128xf32, #tpu.memory_space<vmem>>
      %dma_wait3A_199 = arith.constant 0 : i32
      %dma_wait3A_200 = tpu.memref_slice %arg13[%add3A_19, %dma_wait3A_199] : memref<10240x128xf32, #tpu.memory_space<vmem_shared>> -> memref<96x128xf32, #tpu.memory_space<vmem_shared>>
      %dma_wait3A_201 = arith.constant 0 : i32
      %dma_wait3A_202 = tpu.memref_slice %arg13[%add3A_19, %dma_wait3A_201] : memref<10240x128xf32, #tpu.memory_space<vmem_shared>> -> memref<96x128xf32, #tpu.memory_space<vmem_shared>>
      %dma_wait3A_203 = arith.constant 0 : i32
      %dma_wait3A_204 = arith.constant 0 : i32
      %dma_wait3A_205 = tpu.memref_slice %arg10[%dma_wait3A_203, %dma_wait3A_204] : memref<96x128xf32, #tpu.memory_space<vmem>> -> memref<96x128xf32, #tpu.memory_space<vmem>>
      tpu.wait_dma2 semaphore(%run_scoped3A : memref<!tpu.dma_semaphore, #tpu.memory_space<semaphore_mem>>) src(%dma_wait3A_205 : memref<96x128xf32, #tpu.memory_space<vmem>>) dst(%dma_wait3A_202 : memref<96x128xf32, #tpu.memory_space<vmem_shared>>)
      tpu.yield
    }) : () -> ()
    %mul3A_20 = arith.constant 640 : i32
    %mul3A_21 = arith.muli %arg1, %mul3A_20 : i32
    %add3A_22 = arith.constant 192 : i32
    %add3A_23 = arith.addi %mul3A_21, %add3A_22 : i32
    "tpu.region"() ({
      %run_scoped3A = tpu.sem_alloc : memref<!tpu.dma_semaphore, #tpu.memory_space<semaphore_mem>>
      %dma_start3A_186 = arith.constant 0 : i32
      %dma_start3A_187 = arith.constant 0 : i32
      %dma_start3A_188 = tpu.memref_slice %arg10[%dma_start3A_186, %dma_start3A_187] : memref<96x128xf32, #tpu.memory_space<vmem>> -> memref<96x128xf32, #tpu.memory_space<vmem>>
      %dma_start3A_189 = arith.constant 0 : i32
      %dma_start3A_190 = tpu.memref_slice %arg13[%add3A_23, %dma_start3A_189] : memref<10240x128xf32, #tpu.memory_space<vmem_shared>> -> memref<96x128xf32, #tpu.memory_space<vmem_shared>>
      %dma_start3A_191 = arith.constant 0 : i32
      %dma_start3A_192 = tpu.memref_slice %arg13[%add3A_23, %dma_start3A_191] : memref<10240x128xf32, #tpu.memory_space<vmem_shared>> -> memref<96x128xf32, #tpu.memory_space<vmem_shared>>
      %dma_start3A_193 = arith.constant 0 : i32
      %dma_start3A_194 = arith.constant 0 : i32
      %dma_start3A_195 = tpu.memref_slice %arg10[%dma_start3A_193, %dma_start3A_194] : memref<96x128xf32, #tpu.memory_space<vmem>> -> memref<96x128xf32, #tpu.memory_space<vmem>>
      tpu.enqueue_dma source(%dma_start3A_195 : memref<96x128xf32, #tpu.memory_space<vmem>>) target(%dma_start3A_192 : memref<96x128xf32, #tpu.memory_space<vmem_shared>>) target_semaphore(%run_scoped3A : memref<!tpu.dma_semaphore, #tpu.memory_space<semaphore_mem>>)
      %dma_wait3A_196 = arith.constant 0 : i32
      %dma_wait3A_197 = arith.constant 0 : i32
      %dma_wait3A_198 = tpu.memref_slice %arg10[%dma_wait3A_196, %dma_wait3A_197] : memref<96x128xf32, #tpu.memory_space<vmem>> -> memref<96x128xf32, #tpu.memory_space<vmem>>
      %dma_wait3A_199 = arith.constant 0 : i32
      %dma_wait3A_200 = tpu.memref_slice %arg13[%add3A_23, %dma_wait3A_199] : memref<10240x128xf32, #tpu.memory_space<vmem_shared>> -> memref<96x128xf32, #tpu.memory_space<vmem_shared>>
      %dma_wait3A_201 = arith.constant 0 : i32
      %dma_wait3A_202 = tpu.memref_slice %arg13[%add3A_23, %dma_wait3A_201] : memref<10240x128xf32, #tpu.memory_space<vmem_shared>> -> memref<96x128xf32, #tpu.memory_space<vmem_shared>>
      %dma_wait3A_203 = arith.constant 0 : i32
      %dma_wait3A_204 = arith.constant 0 : i32
      %dma_wait3A_205 = tpu.memref_slice %arg10[%dma_wait3A_203, %dma_wait3A_204] : memref<96x128xf32, #tpu.memory_space<vmem>> -> memref<96x128xf32, #tpu.memory_space<vmem>>
      tpu.wait_dma2 semaphore(%run_scoped3A : memref<!tpu.dma_semaphore, #tpu.memory_space<semaphore_mem>>) src(%dma_wait3A_205 : memref<96x128xf32, #tpu.memory_space<vmem>>) dst(%dma_wait3A_202 : memref<96x128xf32, #tpu.memory_space<vmem_shared>>)
      tpu.yield
    }) : () -> ()
    %mul3A_24 = arith.constant 640 : i32
    %mul3A_25 = arith.muli %arg1, %mul3A_24 : i32
    %add3A_26 = arith.constant 288 : i32
    %add3A_27 = arith.addi %mul3A_25, %add3A_26 : i32
    "tpu.region"() ({
      %run_scoped3A = tpu.sem_alloc : memref<!tpu.dma_semaphore, #tpu.memory_space<semaphore_mem>>
      %dma_start3A_186 = arith.constant 0 : i32
      %dma_start3A_187 = arith.constant 0 : i32
      %dma_start3A_188 = tpu.memref_slice %arg10[%dma_start3A_186, %dma_start3A_187] : memref<96x128xf32, #tpu.memory_space<vmem>> -> memref<96x128xf32, #tpu.memory_space<vmem>>
      %dma_start3A_189 = arith.constant 0 : i32
      %dma_start3A_190 = tpu.memref_slice %arg13[%add3A_27, %dma_start3A_189] : memref<10240x128xf32, #tpu.memory_space<vmem_shared>> -> memref<96x128xf32, #tpu.memory_space<vmem_shared>>
      %dma_start3A_191 = arith.constant 0 : i32
      %dma_start3A_192 = tpu.memref_slice %arg13[%add3A_27, %dma_start3A_191] : memref<10240x128xf32, #tpu.memory_space<vmem_shared>> -> memref<96x128xf32, #tpu.memory_space<vmem_shared>>
      %dma_start3A_193 = arith.constant 0 : i32
      %dma_start3A_194 = arith.constant 0 : i32
      %dma_start3A_195 = tpu.memref_slice %arg10[%dma_start3A_193, %dma_start3A_194] : memref<96x128xf32, #tpu.memory_space<vmem>> -> memref<96x128xf32, #tpu.memory_space<vmem>>
      tpu.enqueue_dma source(%dma_start3A_195 : memref<96x128xf32, #tpu.memory_space<vmem>>) target(%dma_start3A_192 : memref<96x128xf32, #tpu.memory_space<vmem_shared>>) target_semaphore(%run_scoped3A : memref<!tpu.dma_semaphore, #tpu.memory_space<semaphore_mem>>)
      %dma_wait3A_196 = arith.constant 0 : i32
      %dma_wait3A_197 = arith.constant 0 : i32
      %dma_wait3A_198 = tpu.memref_slice %arg10[%dma_wait3A_196, %dma_wait3A_197] : memref<96x128xf32, #tpu.memory_space<vmem>> -> memref<96x128xf32, #tpu.memory_space<vmem>>
      %dma_wait3A_199 = arith.constant 0 : i32
      %dma_wait3A_200 = tpu.memref_slice %arg13[%add3A_27, %dma_wait3A_199] : memref<10240x128xf32, #tpu.memory_space<vmem_shared>> -> memref<96x128xf32, #tpu.memory_space<vmem_shared>>
      %dma_wait3A_201 = arith.constant 0 : i32
      %dma_wait3A_202 = tpu.memref_slice %arg13[%add3A_27, %dma_wait3A_201] : memref<10240x128xf32, #tpu.memory_space<vmem_shared>> -> memref<96x128xf32, #tpu.memory_space<vmem_shared>>
      %dma_wait3A_203 = arith.constant 0 : i32
      %dma_wait3A_204 = arith.constant 0 : i32
      %dma_wait3A_205 = tpu.memref_slice %arg10[%dma_wait3A_203, %dma_wait3A_204] : memref<96x128xf32, #tpu.memory_space<vmem>> -> memref<96x128xf32, #tpu.memory_space<vmem>>
      tpu.wait_dma2 semaphore(%run_scoped3A : memref<!tpu.dma_semaphore, #tpu.memory_space<semaphore_mem>>) src(%dma_wait3A_205 : memref<96x128xf32, #tpu.memory_space<vmem>>) dst(%dma_wait3A_202 : memref<96x128xf32, #tpu.memory_space<vmem_shared>>)
      tpu.yield
    }) : () -> ()
    %mul3A_28 = arith.constant 640 : i32
    %mul3A_29 = arith.muli %arg1, %mul3A_28 : i32
    %add3A_30 = arith.constant 384 : i32
    %add3A_31 = arith.addi %mul3A_29, %add3A_30 : i32
    "tpu.region"() ({
      %run_scoped3A = tpu.sem_alloc : memref<!tpu.dma_semaphore, #tpu.memory_space<semaphore_mem>>
      %dma_start3A_186 = arith.constant 0 : i32
      %dma_start3A_187 = arith.constant 0 : i32
      %dma_start3A_188 = tpu.memref_slice %arg10[%dma_start3A_186, %dma_start3A_187] : memref<96x128xf32, #tpu.memory_space<vmem>> -> memref<96x128xf32, #tpu.memory_space<vmem>>
      %dma_start3A_189 = arith.constant 0 : i32
      %dma_start3A_190 = tpu.memref_slice %arg13[%add3A_31, %dma_start3A_189] : memref<10240x128xf32, #tpu.memory_space<vmem_shared>> -> memref<96x128xf32, #tpu.memory_space<vmem_shared>>
      %dma_start3A_191 = arith.constant 0 : i32
      %dma_start3A_192 = tpu.memref_slice %arg13[%add3A_31, %dma_start3A_191] : memref<10240x128xf32, #tpu.memory_space<vmem_shared>> -> memref<96x128xf32, #tpu.memory_space<vmem_shared>>
      %dma_start3A_193 = arith.constant 0 : i32
      %dma_start3A_194 = arith.constant 0 : i32
      %dma_start3A_195 = tpu.memref_slice %arg10[%dma_start3A_193, %dma_start3A_194] : memref<96x128xf32, #tpu.memory_space<vmem>> -> memref<96x128xf32, #tpu.memory_space<vmem>>
      tpu.enqueue_dma source(%dma_start3A_195 : memref<96x128xf32, #tpu.memory_space<vmem>>) target(%dma_start3A_192 : memref<96x128xf32, #tpu.memory_space<vmem_shared>>) target_semaphore(%run_scoped3A : memref<!tpu.dma_semaphore, #tpu.memory_space<semaphore_mem>>)
      %dma_wait3A_196 = arith.constant 0 : i32
      %dma_wait3A_197 = arith.constant 0 : i32
      %dma_wait3A_198 = tpu.memref_slice %arg10[%dma_wait3A_196, %dma_wait3A_197] : memref<96x128xf32, #tpu.memory_space<vmem>> -> memref<96x128xf32, #tpu.memory_space<vmem>>
      %dma_wait3A_199 = arith.constant 0 : i32
      %dma_wait3A_200 = tpu.memref_slice %arg13[%add3A_31, %dma_wait3A_199] : memref<10240x128xf32, #tpu.memory_space<vmem_shared>> -> memref<96x128xf32, #tpu.memory_space<vmem_shared>>
      %dma_wait3A_201 = arith.constant 0 : i32
      %dma_wait3A_202 = tpu.memref_slice %arg13[%add3A_31, %dma_wait3A_201] : memref<10240x128xf32, #tpu.memory_space<vmem_shared>> -> memref<96x128xf32, #tpu.memory_space<vmem_shared>>
      %dma_wait3A_203 = arith.constant 0 : i32
      %dma_wait3A_204 = arith.constant 0 : i32
      %dma_wait3A_205 = tpu.memref_slice %arg10[%dma_wait3A_203, %dma_wait3A_204] : memref<96x128xf32, #tpu.memory_space<vmem>> -> memref<96x128xf32, #tpu.memory_space<vmem>>
      tpu.wait_dma2 semaphore(%run_scoped3A : memref<!tpu.dma_semaphore, #tpu.memory_space<semaphore_mem>>) src(%dma_wait3A_205 : memref<96x128xf32, #tpu.memory_space<vmem>>) dst(%dma_wait3A_202 : memref<96x128xf32, #tpu.memory_space<vmem_shared>>)
      tpu.yield
    }) : () -> ()
    %mul3A_32 = arith.constant 640 : i32
    %mul3A_33 = arith.muli %arg1, %mul3A_32 : i32
    %add3A_34 = arith.constant 480 : i32
    %add3A_35 = arith.addi %mul3A_33, %add3A_34 : i32
    "tpu.region"() ({
      %run_scoped3A = tpu.sem_alloc : memref<!tpu.dma_semaphore, #tpu.memory_space<semaphore_mem>>
      %dma_start3A_186 = arith.constant 0 : i32
      %dma_start3A_187 = arith.constant 0 : i32
      %dma_start3A_188 = tpu.memref_slice %arg10[%dma_start3A_186, %dma_start3A_187] : memref<96x128xf32, #tpu.memory_space<vmem>> -> memref<96x128xf32, #tpu.memory_space<vmem>>
      %dma_start3A_189 = arith.constant 0 : i32
      %dma_start3A_190 = tpu.memref_slice %arg13[%add3A_35, %dma_start3A_189] : memref<10240x128xf32, #tpu.memory_space<vmem_shared>> -> memref<96x128xf32, #tpu.memory_space<vmem_shared>>
      %dma_start3A_191 = arith.constant 0 : i32
      %dma_start3A_192 = tpu.memref_slice %arg13[%add3A_35, %dma_start3A_191] : memref<10240x128xf32, #tpu.memory_space<vmem_shared>> -> memref<96x128xf32, #tpu.memory_space<vmem_shared>>
      %dma_start3A_193 = arith.constant 0 : i32
      %dma_start3A_194 = arith.constant 0 : i32
      %dma_start3A_195 = tpu.memref_slice %arg10[%dma_start3A_193, %dma_start3A_194] : memref<96x128xf32, #tpu.memory_space<vmem>> -> memref<96x128xf32, #tpu.memory_space<vmem>>
      tpu.enqueue_dma source(%dma_start3A_195 : memref<96x128xf32, #tpu.memory_space<vmem>>) target(%dma_start3A_192 : memref<96x128xf32, #tpu.memory_space<vmem_shared>>) target_semaphore(%run_scoped3A : memref<!tpu.dma_semaphore, #tpu.memory_space<semaphore_mem>>)
      %dma_wait3A_196 = arith.constant 0 : i32
      %dma_wait3A_197 = arith.constant 0 : i32
      %dma_wait3A_198 = tpu.memref_slice %arg10[%dma_wait3A_196, %dma_wait3A_197] : memref<96x128xf32, #tpu.memory_space<vmem>> -> memref<96x128xf32, #tpu.memory_space<vmem>>
      %dma_wait3A_199 = arith.constant 0 : i32
      %dma_wait3A_200 = tpu.memref_slice %arg13[%add3A_35, %dma_wait3A_199] : memref<10240x128xf32, #tpu.memory_space<vmem_shared>> -> memref<96x128xf32, #tpu.memory_space<vmem_shared>>
      %dma_wait3A_201 = arith.constant 0 : i32
      %dma_wait3A_202 = tpu.memref_slice %arg13[%add3A_35, %dma_wait3A_201] : memref<10240x128xf32, #tpu.memory_space<vmem_shared>> -> memref<96x128xf32, #tpu.memory_space<vmem_shared>>
      %dma_wait3A_203 = arith.constant 0 : i32
      %dma_wait3A_204 = arith.constant 0 : i32
      %dma_wait3A_205 = tpu.memref_slice %arg10[%dma_wait3A_203, %dma_wait3A_204] : memref<96x128xf32, #tpu.memory_space<vmem>> -> memref<96x128xf32, #tpu.memory_space<vmem>>
      tpu.wait_dma2 semaphore(%run_scoped3A : memref<!tpu.dma_semaphore, #tpu.memory_space<semaphore_mem>>) src(%dma_wait3A_205 : memref<96x128xf32, #tpu.memory_space<vmem>>) dst(%dma_wait3A_202 : memref<96x128xf32, #tpu.memory_space<vmem_shared>>)
      tpu.yield
    }) : () -> ()
    %mul3A_36 = arith.constant 640 : i32
    %mul3A_37 = arith.muli %arg1, %mul3A_36 : i32
    %add3A_38 = arith.constant 576 : i32
    %add3A_39 = arith.addi %mul3A_37, %add3A_38 : i32
    "tpu.region"() ({
      %run_scoped3A = tpu.sem_alloc : memref<!tpu.dma_semaphore, #tpu.memory_space<semaphore_mem>>
      %dma_start3A_186 = arith.constant 0 : i32
      %dma_start3A_187 = arith.constant 0 : i32
      %dma_start3A_188 = tpu.memref_slice %arg10[%dma_start3A_186, %dma_start3A_187] : memref<96x128xf32, #tpu.memory_space<vmem>> -> memref<64x128xf32, #tpu.memory_space<vmem>>
      %dma_start3A_189 = arith.constant 0 : i32
      %dma_start3A_190 = tpu.memref_slice %arg13[%add3A_39, %dma_start3A_189] : memref<10240x128xf32, #tpu.memory_space<vmem_shared>> -> memref<64x128xf32, #tpu.memory_space<vmem_shared>>
      %dma_start3A_191 = arith.constant 0 : i32
      %dma_start3A_192 = tpu.memref_slice %arg13[%add3A_39, %dma_start3A_191] : memref<10240x128xf32, #tpu.memory_space<vmem_shared>> -> memref<64x128xf32, #tpu.memory_space<vmem_shared>>
      %dma_start3A_193 = arith.constant 0 : i32
      %dma_start3A_194 = arith.constant 0 : i32
      %dma_start3A_195 = tpu.memref_slice %arg10[%dma_start3A_193, %dma_start3A_194] : memref<96x128xf32, #tpu.memory_space<vmem>> -> memref<64x128xf32, #tpu.memory_space<vmem>>
      tpu.enqueue_dma source(%dma_start3A_195 : memref<64x128xf32, #tpu.memory_space<vmem>>) target(%dma_start3A_192 : memref<64x128xf32, #tpu.memory_space<vmem_shared>>) target_semaphore(%run_scoped3A : memref<!tpu.dma_semaphore, #tpu.memory_space<semaphore_mem>>)
      %dma_wait3A_196 = arith.constant 0 : i32
      %dma_wait3A_197 = arith.constant 0 : i32
      %dma_wait3A_198 = tpu.memref_slice %arg10[%dma_wait3A_196, %dma_wait3A_197] : memref<96x128xf32, #tpu.memory_space<vmem>> -> memref<64x128xf32, #tpu.memory_space<vmem>>
      %dma_wait3A_199 = arith.constant 0 : i32
      %dma_wait3A_200 = tpu.memref_slice %arg13[%add3A_39, %dma_wait3A_199] : memref<10240x128xf32, #tpu.memory_space<vmem_shared>> -> memref<64x128xf32, #tpu.memory_space<vmem_shared>>
      %dma_wait3A_201 = arith.constant 0 : i32
      %dma_wait3A_202 = tpu.memref_slice %arg13[%add3A_39, %dma_wait3A_201] : memref<10240x128xf32, #tpu.memory_space<vmem_shared>> -> memref<64x128xf32, #tpu.memory_space<vmem_shared>>
      %dma_wait3A_203 = arith.constant 0 : i32
      %dma_wait3A_204 = arith.constant 0 : i32
      %dma_wait3A_205 = tpu.memref_slice %arg10[%dma_wait3A_203, %dma_wait3A_204] : memref<96x128xf32, #tpu.memory_space<vmem>> -> memref<64x128xf32, #tpu.memory_space<vmem>>
      tpu.wait_dma2 semaphore(%run_scoped3A : memref<!tpu.dma_semaphore, #tpu.memory_space<semaphore_mem>>) src(%dma_wait3A_205 : memref<64x128xf32, #tpu.memory_space<vmem>>) dst(%dma_wait3A_202 : memref<64x128xf32, #tpu.memory_space<vmem_shared>>)
      tpu.yield
    }) : () -> ()
    %scan3A_40 = arith.constant 0 : i32
    %scan3A_41 = arith.constant 0 : i32
    %scan3A_42 = arith.constant 40 : i32
    %scan3A_43 = arith.addi %scan3A_41, %scan3A_42 : i32
    %scan3A_44 = arith.constant 1 : i32
    scf.for %scan3A_186 = %scan3A_41 to %scan3A_43 step %scan3A_44  : i32 {
      %broadcast_in_dim3A_187 = arith.constant 0.000000e+00 : f32
      %broadcast_in_dim3A_188 = vector.broadcast %broadcast_in_dim3A_187 : f32 to vector<16xf32>
      %mul3A_189 = arith.constant 16 : i32
      %mul3A_190 = arith.muli %scan3A_186, %mul3A_189 : i32
      %swap3A_191 = arith.index_cast %mul3A_190 : i32 to index
      %swap3A_192 = tpu.vector_load %arg17[%swap3A_191] {strides = array<i32>} : memref<640xf32, #tpu.memory_space<vmem>>, vector<16xf32>,
      %swap3A_193 = vector.shape_cast %swap3A_192 : vector<16xf32> to vector<16xf32>
      %swap3A_194 = vector.shape_cast %broadcast_in_dim3A_188 : vector<16xf32> to vector<16xf32>
      tpu.vector_store %arg17[%swap3A_191], %swap3A_194 {strides = array<i32>} : memref<640xf32, #tpu.memory_space<vmem>>, vector<16xf32>,
    }
    %scan3A_45 = arith.constant 40 : i32
    %mul3A_46 = arith.constant 640 : i32
    %mul3A_47 = arith.muli %arg1, %mul3A_46 : i32
    "tpu.region"() ({
      %run_scoped3A = tpu.sem_alloc : memref<!tpu.dma_semaphore, #tpu.memory_space<semaphore_mem>>
      %dma_start3A_186 = tpu.memref_slice %arg14[%mul3A_47] : memref<10240xf32, #tpu.memory_space<vmem_shared>> -> memref<640xf32, #tpu.memory_space<vmem_shared>>
      %dma_start3A_187 = tpu.memref_slice %arg14[%mul3A_47] : memref<10240xf32, #tpu.memory_space<vmem_shared>> -> memref<640xf32, #tpu.memory_space<vmem_shared>>
      tpu.enqueue_dma source(%arg17 : memref<640xf32, #tpu.memory_space<vmem>>) target(%dma_start3A_187 : memref<640xf32, #tpu.memory_space<vmem_shared>>) target_semaphore(%run_scoped3A : memref<!tpu.dma_semaphore, #tpu.memory_space<semaphore_mem>>)
      %dma_wait3A_188 = tpu.memref_slice %arg14[%mul3A_47] : memref<10240xf32, #tpu.memory_space<vmem_shared>> -> memref<640xf32, #tpu.memory_space<vmem_shared>>
      %dma_wait3A_189 = tpu.memref_slice %arg14[%mul3A_47] : memref<10240xf32, #tpu.memory_space<vmem_shared>> -> memref<640xf32, #tpu.memory_space<vmem_shared>>
      tpu.wait_dma2 semaphore(%run_scoped3A : memref<!tpu.dma_semaphore, #tpu.memory_space<semaphore_mem>>) src(%arg17 : memref<640xf32, #tpu.memory_space<vmem>>) dst(%dma_wait3A_189 : memref<640xf32, #tpu.memory_space<vmem_shared>>)
      tpu.yield
    }) : () -> ()
    %broadcast_in_dim3A = arith.constant 1.000000e+00 : f32
    %broadcast_in_dim3A_48 = vector.broadcast %broadcast_in_dim3A : f32 to vector<16xf32>
    %swap3A = arith.constant 0 : index
    %swap3A_49 = tpu.vector_load %arg15[%swap3A] {strides = array<i32>} : memref<96xf32, #tpu.memory_space<vmem>>, vector<16xf32>,
    %swap3A_50 = vector.shape_cast %swap3A_49 : vector<16xf32> to vector<16xf32>
    %swap3A_51 = vector.shape_cast %broadcast_in_dim3A_48 : vector<16xf32> to vector<16xf32>
    tpu.vector_store %arg15[%swap3A], %swap3A_51 {strides = array<i32>} : memref<96xf32, #tpu.memory_space<vmem>>, vector<16xf32>,
    %broadcast_in_dim3A_52 = arith.constant 1.000000e+00 : f32
    %broadcast_in_dim3A_53 = vector.broadcast %broadcast_in_dim3A_52 : f32 to vector<16xf32>
    %swap3A_54 = arith.constant 16 : index
    %swap3A_55 = tpu.vector_load %arg15[%swap3A_54] {strides = array<i32>} : memref<96xf32, #tpu.memory_space<vmem>>, vector<16xf32>,
    %swap3A_56 = vector.shape_cast %swap3A_55 : vector<16xf32> to vector<16xf32>
    %swap3A_57 = vector.shape_cast %broadcast_in_dim3A_53 : vector<16xf32> to vector<16xf32>
    tpu.vector_store %arg15[%swap3A_54], %swap3A_57 {strides = array<i32>} : memref<96xf32, #tpu.memory_space<vmem>>, vector<16xf32>,
    %broadcast_in_dim3A_58 = arith.constant 1.000000e+00 : f32
    %broadcast_in_dim3A_59 = vector.broadcast %broadcast_in_dim3A_58 : f32 to vector<16xf32>
    %swap3A_60 = arith.constant 32 : index
    %swap3A_61 = tpu.vector_load %arg15[%swap3A_60] {strides = array<i32>} : memref<96xf32, #tpu.memory_space<vmem>>, vector<16xf32>,
    %swap3A_62 = vector.shape_cast %swap3A_61 : vector<16xf32> to vector<16xf32>
    %swap3A_63 = vector.shape_cast %broadcast_in_dim3A_59 : vector<16xf32> to vector<16xf32>
    tpu.vector_store %arg15[%swap3A_60], %swap3A_63 {strides = array<i32>} : memref<96xf32, #tpu.memory_space<vmem>>, vector<16xf32>,
    %broadcast_in_dim3A_64 = arith.constant 1.000000e+00 : f32
    %broadcast_in_dim3A_65 = vector.broadcast %broadcast_in_dim3A_64 : f32 to vector<16xf32>
    %swap3A_66 = arith.constant 48 : index
    %swap3A_67 = tpu.vector_load %arg15[%swap3A_66] {strides = array<i32>} : memref<96xf32, #tpu.memory_space<vmem>>, vector<16xf32>,
    %swap3A_68 = vector.shape_cast %swap3A_67 : vector<16xf32> to vector<16xf32>
    %swap3A_69 = vector.shape_cast %broadcast_in_dim3A_65 : vector<16xf32> to vector<16xf32>
    tpu.vector_store %arg15[%swap3A_66], %swap3A_69 {strides = array<i32>} : memref<96xf32, #tpu.memory_space<vmem>>, vector<16xf32>,
    %broadcast_in_dim3A_70 = arith.constant 1.000000e+00 : f32
    %broadcast_in_dim3A_71 = vector.broadcast %broadcast_in_dim3A_70 : f32 to vector<16xf32>
    %swap3A_72 = arith.constant 64 : index
    %swap3A_73 = tpu.vector_load %arg15[%swap3A_72] {strides = array<i32>} : memref<96xf32, #tpu.memory_space<vmem>>, vector<16xf32>,
    %swap3A_74 = vector.shape_cast %swap3A_73 : vector<16xf32> to vector<16xf32>
    %swap3A_75 = vector.shape_cast %broadcast_in_dim3A_71 : vector<16xf32> to vector<16xf32>
    tpu.vector_store %arg15[%swap3A_72], %swap3A_75 {strides = array<i32>} : memref<96xf32, #tpu.memory_space<vmem>>, vector<16xf32>,
    %broadcast_in_dim3A_76 = arith.constant 1.000000e+00 : f32
    %broadcast_in_dim3A_77 = vector.broadcast %broadcast_in_dim3A_76 : f32 to vector<16xf32>
    %swap3A_78 = arith.constant 80 : index
    %swap3A_79 = tpu.vector_load %arg15[%swap3A_78] {strides = array<i32>} : memref<96xf32, #tpu.memory_space<vmem>>, vector<16xf32>,
    %swap3A_80 = vector.shape_cast %swap3A_79 : vector<16xf32> to vector<16xf32>
    %swap3A_81 = vector.shape_cast %broadcast_in_dim3A_77 : vector<16xf32> to vector<16xf32>
    tpu.vector_store %arg15[%swap3A_78], %swap3A_81 {strides = array<i32>} : memref<96xf32, #tpu.memory_space<vmem>>, vector<16xf32>,
    %broadcast_in_dim3A_82 = arith.constant 1.000000e+00 : f32
    %broadcast_in_dim3A_83 = vector.broadcast %broadcast_in_dim3A_82 : f32 to vector<16xf32>
    %swap3A_84 = arith.constant 0 : index
    %swap3A_85 = tpu.vector_load %arg16[%swap3A_84] {strides = array<i32>} : memref<16xf32, #tpu.memory_space<vmem>>, vector<16xf32>,
    %swap3A_86 = vector.shape_cast %swap3A_85 : vector<16xf32> to vector<16xf32>
    %swap3A_87 = vector.shape_cast %broadcast_in_dim3A_83 : vector<16xf32> to vector<16xf32>
    tpu.vector_store %arg16[%swap3A_84], %swap3A_87 {strides = array<i32>} : memref<16xf32, #tpu.memory_space<vmem>>, vector<16xf32>,
    %barrier3A = arith.constant 0 : index
    tpu.barrier barrier_id(%barrier3A)
    %dma_start3A = arith.constant 0 : i32
    %dma_start3A_88 = tpu.memref_slice %arg6[%dma_start3A] : memref<10000xi32, #tpu.memory_space<vmem>> -> memref<96xi32, #tpu.memory_space<vmem>>
    %dma_start3A_89 = arith.constant 0 : i32
    %dma_start3A_90 = arith.constant 0 : i32
    %dma_start3A_91 = tpu.memref_slice %arg2[%dma_start3A_89, %dma_start3A_90] : memref<10240x128xf32, #tpu.memory_space<hbm>> -> memref<10240x128xf32, #tpu.memory_space<hbm>>
    tpu.enqueue_indirect_dma source(%dma_start3A_91 : memref<10240x128xf32, #tpu.memory_space<hbm>>) target(%arg10 : memref<96x128xf32, #tpu.memory_space<vmem>>) offsets(%dma_start3A_88 : memref<96xi32, #tpu.memory_space<vmem>>) semaphore(%arg18 : memref<!tpu.dma_semaphore, #tpu.memory_space<semaphore_mem>>)
    %add3A_92 = arith.constant 0 : i32
    %add3A_93 = arith.addi %add3A_4, %add3A_92 : i32
    %dma_start3A_94 = tpu.memref_slice %arg3[%add3A_93] : memref<640000xi32, #tpu.memory_space<hbm>> -> memref<96xi32, #tpu.memory_space<hbm>>
    %dma_start3A_95 = tpu.memref_slice %arg3[%add3A_93] : memref<640000xi32, #tpu.memory_space<hbm>> -> memref<96xi32, #tpu.memory_space<hbm>>
    tpu.enqueue_dma source(%dma_start3A_95 : memref<96xi32, #tpu.memory_space<hbm>>) target(%arg7 : memref<96xi32, #tpu.memory_space<vmem>>) target_semaphore(%arg20 : memref<!tpu.dma_semaphore, #tpu.memory_space<semaphore_mem>>)
    %dma_start3A_96 = arith.constant 96 : i32
    %dma_start3A_97 = tpu.memref_slice %arg6[%dma_start3A_96] : memref<10000xi32, #tpu.memory_space<vmem>> -> memref<96xi32, #tpu.memory_space<vmem>>
    %dma_start3A_98 = arith.constant 0 : i32
    %dma_start3A_99 = arith.constant 0 : i32
    %dma_start3A_100 = tpu.memref_slice %arg2[%dma_start3A_98, %dma_start3A_99] : memref<10240x128xf32, #tpu.memory_space<hbm>> -> memref<10240x128xf32, #tpu.memory_space<hbm>>
    tpu.enqueue_indirect_dma source(%dma_start3A_100 : memref<10240x128xf32, #tpu.memory_space<hbm>>) target(%arg11 : memref<96x128xf32, #tpu.memory_space<vmem>>) offsets(%dma_start3A_97 : memref<96xi32, #tpu.memory_space<vmem>>) semaphore(%arg19 : memref<!tpu.dma_semaphore, #tpu.memory_space<semaphore_mem>>)
    %add3A_101 = arith.constant 96 : i32
    %add3A_102 = arith.addi %add3A_4, %add3A_101 : i32
    %dma_start3A_103 = tpu.memref_slice %arg3[%add3A_102] : memref<640000xi32, #tpu.memory_space<hbm>> -> memref<96xi32, #tpu.memory_space<hbm>>
    %dma_start3A_104 = tpu.memref_slice %arg3[%add3A_102] : memref<640000xi32, #tpu.memory_space<hbm>> -> memref<96xi32, #tpu.memory_space<hbm>>
    tpu.enqueue_dma source(%dma_start3A_104 : memref<96xi32, #tpu.memory_space<hbm>>) target(%arg8 : memref<96xi32, #tpu.memory_space<vmem>>) target_semaphore(%arg21 : memref<!tpu.dma_semaphore, #tpu.memory_space<semaphore_mem>>)
    %scan3A_105 = arith.constant 0 : i32
    %scan3A_106 = arith.constant 0 : i32
    %scan3A_107 = arith.constant 52 : i32
    %scan3A_108 = arith.addi %scan3A_106, %scan3A_107 : i32
    %scan3A_109 = arith.constant 1 : i32
    scf.for %scan3A_186 = %scan3A_106 to %scan3A_108 step %scan3A_109  : i32 {
      %mul3A_187 = arith.constant 2 : i32
      %mul3A_188 = arith.muli %mul3A_187, %scan3A_186 : i32
      %add3A_189 = arith.constant 2 : i32
      %add3A_190 = arith.addi %mul3A_188, %add3A_189 : i32
      %dma_wait3A_191 = arith.constant 0 : i32
      %dma_wait3A_192 = tpu.memref_slice %arg6[%dma_wait3A_191] : memref<10000xi32, #tpu.memory_space<vmem>> -> memref<96xi32, #tpu.memory_space<vmem>>
      %dma_wait3A_193 = arith.constant 0 : i32
      %dma_wait3A_194 = arith.constant 0 : i32
      %dma_wait3A_195 = tpu.memref_slice %arg2[%dma_wait3A_193, %dma_wait3A_194] : memref<10240x128xf32, #tpu.memory_space<hbm>> -> memref<10240x128xf32, #tpu.memory_space<hbm>>
      tpu.wait_indirect_dma semaphore(%arg18 : memref<!tpu.dma_semaphore, #tpu.memory_space<semaphore_mem>>) src(%dma_wait3A_195 : memref<10240x128xf32, #tpu.memory_space<hbm>>) dst(%arg10 : memref<96x128xf32, #tpu.memory_space<vmem>>)
      %dma_wait3A_196 = arith.constant 0 : i32
      %dma_wait3A_197 = tpu.memref_slice %arg3[%dma_wait3A_196] : memref<640000xi32, #tpu.memory_space<hbm>> -> memref<96xi32, #tpu.memory_space<hbm>>
      %dma_wait3A_198 = arith.constant 0 : i32
      %dma_wait3A_199 = tpu.memref_slice %arg3[%dma_wait3A_198] : memref<640000xi32, #tpu.memory_space<hbm>> -> memref<96xi32, #tpu.memory_space<hbm>>
      tpu.wait_dma2 semaphore(%arg20 : memref<!tpu.dma_semaphore, #tpu.memory_space<semaphore_mem>>) src(%dma_wait3A_199 : memref<96xi32, #tpu.memory_space<hbm>>) dst(%arg7 : memref<96xi32, #tpu.memory_space<vmem>>)
      "tpu.region"() ({
        %run_scoped3A = tpu.sem_alloc : memref<!tpu.dma_semaphore, #tpu.memory_space<semaphore_mem>>
        %dma_start3A_220 = arith.constant 0 : i32
        %dma_start3A_221 = arith.constant 0 : i32
        %dma_start3A_222 = tpu.memref_slice %arg13[%dma_start3A_220, %dma_start3A_221] : memref<10240x128xf32, #tpu.memory_space<vmem_shared>> -> memref<10240x128xf32, #tpu.memory_space<vmem_shared>>
        tpu.enqueue_indirect_dma source(%arg10 : memref<96x128xf32, #tpu.memory_space<vmem>>) target(%dma_start3A_222 : memref<10240x128xf32, #tpu.memory_space<vmem_shared>>) offsets(%arg7 : memref<96xi32, #tpu.memory_space<vmem>>) semaphore(%run_scoped3A : memref<!tpu.dma_semaphore, #tpu.memory_space<semaphore_mem>>) {add = true}
        %dma_wait3A_223 = arith.constant 0 : i32
        %dma_wait3A_224 = arith.constant 0 : i32
        %dma_wait3A_225 = tpu.memref_slice %arg13[%dma_wait3A_223, %dma_wait3A_224] : memref<10240x128xf32, #tpu.memory_space<vmem_shared>> -> memref<10240x128xf32, #tpu.memory_space<vmem_shared>>
        tpu.wait_indirect_dma semaphore(%run_scoped3A : memref<!tpu.dma_semaphore, #tpu.memory_space<semaphore_mem>>) src(%arg10 : memref<96x128xf32, #tpu.memory_space<vmem>>) dst(%dma_wait3A_225 : memref<10240x128xf32, #tpu.memory_space<vmem_shared>>)
        tpu.yield
      }) : () -> ()
      "tpu.region"() ({
        %run_scoped3A = tpu.sem_alloc : memref<!tpu.dma_semaphore, #tpu.memory_space<semaphore_mem>>
        %dma_start3A_220 = arith.constant 0 : i32
        %dma_start3A_221 = tpu.memref_slice %arg14[%dma_start3A_220] : memref<10240xf32, #tpu.memory_space<vmem_shared>> -> memref<10240xf32, #tpu.memory_space<vmem_shared>>
        tpu.enqueue_indirect_dma source(%arg15 : memref<96xf32, #tpu.memory_space<vmem>>) target(%dma_start3A_221 : memref<10240xf32, #tpu.memory_space<vmem_shared>>) offsets(%arg7 : memref<96xi32, #tpu.memory_space<vmem>>) semaphore(%run_scoped3A : memref<!tpu.dma_semaphore, #tpu.memory_space<semaphore_mem>>) {add = true}
        %dma_wait3A_222 = arith.constant 0 : i32
        %dma_wait3A_223 = tpu.memref_slice %arg14[%dma_wait3A_222] : memref<10240xf32, #tpu.memory_space<vmem_shared>> -> memref<10240xf32, #tpu.memory_space<vmem_shared>>
        tpu.wait_indirect_dma semaphore(%run_scoped3A : memref<!tpu.dma_semaphore, #tpu.memory_space<semaphore_mem>>) src(%arg15 : memref<96xf32, #tpu.memory_space<vmem>>) dst(%dma_wait3A_223 : memref<10240xf32, #tpu.memory_space<vmem_shared>>)
        tpu.yield
      }) : () -> ()
      %lt3A = arith.constant 104 : i32
      %lt3A_200 = arith.cmpi slt, %add3A_190, %lt3A : i32
      %convert_element_type3A = arith.extui %lt3A_200 : i1 to i32
      %cond3A = arith.constant 0 : i32
      %cond3A_201 = arith.cmpi ne, %convert_element_type3A, %cond3A : i32
      scf.if %cond3A_201 {
        %mul3A_220 = arith.constant 96 : i32
        %mul3A_221 = arith.muli %add3A_190, %mul3A_220 : i32
        %dma_start3A_222 = tpu.memref_slice %arg6[%mul3A_221] : memref<10000xi32, #tpu.memory_space<vmem>> -> memref<96xi32, #tpu.memory_space<vmem>>
        %dma_start3A_223 = arith.constant 0 : i32
        %dma_start3A_224 = arith.constant 0 : i32
        %dma_start3A_225 = tpu.memref_slice %arg2[%dma_start3A_223, %dma_start3A_224] : memref<10240x128xf32, #tpu.memory_space<hbm>> -> memref<10240x128xf32, #tpu.memory_space<hbm>>
        tpu.enqueue_indirect_dma source(%dma_start3A_225 : memref<10240x128xf32, #tpu.memory_space<hbm>>) target(%arg10 : memref<96x128xf32, #tpu.memory_space<vmem>>) offsets(%dma_start3A_222 : memref<96xi32, #tpu.memory_space<vmem>>) semaphore(%arg18 : memref<!tpu.dma_semaphore, #tpu.memory_space<semaphore_mem>>)
        %mul3A_226 = arith.constant 96 : i32
        %mul3A_227 = arith.muli %add3A_190, %mul3A_226 : i32
        %add3A_228 = arith.addi %add3A_4, %mul3A_227 : i32
        %dma_start3A_229 = tpu.memref_slice %arg3[%add3A_228] : memref<640000xi32, #tpu.memory_space<hbm>> -> memref<96xi32, #tpu.memory_space<hbm>>
        %dma_start3A_230 = tpu.memref_slice %arg3[%add3A_228] : memref<640000xi32, #tpu.memory_space<hbm>> -> memref<96xi32, #tpu.memory_space<hbm>>
        tpu.enqueue_dma source(%dma_start3A_230 : memref<96xi32, #tpu.memory_space<hbm>>) target(%arg7 : memref<96xi32, #tpu.memory_space<vmem>>) target_semaphore(%arg20 : memref<!tpu.dma_semaphore, #tpu.memory_space<semaphore_mem>>)
      } else {
      }
      %add3A_202 = arith.constant 1 : i32
      %add3A_203 = arith.addi %mul3A_188, %add3A_202 : i32
      %add3A_204 = arith.constant 3 : i32
      %add3A_205 = arith.addi %mul3A_188, %add3A_204 : i32
      %dma_wait3A_206 = arith.constant 0 : i32
      %dma_wait3A_207 = tpu.memref_slice %arg6[%dma_wait3A_206] : memref<10000xi32, #tpu.memory_space<vmem>> -> memref<96xi32, #tpu.memory_space<vmem>>
      %dma_wait3A_208 = arith.constant 0 : i32
      %dma_wait3A_209 = arith.constant 0 : i32
      %dma_wait3A_210 = tpu.memref_slice %arg2[%dma_wait3A_208, %dma_wait3A_209] : memref<10240x128xf32, #tpu.memory_space<hbm>> -> memref<10240x128xf32, #tpu.memory_space<hbm>>
      tpu.wait_indirect_dma semaphore(%arg19 : memref<!tpu.dma_semaphore, #tpu.memory_space<semaphore_mem>>) src(%dma_wait3A_210 : memref<10240x128xf32, #tpu.memory_space<hbm>>) dst(%arg11 : memref<96x128xf32, #tpu.memory_space<vmem>>)
      %dma_wait3A_211 = arith.constant 0 : i32
      %dma_wait3A_212 = tpu.memref_slice %arg3[%dma_wait3A_211] : memref<640000xi32, #tpu.memory_space<hbm>> -> memref<96xi32, #tpu.memory_space<hbm>>
      %dma_wait3A_213 = arith.constant 0 : i32
      %dma_wait3A_214 = tpu.memref_slice %arg3[%dma_wait3A_213] : memref<640000xi32, #tpu.memory_space<hbm>> -> memref<96xi32, #tpu.memory_space<hbm>>
      tpu.wait_dma2 semaphore(%arg21 : memref<!tpu.dma_semaphore, #tpu.memory_space<semaphore_mem>>) src(%dma_wait3A_214 : memref<96xi32, #tpu.memory_space<hbm>>) dst(%arg8 : memref<96xi32, #tpu.memory_space<vmem>>)
      "tpu.region"() ({
        %run_scoped3A = tpu.sem_alloc : memref<!tpu.dma_semaphore, #tpu.memory_space<semaphore_mem>>
        %dma_start3A_220 = arith.constant 0 : i32
        %dma_start3A_221 = arith.constant 0 : i32
        %dma_start3A_222 = tpu.memref_slice %arg13[%dma_start3A_220, %dma_start3A_221] : memref<10240x128xf32, #tpu.memory_space<vmem_shared>> -> memref<10240x128xf32, #tpu.memory_space<vmem_shared>>
        tpu.enqueue_indirect_dma source(%arg11 : memref<96x128xf32, #tpu.memory_space<vmem>>) target(%dma_start3A_222 : memref<10240x128xf32, #tpu.memory_space<vmem_shared>>) offsets(%arg8 : memref<96xi32, #tpu.memory_space<vmem>>) semaphore(%run_scoped3A : memref<!tpu.dma_semaphore, #tpu.memory_space<semaphore_mem>>) {add = true}
        %dma_wait3A_223 = arith.constant 0 : i32
        %dma_wait3A_224 = arith.constant 0 : i32
        %dma_wait3A_225 = tpu.memref_slice %arg13[%dma_wait3A_223, %dma_wait3A_224] : memref<10240x128xf32, #tpu.memory_space<vmem_shared>> -> memref<10240x128xf32, #tpu.memory_space<vmem_shared>>
        tpu.wait_indirect_dma semaphore(%run_scoped3A : memref<!tpu.dma_semaphore, #tpu.memory_space<semaphore_mem>>) src(%arg11 : memref<96x128xf32, #tpu.memory_space<vmem>>) dst(%dma_wait3A_225 : memref<10240x128xf32, #tpu.memory_space<vmem_shared>>)
        tpu.yield
      }) : () -> ()
      "tpu.region"() ({
        %run_scoped3A = tpu.sem_alloc : memref<!tpu.dma_semaphore, #tpu.memory_space<semaphore_mem>>
        %dma_start3A_220 = arith.constant 0 : i32
        %dma_start3A_221 = tpu.memref_slice %arg14[%dma_start3A_220] : memref<10240xf32, #tpu.memory_space<vmem_shared>> -> memref<10240xf32, #tpu.memory_space<vmem_shared>>
        tpu.enqueue_indirect_dma source(%arg15 : memref<96xf32, #tpu.memory_space<vmem>>) target(%dma_start3A_221 : memref<10240xf32, #tpu.memory_space<vmem_shared>>) offsets(%arg8 : memref<96xi32, #tpu.memory_space<vmem>>) semaphore(%run_scoped3A : memref<!tpu.dma_semaphore, #tpu.memory_space<semaphore_mem>>) {add = true}
        %dma_wait3A_222 = arith.constant 0 : i32
        %dma_wait3A_223 = tpu.memref_slice %arg14[%dma_wait3A_222] : memref<10240xf32, #tpu.memory_space<vmem_shared>> -> memref<10240xf32, #tpu.memory_space<vmem_shared>>
        tpu.wait_indirect_dma semaphore(%run_scoped3A : memref<!tpu.dma_semaphore, #tpu.memory_space<semaphore_mem>>) src(%arg15 : memref<96xf32, #tpu.memory_space<vmem>>) dst(%dma_wait3A_223 : memref<10240xf32, #tpu.memory_space<vmem_shared>>)
        tpu.yield
      }) : () -> ()
      %lt3A_215 = arith.constant 104 : i32
      %lt3A_216 = arith.cmpi slt, %add3A_205, %lt3A_215 : i32
      %convert_element_type3A_217 = arith.extui %lt3A_216 : i1 to i32
      %cond3A_218 = arith.constant 0 : i32
      %cond3A_219 = arith.cmpi ne, %convert_element_type3A_217, %cond3A_218 : i32
      scf.if %cond3A_219 {
        %mul3A_220 = arith.constant 96 : i32
        %mul3A_221 = arith.muli %add3A_205, %mul3A_220 : i32
        %dma_start3A_222 = tpu.memref_slice %arg6[%mul3A_221] : memref<10000xi32, #tpu.memory_space<vmem>> -> memref<96xi32, #tpu.memory_space<vmem>>
        %dma_start3A_223 = arith.constant 0 : i32
        %dma_start3A_224 = arith.constant 0 : i32
        %dma_start3A_225 = tpu.memref_slice %arg2[%dma_start3A_223, %dma_start3A_224] : memref<10240x128xf32, #tpu.memory_space<hbm>> -> memref<10240x128xf32, #tpu.memory_space<hbm>>
        tpu.enqueue_indirect_dma source(%dma_start3A_225 : memref<10240x128xf32, #tpu.memory_space<hbm>>) target(%arg11 : memref<96x128xf32, #tpu.memory_space<vmem>>) offsets(%dma_start3A_222 : memref<96xi32, #tpu.memory_space<vmem>>) semaphore(%arg19 : memref<!tpu.dma_semaphore, #tpu.memory_space<semaphore_mem>>)
        %mul3A_226 = arith.constant 96 : i32
        %mul3A_227 = arith.muli %add3A_205, %mul3A_226 : i32
        %add3A_228 = arith.addi %add3A_4, %mul3A_227 : i32
        %dma_start3A_229 = tpu.memref_slice %arg3[%add3A_228] : memref<640000xi32, #tpu.memory_space<hbm>> -> memref<96xi32, #tpu.memory_space<hbm>>
        %dma_start3A_230 = tpu.memref_slice %arg3[%add3A_228] : memref<640000xi32, #tpu.memory_space<hbm>> -> memref<96xi32, #tpu.memory_space<hbm>>
        tpu.enqueue_dma source(%dma_start3A_230 : memref<96xi32, #tpu.memory_space<hbm>>) target(%arg8 : memref<96xi32, #tpu.memory_space<vmem>>) target_semaphore(%arg21 : memref<!tpu.dma_semaphore, #tpu.memory_space<semaphore_mem>>)
      } else {
      }
    }
    %scan3A_110 = arith.constant 52 : i32
    %dma_start3A_111 = arith.constant 9984 : i32
    %dma_start3A_112 = tpu.memref_slice %arg6[%dma_start3A_111] : memref<10000xi32, #tpu.memory_space<vmem>> -> memref<16xi32, #tpu.memory_space<vmem>>
    %dma_start3A_113 = arith.constant 0 : i32
    %dma_start3A_114 = arith.constant 0 : i32
    %dma_start3A_115 = tpu.memref_slice %arg2[%dma_start3A_113, %dma_start3A_114] : memref<10240x128xf32, #tpu.memory_space<hbm>> -> memref<10240x128xf32, #tpu.memory_space<hbm>>
    tpu.enqueue_indirect_dma source(%dma_start3A_115 : memref<10240x128xf32, #tpu.memory_space<hbm>>) target(%arg12 : memref<16x128xf32, #tpu.memory_space<vmem>>) offsets(%dma_start3A_112 : memref<16xi32, #tpu.memory_space<vmem>>) semaphore(%arg18 : memref<!tpu.dma_semaphore, #tpu.memory_space<semaphore_mem>>)
    %add3A_116 = arith.constant 9984 : i32
    %add3A_117 = arith.addi %add3A_4, %add3A_116 : i32
    "tpu.region"() ({
      %run_scoped3A = tpu.sem_alloc : memref<!tpu.dma_semaphore, #tpu.memory_space<semaphore_mem>>
      %dma_start3A_186 = tpu.memref_slice %arg3[%add3A_117] : memref<640000xi32, #tpu.memory_space<hbm>> -> memref<16xi32, #tpu.memory_space<hbm>>
      %dma_start3A_187 = tpu.memref_slice %arg3[%add3A_117] : memref<640000xi32, #tpu.memory_space<hbm>> -> memref<16xi32, #tpu.memory_space<hbm>>
      tpu.enqueue_dma source(%dma_start3A_187 : memref<16xi32, #tpu.memory_space<hbm>>) target(%arg9 : memref<16xi32, #tpu.memory_space<vmem>>) target_semaphore(%run_scoped3A : memref<!tpu.dma_semaphore, #tpu.memory_space<semaphore_mem>>)
      %dma_wait3A_188 = tpu.memref_slice %arg3[%add3A_117] : memref<640000xi32, #tpu.memory_space<hbm>> -> memref<16xi32, #tpu.memory_space<hbm>>
      %dma_wait3A_189 = tpu.memref_slice %arg3[%add3A_117] : memref<640000xi32, #tpu.memory_space<hbm>> -> memref<16xi32, #tpu.memory_space<hbm>>
      tpu.wait_dma2 semaphore(%run_scoped3A : memref<!tpu.dma_semaphore, #tpu.memory_space<semaphore_mem>>) src(%dma_wait3A_189 : memref<16xi32, #tpu.memory_space<hbm>>) dst(%arg9 : memref<16xi32, #tpu.memory_space<vmem>>)
      tpu.yield
    }) : () -> ()
    %dma_wait3A = arith.constant 0 : i32
    %dma_wait3A_118 = tpu.memref_slice %arg6[%dma_wait3A] : memref<10000xi32, #tpu.memory_space<vmem>> -> memref<16xi32, #tpu.memory_space<vmem>>
    %dma_wait3A_119 = arith.constant 0 : i32
    %dma_wait3A_120 = arith.constant 0 : i32
    %dma_wait3A_121 = tpu.memref_slice %arg2[%dma_wait3A_119, %dma_wait3A_120] : memref<10240x128xf32, #tpu.memory_space<hbm>> -> memref<10240x128xf32, #tpu.memory_space<hbm>>
    tpu.wait_indirect_dma semaphore(%arg18 : memref<!tpu.dma_semaphore, #tpu.memory_space<semaphore_mem>>) src(%dma_wait3A_121 : memref<10240x128xf32, #tpu.memory_space<hbm>>) dst(%arg12 : memref<16x128xf32, #tpu.memory_space<vmem>>)
    "tpu.region"() ({
      %run_scoped3A = tpu.sem_alloc : memref<!tpu.dma_semaphore, #tpu.memory_space<semaphore_mem>>
      %dma_start3A_186 = arith.constant 0 : i32
      %dma_start3A_187 = arith.constant 0 : i32
      %dma_start3A_188 = tpu.memref_slice %arg13[%dma_start3A_186, %dma_start3A_187] : memref<10240x128xf32, #tpu.memory_space<vmem_shared>> -> memref<10240x128xf32, #tpu.memory_space<vmem_shared>>
      tpu.enqueue_indirect_dma source(%arg12 : memref<16x128xf32, #tpu.memory_space<vmem>>) target(%dma_start3A_188 : memref<10240x128xf32, #tpu.memory_space<vmem_shared>>) offsets(%arg9 : memref<16xi32, #tpu.memory_space<vmem>>) semaphore(%run_scoped3A : memref<!tpu.dma_semaphore, #tpu.memory_space<semaphore_mem>>) {add = true}
      %dma_wait3A_189 = arith.constant 0 : i32
      %dma_wait3A_190 = arith.constant 0 : i32
      %dma_wait3A_191 = tpu.memref_slice %arg13[%dma_wait3A_189, %dma_wait3A_190] : memref<10240x128xf32, #tpu.memory_space<vmem_shared>> -> memref<10240x128xf32, #tpu.memory_space<vmem_shared>>
      tpu.wait_indirect_dma semaphore(%run_scoped3A : memref<!tpu.dma_semaphore, #tpu.memory_space<semaphore_mem>>) src(%arg12 : memref<16x128xf32, #tpu.memory_space<vmem>>) dst(%dma_wait3A_191 : memref<10240x128xf32, #tpu.memory_space<vmem_shared>>)
      tpu.yield
    }) : () -> ()
    "tpu.region"() ({
      %run_scoped3A = tpu.sem_alloc : memref<!tpu.dma_semaphore, #tpu.memory_space<semaphore_mem>>
      %dma_start3A_186 = arith.constant 0 : i32
      %dma_start3A_187 = tpu.memref_slice %arg14[%dma_start3A_186] : memref<10240xf32, #tpu.memory_space<vmem_shared>> -> memref<10240xf32, #tpu.memory_space<vmem_shared>>
      tpu.enqueue_indirect_dma source(%arg16 : memref<16xf32, #tpu.memory_space<vmem>>) target(%dma_start3A_187 : memref<10240xf32, #tpu.memory_space<vmem_shared>>) offsets(%arg9 : memref<16xi32, #tpu.memory_space<vmem>>) semaphore(%run_scoped3A : memref<!tpu.dma_semaphore, #tpu.memory_space<semaphore_mem>>) {add = true}
      %dma_wait3A_188 = arith.constant 0 : i32
      %dma_wait3A_189 = tpu.memref_slice %arg14[%dma_wait3A_188] : memref<10240xf32, #tpu.memory_space<vmem_shared>> -> memref<10240xf32, #tpu.memory_space<vmem_shared>>
      tpu.wait_indirect_dma semaphore(%run_scoped3A : memref<!tpu.dma_semaphore, #tpu.memory_space<semaphore_mem>>) src(%arg16 : memref<16xf32, #tpu.memory_space<vmem>>) dst(%dma_wait3A_189 : memref<10240xf32, #tpu.memory_space<vmem_shared>>)
      tpu.yield
    }) : () -> ()
    %barrier3A_122 = arith.constant 0 : index
    tpu.barrier barrier_id(%barrier3A_122)
    %mul3A_123 = arith.constant 640 : i32
    %mul3A_124 = arith.muli %arg1, %mul3A_123 : i32
    %add3A_125 = arith.constant 0 : i32
    %add3A_126 = arith.addi %mul3A_124, %add3A_125 : i32
    "tpu.region"() ({
      %run_scoped3A = tpu.sem_alloc : memref<!tpu.dma_semaphore, #tpu.memory_space<semaphore_mem>>
      %dma_start3A_186 = arith.constant 0 : i32
      %dma_start3A_187 = arith.constant 0 : i32
      %dma_start3A_188 = tpu.memref_slice %arg10[%dma_start3A_186, %dma_start3A_187] : memref<96x128xf32, #tpu.memory_space<vmem>> -> memref<96x128xf32, #tpu.memory_space<vmem>>
      %dma_start3A_189 = arith.constant 0 : i32
      %dma_start3A_190 = tpu.memref_slice %arg13[%add3A_126, %dma_start3A_189] : memref<10240x128xf32, #tpu.memory_space<vmem_shared>> -> memref<96x128xf32, #tpu.memory_space<vmem_shared>>
      %dma_start3A_191 = arith.constant 0 : i32
      %dma_start3A_192 = arith.constant 0 : i32
      %dma_start3A_193 = tpu.memref_slice %arg10[%dma_start3A_191, %dma_start3A_192] : memref<96x128xf32, #tpu.memory_space<vmem>> -> memref<96x128xf32, #tpu.memory_space<vmem>>
      %dma_start3A_194 = arith.constant 0 : i32
      %dma_start3A_195 = tpu.memref_slice %arg13[%add3A_126, %dma_start3A_194] : memref<10240x128xf32, #tpu.memory_space<vmem_shared>> -> memref<96x128xf32, #tpu.memory_space<vmem_shared>>
      tpu.enqueue_dma source(%dma_start3A_195 : memref<96x128xf32, #tpu.memory_space<vmem_shared>>) target(%dma_start3A_193 : memref<96x128xf32, #tpu.memory_space<vmem>>) target_semaphore(%run_scoped3A : memref<!tpu.dma_semaphore, #tpu.memory_space<semaphore_mem>>)
      %dma_wait3A_196 = arith.constant 0 : i32
      %dma_wait3A_197 = arith.constant 0 : i32
      %dma_wait3A_198 = tpu.memref_slice %arg10[%dma_wait3A_196, %dma_wait3A_197] : memref<96x128xf32, #tpu.memory_space<vmem>> -> memref<96x128xf32, #tpu.memory_space<vmem>>
      %dma_wait3A_199 = arith.constant 0 : i32
      %dma_wait3A_200 = tpu.memref_slice %arg13[%add3A_126, %dma_wait3A_199] : memref<10240x128xf32, #tpu.memory_space<vmem_shared>> -> memref<96x128xf32, #tpu.memory_space<vmem_shared>>
      %dma_wait3A_201 = arith.constant 0 : i32
      %dma_wait3A_202 = arith.constant 0 : i32
      %dma_wait3A_203 = tpu.memref_slice %arg10[%dma_wait3A_201, %dma_wait3A_202] : memref<96x128xf32, #tpu.memory_space<vmem>> -> memref<96x128xf32, #tpu.memory_space<vmem>>
      %dma_wait3A_204 = arith.constant 0 : i32
      %dma_wait3A_205 = tpu.memref_slice %arg13[%add3A_126, %dma_wait3A_204] : memref<10240x128xf32, #tpu.memory_space<vmem_shared>> -> memref<96x128xf32, #tpu.memory_space<vmem_shared>>
      tpu.wait_dma2 semaphore(%run_scoped3A : memref<!tpu.dma_semaphore, #tpu.memory_space<semaphore_mem>>) src(%dma_wait3A_205 : memref<96x128xf32, #tpu.memory_space<vmem_shared>>) dst(%dma_wait3A_203 : memref<96x128xf32, #tpu.memory_space<vmem>>)
      tpu.yield
    }) : () -> ()
    %mul3A_127 = arith.constant 640 : i32
    %mul3A_128 = arith.muli %arg1, %mul3A_127 : i32
    %add3A_129 = arith.constant 0 : i32
    %add3A_130 = arith.addi %mul3A_128, %add3A_129 : i32
    "tpu.region"() ({
      %run_scoped3A = tpu.sem_alloc : memref<!tpu.dma_semaphore, #tpu.memory_space<semaphore_mem>>
      %dma_start3A_186 = arith.constant 0 : i32
      %dma_start3A_187 = arith.constant 0 : i32
      %dma_start3A_188 = tpu.memref_slice %arg10[%dma_start3A_186, %dma_start3A_187] : memref<96x128xf32, #tpu.memory_space<vmem>> -> memref<96x128xf32, #tpu.memory_space<vmem>>
      %dma_start3A_189 = arith.constant 0 : i32
      %dma_start3A_190 = tpu.memref_slice %arg4[%arg0, %add3A_130, %dma_start3A_189] : memref<2x10240x128xf32, #tpu.memory_space<hbm>> -> memref<1x96x128xf32, #tpu.memory_space<hbm>>
      %dma_start3A_191 = tpu.memref_squeeze %dma_start3A_190 : memref<1x96x128xf32, #tpu.memory_space<hbm>> -> memref<96x128xf32, #tpu.memory_space<hbm>>
      %dma_start3A_192 = arith.constant 0 : i32
      %dma_start3A_193 = tpu.memref_slice %arg4[%arg0, %add3A_130, %dma_start3A_192] : memref<2x10240x128xf32, #tpu.memory_space<hbm>> -> memref<1x96x128xf32, #tpu.memory_space<hbm>>
      %dma_start3A_194 = tpu.memref_squeeze %dma_start3A_193 : memref<1x96x128xf32, #tpu.memory_space<hbm>> -> memref<96x128xf32, #tpu.memory_space<hbm>>
      %dma_start3A_195 = arith.constant 0 : i32
      %dma_start3A_196 = arith.constant 0 : i32
      %dma_start3A_197 = tpu.memref_slice %arg10[%dma_start3A_195, %dma_start3A_196] : memref<96x128xf32, #tpu.memory_space<vmem>> -> memref<96x128xf32, #tpu.memory_space<vmem>>
      tpu.enqueue_dma source(%dma_start3A_197 : memref<96x128xf32, #tpu.memory_space<vmem>>) target(%dma_start3A_194 : memref<96x128xf32, #tpu.memory_space<hbm>>) target_semaphore(%run_scoped3A : memref<!tpu.dma_semaphore, #tpu.memory_space<semaphore_mem>>)
      %dma_wait3A_198 = arith.constant 0 : i32
      %dma_wait3A_199 = arith.constant 0 : i32
      %dma_wait3A_200 = tpu.memref_slice %arg10[%dma_wait3A_198, %dma_wait3A_199] : memref<96x128xf32, #tpu.memory_space<vmem>> -> memref<96x128xf32, #tpu.memory_space<vmem>>
      %dma_wait3A_201 = arith.constant 0 : i32
      %dma_wait3A_202 = tpu.memref_slice %arg4[%arg0, %add3A_130, %dma_wait3A_201] : memref<2x10240x128xf32, #tpu.memory_space<hbm>> -> memref<1x96x128xf32, #tpu.memory_space<hbm>>
      %dma_wait3A_203 = tpu.memref_squeeze %dma_wait3A_202 : memref<1x96x128xf32, #tpu.memory_space<hbm>> -> memref<96x128xf32, #tpu.memory_space<hbm>>
      %dma_wait3A_204 = arith.constant 0 : i32
      %dma_wait3A_205 = tpu.memref_slice %arg4[%arg0, %add3A_130, %dma_wait3A_204] : memref<2x10240x128xf32, #tpu.memory_space<hbm>> -> memref<1x96x128xf32, #tpu.memory_space<hbm>>
      %dma_wait3A_206 = tpu.memref_squeeze %dma_wait3A_205 : memref<1x96x128xf32, #tpu.memory_space<hbm>> -> memref<96x128xf32, #tpu.memory_space<hbm>>
      %dma_wait3A_207 = arith.constant 0 : i32
      %dma_wait3A_208 = arith.constant 0 : i32
      %dma_wait3A_209 = tpu.memref_slice %arg10[%dma_wait3A_207, %dma_wait3A_208] : memref<96x128xf32, #tpu.memory_space<vmem>> -> memref<96x128xf32, #tpu.memory_space<vmem>>
      tpu.wait_dma2 semaphore(%run_scoped3A : memref<!tpu.dma_semaphore, #tpu.memory_space<semaphore_mem>>) src(%dma_wait3A_209 : memref<96x128xf32, #tpu.memory_space<vmem>>) dst(%dma_wait3A_206 : memref<96x128xf32, #tpu.memory_space<hbm>>)
      tpu.yield
    }) : () -> ()
    %mul3A_131 = arith.constant 640 : i32
    %mul3A_132 = arith.muli %arg1, %mul3A_131 : i32
    %add3A_133 = arith.constant 96 : i32
    %add3A_134 = arith.addi %mul3A_132, %add3A_133 : i32
    "tpu.region"() ({
      %run_scoped3A = tpu.sem_alloc : memref<!tpu.dma_semaphore, #tpu.memory_space<semaphore_mem>>
      %dma_start3A_186 = arith.constant 0 : i32
      %dma_start3A_187 = arith.constant 0 : i32
      %dma_start3A_188 = tpu.memref_slice %arg10[%dma_start3A_186, %dma_start3A_187] : memref<96x128xf32, #tpu.memory_space<vmem>> -> memref<96x128xf32, #tpu.memory_space<vmem>>
      %dma_start3A_189 = arith.constant 0 : i32
      %dma_start3A_190 = tpu.memref_slice %arg13[%add3A_134, %dma_start3A_189] : memref<10240x128xf32, #tpu.memory_space<vmem_shared>> -> memref<96x128xf32, #tpu.memory_space<vmem_shared>>
      %dma_start3A_191 = arith.constant 0 : i32
      %dma_start3A_192 = arith.constant 0 : i32
      %dma_start3A_193 = tpu.memref_slice %arg10[%dma_start3A_191, %dma_start3A_192] : memref<96x128xf32, #tpu.memory_space<vmem>> -> memref<96x128xf32, #tpu.memory_space<vmem>>
      %dma_start3A_194 = arith.constant 0 : i32
      %dma_start3A_195 = tpu.memref_slice %arg13[%add3A_134, %dma_start3A_194] : memref<10240x128xf32, #tpu.memory_space<vmem_shared>> -> memref<96x128xf32, #tpu.memory_space<vmem_shared>>
      tpu.enqueue_dma source(%dma_start3A_195 : memref<96x128xf32, #tpu.memory_space<vmem_shared>>) target(%dma_start3A_193 : memref<96x128xf32, #tpu.memory_space<vmem>>) target_semaphore(%run_scoped3A : memref<!tpu.dma_semaphore, #tpu.memory_space<semaphore_mem>>)
      %dma_wait3A_196 = arith.constant 0 : i32
      %dma_wait3A_197 = arith.constant 0 : i32
      %dma_wait3A_198 = tpu.memref_slice %arg10[%dma_wait3A_196, %dma_wait3A_197] : memref<96x128xf32, #tpu.memory_space<vmem>> -> memref<96x128xf32, #tpu.memory_space<vmem>>
      %dma_wait3A_199 = arith.constant 0 : i32
      %dma_wait3A_200 = tpu.memref_slice %arg13[%add3A_134, %dma_wait3A_199] : memref<10240x128xf32, #tpu.memory_space<vmem_shared>> -> memref<96x128xf32, #tpu.memory_space<vmem_shared>>
      %dma_wait3A_201 = arith.constant 0 : i32
      %dma_wait3A_202 = arith.constant 0 : i32
      %dma_wait3A_203 = tpu.memref_slice %arg10[%dma_wait3A_201, %dma_wait3A_202] : memref<96x128xf32, #tpu.memory_space<vmem>> -> memref<96x128xf32, #tpu.memory_space<vmem>>
      %dma_wait3A_204 = arith.constant 0 : i32
      %dma_wait3A_205 = tpu.memref_slice %arg13[%add3A_134, %dma_wait3A_204] : memref<10240x128xf32, #tpu.memory_space<vmem_shared>> -> memref<96x128xf32, #tpu.memory_space<vmem_shared>>
      tpu.wait_dma2 semaphore(%run_scoped3A : memref<!tpu.dma_semaphore, #tpu.memory_space<semaphore_mem>>) src(%dma_wait3A_205 : memref<96x128xf32, #tpu.memory_space<vmem_shared>>) dst(%dma_wait3A_203 : memref<96x128xf32, #tpu.memory_space<vmem>>)
      tpu.yield
    }) : () -> ()
    %mul3A_135 = arith.constant 640 : i32
    %mul3A_136 = arith.muli %arg1, %mul3A_135 : i32
    %add3A_137 = arith.constant 96 : i32
    %add3A_138 = arith.addi %mul3A_136, %add3A_137 : i32
    "tpu.region"() ({
      %run_scoped3A = tpu.sem_alloc : memref<!tpu.dma_semaphore, #tpu.memory_space<semaphore_mem>>
      %dma_start3A_186 = arith.constant 0 : i32
      %dma_start3A_187 = arith.constant 0 : i32
      %dma_start3A_188 = tpu.memref_slice %arg10[%dma_start3A_186, %dma_start3A_187] : memref<96x128xf32, #tpu.memory_space<vmem>> -> memref<96x128xf32, #tpu.memory_space<vmem>>
      %dma_start3A_189 = arith.constant 0 : i32
      %dma_start3A_190 = tpu.memref_slice %arg4[%arg0, %add3A_138, %dma_start3A_189] : memref<2x10240x128xf32, #tpu.memory_space<hbm>> -> memref<1x96x128xf32, #tpu.memory_space<hbm>>
      %dma_start3A_191 = tpu.memref_squeeze %dma_start3A_190 : memref<1x96x128xf32, #tpu.memory_space<hbm>> -> memref<96x128xf32, #tpu.memory_space<hbm>>
      %dma_start3A_192 = arith.constant 0 : i32
      %dma_start3A_193 = tpu.memref_slice %arg4[%arg0, %add3A_138, %dma_start3A_192] : memref<2x10240x128xf32, #tpu.memory_space<hbm>> -> memref<1x96x128xf32, #tpu.memory_space<hbm>>
      %dma_start3A_194 = tpu.memref_squeeze %dma_start3A_193 : memref<1x96x128xf32, #tpu.memory_space<hbm>> -> memref<96x128xf32, #tpu.memory_space<hbm>>
      %dma_start3A_195 = arith.constant 0 : i32
      %dma_start3A_196 = arith.constant 0 : i32
      %dma_start3A_197 = tpu.memref_slice %arg10[%dma_start3A_195, %dma_start3A_196] : memref<96x128xf32, #tpu.memory_space<vmem>> -> memref<96x128xf32, #tpu.memory_space<vmem>>
      tpu.enqueue_dma source(%dma_start3A_197 : memref<96x128xf32, #tpu.memory_space<vmem>>) target(%dma_start3A_194 : memref<96x128xf32, #tpu.memory_space<hbm>>) target_semaphore(%run_scoped3A : memref<!tpu.dma_semaphore, #tpu.memory_space<semaphore_mem>>)
      %dma_wait3A_198 = arith.constant 0 : i32
      %dma_wait3A_199 = arith.constant 0 : i32
      %dma_wait3A_200 = tpu.memref_slice %arg10[%dma_wait3A_198, %dma_wait3A_199] : memref<96x128xf32, #tpu.memory_space<vmem>> -> memref<96x128xf32, #tpu.memory_space<vmem>>
      %dma_wait3A_201 = arith.constant 0 : i32
      %dma_wait3A_202 = tpu.memref_slice %arg4[%arg0, %add3A_138, %dma_wait3A_201] : memref<2x10240x128xf32, #tpu.memory_space<hbm>> -> memref<1x96x128xf32, #tpu.memory_space<hbm>>
      %dma_wait3A_203 = tpu.memref_squeeze %dma_wait3A_202 : memref<1x96x128xf32, #tpu.memory_space<hbm>> -> memref<96x128xf32, #tpu.memory_space<hbm>>
      %dma_wait3A_204 = arith.constant 0 : i32
      %dma_wait3A_205 = tpu.memref_slice %arg4[%arg0, %add3A_138, %dma_wait3A_204] : memref<2x10240x128xf32, #tpu.memory_space<hbm>> -> memref<1x96x128xf32, #tpu.memory_space<hbm>>
      %dma_wait3A_206 = tpu.memref_squeeze %dma_wait3A_205 : memref<1x96x128xf32, #tpu.memory_space<hbm>> -> memref<96x128xf32, #tpu.memory_space<hbm>>
      %dma_wait3A_207 = arith.constant 0 : i32
      %dma_wait3A_208 = arith.constant 0 : i32
      %dma_wait3A_209 = tpu.memref_slice %arg10[%dma_wait3A_207, %dma_wait3A_208] : memref<96x128xf32, #tpu.memory_space<vmem>> -> memref<96x128xf32, #tpu.memory_space<vmem>>
      tpu.wait_dma2 semaphore(%run_scoped3A : memref<!tpu.dma_semaphore, #tpu.memory_space<semaphore_mem>>) src(%dma_wait3A_209 : memref<96x128xf32, #tpu.memory_space<vmem>>) dst(%dma_wait3A_206 : memref<96x128xf32, #tpu.memory_space<hbm>>)
      tpu.yield
    }) : () -> ()
    %mul3A_139 = arith.constant 640 : i32
    %mul3A_140 = arith.muli %arg1, %mul3A_139 : i32
    %add3A_141 = arith.constant 192 : i32
    %add3A_142 = arith.addi %mul3A_140, %add3A_141 : i32
    "tpu.region"() ({
      %run_scoped3A = tpu.sem_alloc : memref<!tpu.dma_semaphore, #tpu.memory_space<semaphore_mem>>
      %dma_start3A_186 = arith.constant 0 : i32
      %dma_start3A_187 = arith.constant 0 : i32
      %dma_start3A_188 = tpu.memref_slice %arg10[%dma_start3A_186, %dma_start3A_187] : memref<96x128xf32, #tpu.memory_space<vmem>> -> memref<96x128xf32, #tpu.memory_space<vmem>>
      %dma_start3A_189 = arith.constant 0 : i32
      %dma_start3A_190 = tpu.memref_slice %arg13[%add3A_142, %dma_start3A_189] : memref<10240x128xf32, #tpu.memory_space<vmem_shared>> -> memref<96x128xf32, #tpu.memory_space<vmem_shared>>
      %dma_start3A_191 = arith.constant 0 : i32
      %dma_start3A_192 = arith.constant 0 : i32
      %dma_start3A_193 = tpu.memref_slice %arg10[%dma_start3A_191, %dma_start3A_192] : memref<96x128xf32, #tpu.memory_space<vmem>> -> memref<96x128xf32, #tpu.memory_space<vmem>>
      %dma_start3A_194 = arith.constant 0 : i32
      %dma_start3A_195 = tpu.memref_slice %arg13[%add3A_142, %dma_start3A_194] : memref<10240x128xf32, #tpu.memory_space<vmem_shared>> -> memref<96x128xf32, #tpu.memory_space<vmem_shared>>
      tpu.enqueue_dma source(%dma_start3A_195 : memref<96x128xf32, #tpu.memory_space<vmem_shared>>) target(%dma_start3A_193 : memref<96x128xf32, #tpu.memory_space<vmem>>) target_semaphore(%run_scoped3A : memref<!tpu.dma_semaphore, #tpu.memory_space<semaphore_mem>>)
      %dma_wait3A_196 = arith.constant 0 : i32
      %dma_wait3A_197 = arith.constant 0 : i32
      %dma_wait3A_198 = tpu.memref_slice %arg10[%dma_wait3A_196, %dma_wait3A_197] : memref<96x128xf32, #tpu.memory_space<vmem>> -> memref<96x128xf32, #tpu.memory_space<vmem>>
      %dma_wait3A_199 = arith.constant 0 : i32
      %dma_wait3A_200 = tpu.memref_slice %arg13[%add3A_142, %dma_wait3A_199] : memref<10240x128xf32, #tpu.memory_space<vmem_shared>> -> memref<96x128xf32, #tpu.memory_space<vmem_shared>>
      %dma_wait3A_201 = arith.constant 0 : i32
      %dma_wait3A_202 = arith.constant 0 : i32
      %dma_wait3A_203 = tpu.memref_slice %arg10[%dma_wait3A_201, %dma_wait3A_202] : memref<96x128xf32, #tpu.memory_space<vmem>> -> memref<96x128xf32, #tpu.memory_space<vmem>>
      %dma_wait3A_204 = arith.constant 0 : i32
      %dma_wait3A_205 = tpu.memref_slice %arg13[%add3A_142, %dma_wait3A_204] : memref<10240x128xf32, #tpu.memory_space<vmem_shared>> -> memref<96x128xf32, #tpu.memory_space<vmem_shared>>
      tpu.wait_dma2 semaphore(%run_scoped3A : memref<!tpu.dma_semaphore, #tpu.memory_space<semaphore_mem>>) src(%dma_wait3A_205 : memref<96x128xf32, #tpu.memory_space<vmem_shared>>) dst(%dma_wait3A_203 : memref<96x128xf32, #tpu.memory_space<vmem>>)
      tpu.yield
    }) : () -> ()
    %mul3A_143 = arith.constant 640 : i32
    %mul3A_144 = arith.muli %arg1, %mul3A_143 : i32
    %add3A_145 = arith.constant 192 : i32
    %add3A_146 = arith.addi %mul3A_144, %add3A_145 : i32
    "tpu.region"() ({
      %run_scoped3A = tpu.sem_alloc : memref<!tpu.dma_semaphore, #tpu.memory_space<semaphore_mem>>
      %dma_start3A_186 = arith.constant 0 : i32
      %dma_start3A_187 = arith.constant 0 : i32
      %dma_start3A_188 = tpu.memref_slice %arg10[%dma_start3A_186, %dma_start3A_187] : memref<96x128xf32, #tpu.memory_space<vmem>> -> memref<96x128xf32, #tpu.memory_space<vmem>>
      %dma_start3A_189 = arith.constant 0 : i32
      %dma_start3A_190 = tpu.memref_slice %arg4[%arg0, %add3A_146, %dma_start3A_189] : memref<2x10240x128xf32, #tpu.memory_space<hbm>> -> memref<1x96x128xf32, #tpu.memory_space<hbm>>
      %dma_start3A_191 = tpu.memref_squeeze %dma_start3A_190 : memref<1x96x128xf32, #tpu.memory_space<hbm>> -> memref<96x128xf32, #tpu.memory_space<hbm>>
      %dma_start3A_192 = arith.constant 0 : i32
      %dma_start3A_193 = tpu.memref_slice %arg4[%arg0, %add3A_146, %dma_start3A_192] : memref<2x10240x128xf32, #tpu.memory_space<hbm>> -> memref<1x96x128xf32, #tpu.memory_space<hbm>>
      %dma_start3A_194 = tpu.memref_squeeze %dma_start3A_193 : memref<1x96x128xf32, #tpu.memory_space<hbm>> -> memref<96x128xf32, #tpu.memory_space<hbm>>
      %dma_start3A_195 = arith.constant 0 : i32
      %dma_start3A_196 = arith.constant 0 : i32
      %dma_start3A_197 = tpu.memref_slice %arg10[%dma_start3A_195, %dma_start3A_196] : memref<96x128xf32, #tpu.memory_space<vmem>> -> memref<96x128xf32, #tpu.memory_space<vmem>>
      tpu.enqueue_dma source(%dma_start3A_197 : memref<96x128xf32, #tpu.memory_space<vmem>>) target(%dma_start3A_194 : memref<96x128xf32, #tpu.memory_space<hbm>>) target_semaphore(%run_scoped3A : memref<!tpu.dma_semaphore, #tpu.memory_space<semaphore_mem>>)
      %dma_wait3A_198 = arith.constant 0 : i32
      %dma_wait3A_199 = arith.constant 0 : i32
      %dma_wait3A_200 = tpu.memref_slice %arg10[%dma_wait3A_198, %dma_wait3A_199] : memref<96x128xf32, #tpu.memory_space<vmem>> -> memref<96x128xf32, #tpu.memory_space<vmem>>
      %dma_wait3A_201 = arith.constant 0 : i32
      %dma_wait3A_202 = tpu.memref_slice %arg4[%arg0, %add3A_146, %dma_wait3A_201] : memref<2x10240x128xf32, #tpu.memory_space<hbm>> -> memref<1x96x128xf32, #tpu.memory_space<hbm>>
      %dma_wait3A_203 = tpu.memref_squeeze %dma_wait3A_202 : memref<1x96x128xf32, #tpu.memory_space<hbm>> -> memref<96x128xf32, #tpu.memory_space<hbm>>
      %dma_wait3A_204 = arith.constant 0 : i32
      %dma_wait3A_205 = tpu.memref_slice %arg4[%arg0, %add3A_146, %dma_wait3A_204] : memref<2x10240x128xf32, #tpu.memory_space<hbm>> -> memref<1x96x128xf32, #tpu.memory_space<hbm>>
      %dma_wait3A_206 = tpu.memref_squeeze %dma_wait3A_205 : memref<1x96x128xf32, #tpu.memory_space<hbm>> -> memref<96x128xf32, #tpu.memory_space<hbm>>
      %dma_wait3A_207 = arith.constant 0 : i32
      %dma_wait3A_208 = arith.constant 0 : i32
      %dma_wait3A_209 = tpu.memref_slice %arg10[%dma_wait3A_207, %dma_wait3A_208] : memref<96x128xf32, #tpu.memory_space<vmem>> -> memref<96x128xf32, #tpu.memory_space<vmem>>
      tpu.wait_dma2 semaphore(%run_scoped3A : memref<!tpu.dma_semaphore, #tpu.memory_space<semaphore_mem>>) src(%dma_wait3A_209 : memref<96x128xf32, #tpu.memory_space<vmem>>) dst(%dma_wait3A_206 : memref<96x128xf32, #tpu.memory_space<hbm>>)
      tpu.yield
    }) : () -> ()
    %mul3A_147 = arith.constant 640 : i32
    %mul3A_148 = arith.muli %arg1, %mul3A_147 : i32
    %add3A_149 = arith.constant 288 : i32
    %add3A_150 = arith.addi %mul3A_148, %add3A_149 : i32
    "tpu.region"() ({
      %run_scoped3A = tpu.sem_alloc : memref<!tpu.dma_semaphore, #tpu.memory_space<semaphore_mem>>
      %dma_start3A_186 = arith.constant 0 : i32
      %dma_start3A_187 = arith.constant 0 : i32
      %dma_start3A_188 = tpu.memref_slice %arg10[%dma_start3A_186, %dma_start3A_187] : memref<96x128xf32, #tpu.memory_space<vmem>> -> memref<96x128xf32, #tpu.memory_space<vmem>>
      %dma_start3A_189 = arith.constant 0 : i32
      %dma_start3A_190 = tpu.memref_slice %arg13[%add3A_150, %dma_start3A_189] : memref<10240x128xf32, #tpu.memory_space<vmem_shared>> -> memref<96x128xf32, #tpu.memory_space<vmem_shared>>
      %dma_start3A_191 = arith.constant 0 : i32
      %dma_start3A_192 = arith.constant 0 : i32
      %dma_start3A_193 = tpu.memref_slice %arg10[%dma_start3A_191, %dma_start3A_192] : memref<96x128xf32, #tpu.memory_space<vmem>> -> memref<96x128xf32, #tpu.memory_space<vmem>>
      %dma_start3A_194 = arith.constant 0 : i32
      %dma_start3A_195 = tpu.memref_slice %arg13[%add3A_150, %dma_start3A_194] : memref<10240x128xf32, #tpu.memory_space<vmem_shared>> -> memref<96x128xf32, #tpu.memory_space<vmem_shared>>
      tpu.enqueue_dma source(%dma_start3A_195 : memref<96x128xf32, #tpu.memory_space<vmem_shared>>) target(%dma_start3A_193 : memref<96x128xf32, #tpu.memory_space<vmem>>) target_semaphore(%run_scoped3A : memref<!tpu.dma_semaphore, #tpu.memory_space<semaphore_mem>>)
      %dma_wait3A_196 = arith.constant 0 : i32
      %dma_wait3A_197 = arith.constant 0 : i32
      %dma_wait3A_198 = tpu.memref_slice %arg10[%dma_wait3A_196, %dma_wait3A_197] : memref<96x128xf32, #tpu.memory_space<vmem>> -> memref<96x128xf32, #tpu.memory_space<vmem>>
      %dma_wait3A_199 = arith.constant 0 : i32
      %dma_wait3A_200 = tpu.memref_slice %arg13[%add3A_150, %dma_wait3A_199] : memref<10240x128xf32, #tpu.memory_space<vmem_shared>> -> memref<96x128xf32, #tpu.memory_space<vmem_shared>>
      %dma_wait3A_201 = arith.constant 0 : i32
      %dma_wait3A_202 = arith.constant 0 : i32
      %dma_wait3A_203 = tpu.memref_slice %arg10[%dma_wait3A_201, %dma_wait3A_202] : memref<96x128xf32, #tpu.memory_space<vmem>> -> memref<96x128xf32, #tpu.memory_space<vmem>>
      %dma_wait3A_204 = arith.constant 0 : i32
      %dma_wait3A_205 = tpu.memref_slice %arg13[%add3A_150, %dma_wait3A_204] : memref<10240x128xf32, #tpu.memory_space<vmem_shared>> -> memref<96x128xf32, #tpu.memory_space<vmem_shared>>
      tpu.wait_dma2 semaphore(%run_scoped3A : memref<!tpu.dma_semaphore, #tpu.memory_space<semaphore_mem>>) src(%dma_wait3A_205 : memref<96x128xf32, #tpu.memory_space<vmem_shared>>) dst(%dma_wait3A_203 : memref<96x128xf32, #tpu.memory_space<vmem>>)
      tpu.yield
    }) : () -> ()
    %mul3A_151 = arith.constant 640 : i32
    %mul3A_152 = arith.muli %arg1, %mul3A_151 : i32
    %add3A_153 = arith.constant 288 : i32
    %add3A_154 = arith.addi %mul3A_152, %add3A_153 : i32
    "tpu.region"() ({
      %run_scoped3A = tpu.sem_alloc : memref<!tpu.dma_semaphore, #tpu.memory_space<semaphore_mem>>
      %dma_start3A_186 = arith.constant 0 : i32
      %dma_start3A_187 = arith.constant 0 : i32
      %dma_start3A_188 = tpu.memref_slice %arg10[%dma_start3A_186, %dma_start3A_187] : memref<96x128xf32, #tpu.memory_space<vmem>> -> memref<96x128xf32, #tpu.memory_space<vmem>>
      %dma_start3A_189 = arith.constant 0 : i32
      %dma_start3A_190 = tpu.memref_slice %arg4[%arg0, %add3A_154, %dma_start3A_189] : memref<2x10240x128xf32, #tpu.memory_space<hbm>> -> memref<1x96x128xf32, #tpu.memory_space<hbm>>
      %dma_start3A_191 = tpu.memref_squeeze %dma_start3A_190 : memref<1x96x128xf32, #tpu.memory_space<hbm>> -> memref<96x128xf32, #tpu.memory_space<hbm>>
      %dma_start3A_192 = arith.constant 0 : i32
      %dma_start3A_193 = tpu.memref_slice %arg4[%arg0, %add3A_154, %dma_start3A_192] : memref<2x10240x128xf32, #tpu.memory_space<hbm>> -> memref<1x96x128xf32, #tpu.memory_space<hbm>>
      %dma_start3A_194 = tpu.memref_squeeze %dma_start3A_193 : memref<1x96x128xf32, #tpu.memory_space<hbm>> -> memref<96x128xf32, #tpu.memory_space<hbm>>
      %dma_start3A_195 = arith.constant 0 : i32
      %dma_start3A_196 = arith.constant 0 : i32
      %dma_start3A_197 = tpu.memref_slice %arg10[%dma_start3A_195, %dma_start3A_196] : memref<96x128xf32, #tpu.memory_space<vmem>> -> memref<96x128xf32, #tpu.memory_space<vmem>>
      tpu.enqueue_dma source(%dma_start3A_197 : memref<96x128xf32, #tpu.memory_space<vmem>>) target(%dma_start3A_194 : memref<96x128xf32, #tpu.memory_space<hbm>>) target_semaphore(%run_scoped3A : memref<!tpu.dma_semaphore, #tpu.memory_space<semaphore_mem>>)
      %dma_wait3A_198 = arith.constant 0 : i32
      %dma_wait3A_199 = arith.constant 0 : i32
      %dma_wait3A_200 = tpu.memref_slice %arg10[%dma_wait3A_198, %dma_wait3A_199] : memref<96x128xf32, #tpu.memory_space<vmem>> -> memref<96x128xf32, #tpu.memory_space<vmem>>
      %dma_wait3A_201 = arith.constant 0 : i32
      %dma_wait3A_202 = tpu.memref_slice %arg4[%arg0, %add3A_154, %dma_wait3A_201] : memref<2x10240x128xf32, #tpu.memory_space<hbm>> -> memref<1x96x128xf32, #tpu.memory_space<hbm>>
      %dma_wait3A_203 = tpu.memref_squeeze %dma_wait3A_202 : memref<1x96x128xf32, #tpu.memory_space<hbm>> -> memref<96x128xf32, #tpu.memory_space<hbm>>
      %dma_wait3A_204 = arith.constant 0 : i32
      %dma_wait3A_205 = tpu.memref_slice %arg4[%arg0, %add3A_154, %dma_wait3A_204] : memref<2x10240x128xf32, #tpu.memory_space<hbm>> -> memref<1x96x128xf32, #tpu.memory_space<hbm>>
      %dma_wait3A_206 = tpu.memref_squeeze %dma_wait3A_205 : memref<1x96x128xf32, #tpu.memory_space<hbm>> -> memref<96x128xf32, #tpu.memory_space<hbm>>
      %dma_wait3A_207 = arith.constant 0 : i32
      %dma_wait3A_208 = arith.constant 0 : i32
      %dma_wait3A_209 = tpu.memref_slice %arg10[%dma_wait3A_207, %dma_wait3A_208] : memref<96x128xf32, #tpu.memory_space<vmem>> -> memref<96x128xf32, #tpu.memory_space<vmem>>
      tpu.wait_dma2 semaphore(%run_scoped3A : memref<!tpu.dma_semaphore, #tpu.memory_space<semaphore_mem>>) src(%dma_wait3A_209 : memref<96x128xf32, #tpu.memory_space<vmem>>) dst(%dma_wait3A_206 : memref<96x128xf32, #tpu.memory_space<hbm>>)
      tpu.yield
    }) : () -> ()
    %mul3A_155 = arith.constant 640 : i32
    %mul3A_156 = arith.muli %arg1, %mul3A_155 : i32
    %add3A_157 = arith.constant 384 : i32
    %add3A_158 = arith.addi %mul3A_156, %add3A_157 : i32
    "tpu.region"() ({
      %run_scoped3A = tpu.sem_alloc : memref<!tpu.dma_semaphore, #tpu.memory_space<semaphore_mem>>
      %dma_start3A_186 = arith.constant 0 : i32
      %dma_start3A_187 = arith.constant 0 : i32
      %dma_start3A_188 = tpu.memref_slice %arg10[%dma_start3A_186, %dma_start3A_187] : memref<96x128xf32, #tpu.memory_space<vmem>> -> memref<96x128xf32, #tpu.memory_space<vmem>>
      %dma_start3A_189 = arith.constant 0 : i32
      %dma_start3A_190 = tpu.memref_slice %arg13[%add3A_158, %dma_start3A_189] : memref<10240x128xf32, #tpu.memory_space<vmem_shared>> -> memref<96x128xf32, #tpu.memory_space<vmem_shared>>
      %dma_start3A_191 = arith.constant 0 : i32
      %dma_start3A_192 = arith.constant 0 : i32
      %dma_start3A_193 = tpu.memref_slice %arg10[%dma_start3A_191, %dma_start3A_192] : memref<96x128xf32, #tpu.memory_space<vmem>> -> memref<96x128xf32, #tpu.memory_space<vmem>>
      %dma_start3A_194 = arith.constant 0 : i32
      %dma_start3A_195 = tpu.memref_slice %arg13[%add3A_158, %dma_start3A_194] : memref<10240x128xf32, #tpu.memory_space<vmem_shared>> -> memref<96x128xf32, #tpu.memory_space<vmem_shared>>
      tpu.enqueue_dma source(%dma_start3A_195 : memref<96x128xf32, #tpu.memory_space<vmem_shared>>) target(%dma_start3A_193 : memref<96x128xf32, #tpu.memory_space<vmem>>) target_semaphore(%run_scoped3A : memref<!tpu.dma_semaphore, #tpu.memory_space<semaphore_mem>>)
      %dma_wait3A_196 = arith.constant 0 : i32
      %dma_wait3A_197 = arith.constant 0 : i32
      %dma_wait3A_198 = tpu.memref_slice %arg10[%dma_wait3A_196, %dma_wait3A_197] : memref<96x128xf32, #tpu.memory_space<vmem>> -> memref<96x128xf32, #tpu.memory_space<vmem>>
      %dma_wait3A_199 = arith.constant 0 : i32
      %dma_wait3A_200 = tpu.memref_slice %arg13[%add3A_158, %dma_wait3A_199] : memref<10240x128xf32, #tpu.memory_space<vmem_shared>> -> memref<96x128xf32, #tpu.memory_space<vmem_shared>>
      %dma_wait3A_201 = arith.constant 0 : i32
      %dma_wait3A_202 = arith.constant 0 : i32
      %dma_wait3A_203 = tpu.memref_slice %arg10[%dma_wait3A_201, %dma_wait3A_202] : memref<96x128xf32, #tpu.memory_space<vmem>> -> memref<96x128xf32, #tpu.memory_space<vmem>>
      %dma_wait3A_204 = arith.constant 0 : i32
      %dma_wait3A_205 = tpu.memref_slice %arg13[%add3A_158, %dma_wait3A_204] : memref<10240x128xf32, #tpu.memory_space<vmem_shared>> -> memref<96x128xf32, #tpu.memory_space<vmem_shared>>
      tpu.wait_dma2 semaphore(%run_scoped3A : memref<!tpu.dma_semaphore, #tpu.memory_space<semaphore_mem>>) src(%dma_wait3A_205 : memref<96x128xf32, #tpu.memory_space<vmem_shared>>) dst(%dma_wait3A_203 : memref<96x128xf32, #tpu.memory_space<vmem>>)
      tpu.yield
    }) : () -> ()
    %mul3A_159 = arith.constant 640 : i32
    %mul3A_160 = arith.muli %arg1, %mul3A_159 : i32
    %add3A_161 = arith.constant 384 : i32
    %add3A_162 = arith.addi %mul3A_160, %add3A_161 : i32
    "tpu.region"() ({
      %run_scoped3A = tpu.sem_alloc : memref<!tpu.dma_semaphore, #tpu.memory_space<semaphore_mem>>
      %dma_start3A_186 = arith.constant 0 : i32
      %dma_start3A_187 = arith.constant 0 : i32
      %dma_start3A_188 = tpu.memref_slice %arg10[%dma_start3A_186, %dma_start3A_187] : memref<96x128xf32, #tpu.memory_space<vmem>> -> memref<96x128xf32, #tpu.memory_space<vmem>>
      %dma_start3A_189 = arith.constant 0 : i32
      %dma_start3A_190 = tpu.memref_slice %arg4[%arg0, %add3A_162, %dma_start3A_189] : memref<2x10240x128xf32, #tpu.memory_space<hbm>> -> memref<1x96x128xf32, #tpu.memory_space<hbm>>
      %dma_start3A_191 = tpu.memref_squeeze %dma_start3A_190 : memref<1x96x128xf32, #tpu.memory_space<hbm>> -> memref<96x128xf32, #tpu.memory_space<hbm>>
      %dma_start3A_192 = arith.constant 0 : i32
      %dma_start3A_193 = tpu.memref_slice %arg4[%arg0, %add3A_162, %dma_start3A_192] : memref<2x10240x128xf32, #tpu.memory_space<hbm>> -> memref<1x96x128xf32, #tpu.memory_space<hbm>>
      %dma_start3A_194 = tpu.memref_squeeze %dma_start3A_193 : memref<1x96x128xf32, #tpu.memory_space<hbm>> -> memref<96x128xf32, #tpu.memory_space<hbm>>
      %dma_start3A_195 = arith.constant 0 : i32
      %dma_start3A_196 = arith.constant 0 : i32
      %dma_start3A_197 = tpu.memref_slice %arg10[%dma_start3A_195, %dma_start3A_196] : memref<96x128xf32, #tpu.memory_space<vmem>> -> memref<96x128xf32, #tpu.memory_space<vmem>>
      tpu.enqueue_dma source(%dma_start3A_197 : memref<96x128xf32, #tpu.memory_space<vmem>>) target(%dma_start3A_194 : memref<96x128xf32, #tpu.memory_space<hbm>>) target_semaphore(%run_scoped3A : memref<!tpu.dma_semaphore, #tpu.memory_space<semaphore_mem>>)
      %dma_wait3A_198 = arith.constant 0 : i32
      %dma_wait3A_199 = arith.constant 0 : i32
      %dma_wait3A_200 = tpu.memref_slice %arg10[%dma_wait3A_198, %dma_wait3A_199] : memref<96x128xf32, #tpu.memory_space<vmem>> -> memref<96x128xf32, #tpu.memory_space<vmem>>
      %dma_wait3A_201 = arith.constant 0 : i32
      %dma_wait3A_202 = tpu.memref_slice %arg4[%arg0, %add3A_162, %dma_wait3A_201] : memref<2x10240x128xf32, #tpu.memory_space<hbm>> -> memref<1x96x128xf32, #tpu.memory_space<hbm>>
      %dma_wait3A_203 = tpu.memref_squeeze %dma_wait3A_202 : memref<1x96x128xf32, #tpu.memory_space<hbm>> -> memref<96x128xf32, #tpu.memory_space<hbm>>
      %dma_wait3A_204 = arith.constant 0 : i32
      %dma_wait3A_205 = tpu.memref_slice %arg4[%arg0, %add3A_162, %dma_wait3A_204] : memref<2x10240x128xf32, #tpu.memory_space<hbm>> -> memref<1x96x128xf32, #tpu.memory_space<hbm>>
      %dma_wait3A_206 = tpu.memref_squeeze %dma_wait3A_205 : memref<1x96x128xf32, #tpu.memory_space<hbm>> -> memref<96x128xf32, #tpu.memory_space<hbm>>
      %dma_wait3A_207 = arith.constant 0 : i32
      %dma_wait3A_208 = arith.constant 0 : i32
      %dma_wait3A_209 = tpu.memref_slice %arg10[%dma_wait3A_207, %dma_wait3A_208] : memref<96x128xf32, #tpu.memory_space<vmem>> -> memref<96x128xf32, #tpu.memory_space<vmem>>
      tpu.wait_dma2 semaphore(%run_scoped3A : memref<!tpu.dma_semaphore, #tpu.memory_space<semaphore_mem>>) src(%dma_wait3A_209 : memref<96x128xf32, #tpu.memory_space<vmem>>) dst(%dma_wait3A_206 : memref<96x128xf32, #tpu.memory_space<hbm>>)
      tpu.yield
    }) : () -> ()
    %mul3A_163 = arith.constant 640 : i32
    %mul3A_164 = arith.muli %arg1, %mul3A_163 : i32
    %add3A_165 = arith.constant 480 : i32
    %add3A_166 = arith.addi %mul3A_164, %add3A_165 : i32
    "tpu.region"() ({
      %run_scoped3A = tpu.sem_alloc : memref<!tpu.dma_semaphore, #tpu.memory_space<semaphore_mem>>
      %dma_start3A_186 = arith.constant 0 : i32
      %dma_start3A_187 = arith.constant 0 : i32
      %dma_start3A_188 = tpu.memref_slice %arg10[%dma_start3A_186, %dma_start3A_187] : memref<96x128xf32, #tpu.memory_space<vmem>> -> memref<96x128xf32, #tpu.memory_space<vmem>>
      %dma_start3A_189 = arith.constant 0 : i32
      %dma_start3A_190 = tpu.memref_slice %arg13[%add3A_166, %dma_start3A_189] : memref<10240x128xf32, #tpu.memory_space<vmem_shared>> -> memref<96x128xf32, #tpu.memory_space<vmem_shared>>
      %dma_start3A_191 = arith.constant 0 : i32
      %dma_start3A_192 = arith.constant 0 : i32
      %dma_start3A_193 = tpu.memref_slice %arg10[%dma_start3A_191, %dma_start3A_192] : memref<96x128xf32, #tpu.memory_space<vmem>> -> memref<96x128xf32, #tpu.memory_space<vmem>>
      %dma_start3A_194 = arith.constant 0 : i32
      %dma_start3A_195 = tpu.memref_slice %arg13[%add3A_166, %dma_start3A_194] : memref<10240x128xf32, #tpu.memory_space<vmem_shared>> -> memref<96x128xf32, #tpu.memory_space<vmem_shared>>
      tpu.enqueue_dma source(%dma_start3A_195 : memref<96x128xf32, #tpu.memory_space<vmem_shared>>) target(%dma_start3A_193 : memref<96x128xf32, #tpu.memory_space<vmem>>) target_semaphore(%run_scoped3A : memref<!tpu.dma_semaphore, #tpu.memory_space<semaphore_mem>>)
      %dma_wait3A_196 = arith.constant 0 : i32
      %dma_wait3A_197 = arith.constant 0 : i32
      %dma_wait3A_198 = tpu.memref_slice %arg10[%dma_wait3A_196, %dma_wait3A_197] : memref<96x128xf32, #tpu.memory_space<vmem>> -> memref<96x128xf32, #tpu.memory_space<vmem>>
      %dma_wait3A_199 = arith.constant 0 : i32
      %dma_wait3A_200 = tpu.memref_slice %arg13[%add3A_166, %dma_wait3A_199] : memref<10240x128xf32, #tpu.memory_space<vmem_shared>> -> memref<96x128xf32, #tpu.memory_space<vmem_shared>>
      %dma_wait3A_201 = arith.constant 0 : i32
      %dma_wait3A_202 = arith.constant 0 : i32
      %dma_wait3A_203 = tpu.memref_slice %arg10[%dma_wait3A_201, %dma_wait3A_202] : memref<96x128xf32, #tpu.memory_space<vmem>> -> memref<96x128xf32, #tpu.memory_space<vmem>>
      %dma_wait3A_204 = arith.constant 0 : i32
      %dma_wait3A_205 = tpu.memref_slice %arg13[%add3A_166, %dma_wait3A_204] : memref<10240x128xf32, #tpu.memory_space<vmem_shared>> -> memref<96x128xf32, #tpu.memory_space<vmem_shared>>
      tpu.wait_dma2 semaphore(%run_scoped3A : memref<!tpu.dma_semaphore, #tpu.memory_space<semaphore_mem>>) src(%dma_wait3A_205 : memref<96x128xf32, #tpu.memory_space<vmem_shared>>) dst(%dma_wait3A_203 : memref<96x128xf32, #tpu.memory_space<vmem>>)
      tpu.yield
    }) : () -> ()
    %mul3A_167 = arith.constant 640 : i32
    %mul3A_168 = arith.muli %arg1, %mul3A_167 : i32
    %add3A_169 = arith.constant 480 : i32
    %add3A_170 = arith.addi %mul3A_168, %add3A_169 : i32
    "tpu.region"() ({
      %run_scoped3A = tpu.sem_alloc : memref<!tpu.dma_semaphore, #tpu.memory_space<semaphore_mem>>
      %dma_start3A_186 = arith.constant 0 : i32
      %dma_start3A_187 = arith.constant 0 : i32
      %dma_start3A_188 = tpu.memref_slice %arg10[%dma_start3A_186, %dma_start3A_187] : memref<96x128xf32, #tpu.memory_space<vmem>> -> memref<96x128xf32, #tpu.memory_space<vmem>>
      %dma_start3A_189 = arith.constant 0 : i32
      %dma_start3A_190 = tpu.memref_slice %arg4[%arg0, %add3A_170, %dma_start3A_189] : memref<2x10240x128xf32, #tpu.memory_space<hbm>> -> memref<1x96x128xf32, #tpu.memory_space<hbm>>
      %dma_start3A_191 = tpu.memref_squeeze %dma_start3A_190 : memref<1x96x128xf32, #tpu.memory_space<hbm>> -> memref<96x128xf32, #tpu.memory_space<hbm>>
      %dma_start3A_192 = arith.constant 0 : i32
      %dma_start3A_193 = tpu.memref_slice %arg4[%arg0, %add3A_170, %dma_start3A_192] : memref<2x10240x128xf32, #tpu.memory_space<hbm>> -> memref<1x96x128xf32, #tpu.memory_space<hbm>>
      %dma_start3A_194 = tpu.memref_squeeze %dma_start3A_193 : memref<1x96x128xf32, #tpu.memory_space<hbm>> -> memref<96x128xf32, #tpu.memory_space<hbm>>
      %dma_start3A_195 = arith.constant 0 : i32
      %dma_start3A_196 = arith.constant 0 : i32
      %dma_start3A_197 = tpu.memref_slice %arg10[%dma_start3A_195, %dma_start3A_196] : memref<96x128xf32, #tpu.memory_space<vmem>> -> memref<96x128xf32, #tpu.memory_space<vmem>>
      tpu.enqueue_dma source(%dma_start3A_197 : memref<96x128xf32, #tpu.memory_space<vmem>>) target(%dma_start3A_194 : memref<96x128xf32, #tpu.memory_space<hbm>>) target_semaphore(%run_scoped3A : memref<!tpu.dma_semaphore, #tpu.memory_space<semaphore_mem>>)
      %dma_wait3A_198 = arith.constant 0 : i32
      %dma_wait3A_199 = arith.constant 0 : i32
      %dma_wait3A_200 = tpu.memref_slice %arg10[%dma_wait3A_198, %dma_wait3A_199] : memref<96x128xf32, #tpu.memory_space<vmem>> -> memref<96x128xf32, #tpu.memory_space<vmem>>
      %dma_wait3A_201 = arith.constant 0 : i32
      %dma_wait3A_202 = tpu.memref_slice %arg4[%arg0, %add3A_170, %dma_wait3A_201] : memref<2x10240x128xf32, #tpu.memory_space<hbm>> -> memref<1x96x128xf32, #tpu.memory_space<hbm>>
      %dma_wait3A_203 = tpu.memref_squeeze %dma_wait3A_202 : memref<1x96x128xf32, #tpu.memory_space<hbm>> -> memref<96x128xf32, #tpu.memory_space<hbm>>
      %dma_wait3A_204 = arith.constant 0 : i32
      %dma_wait3A_205 = tpu.memref_slice %arg4[%arg0, %add3A_170, %dma_wait3A_204] : memref<2x10240x128xf32, #tpu.memory_space<hbm>> -> memref<1x96x128xf32, #tpu.memory_space<hbm>>
      %dma_wait3A_206 = tpu.memref_squeeze %dma_wait3A_205 : memref<1x96x128xf32, #tpu.memory_space<hbm>> -> memref<96x128xf32, #tpu.memory_space<hbm>>
      %dma_wait3A_207 = arith.constant 0 : i32
      %dma_wait3A_208 = arith.constant 0 : i32
      %dma_wait3A_209 = tpu.memref_slice %arg10[%dma_wait3A_207, %dma_wait3A_208] : memref<96x128xf32, #tpu.memory_space<vmem>> -> memref<96x128xf32, #tpu.memory_space<vmem>>
      tpu.wait_dma2 semaphore(%run_scoped3A : memref<!tpu.dma_semaphore, #tpu.memory_space<semaphore_mem>>) src(%dma_wait3A_209 : memref<96x128xf32, #tpu.memory_space<vmem>>) dst(%dma_wait3A_206 : memref<96x128xf32, #tpu.memory_space<hbm>>)
      tpu.yield
    }) : () -> ()
    %mul3A_171 = arith.constant 640 : i32
    %mul3A_172 = arith.muli %arg1, %mul3A_171 : i32
    %add3A_173 = arith.constant 576 : i32
    %add3A_174 = arith.addi %mul3A_172, %add3A_173 : i32
    "tpu.region"() ({
      %run_scoped3A = tpu.sem_alloc : memref<!tpu.dma_semaphore, #tpu.memory_space<semaphore_mem>>
      %dma_start3A_186 = arith.constant 0 : i32
      %dma_start3A_187 = arith.constant 0 : i32
      %dma_start3A_188 = tpu.memref_slice %arg10[%dma_start3A_186, %dma_start3A_187] : memref<96x128xf32, #tpu.memory_space<vmem>> -> memref<64x128xf32, #tpu.memory_space<vmem>>
      %dma_start3A_189 = arith.constant 0 : i32
      %dma_start3A_190 = tpu.memref_slice %arg13[%add3A_174, %dma_start3A_189] : memref<10240x128xf32, #tpu.memory_space<vmem_shared>> -> memref<64x128xf32, #tpu.memory_space<vmem_shared>>
      %dma_start3A_191 = arith.constant 0 : i32
      %dma_start3A_192 = arith.constant 0 : i32
      %dma_start3A_193 = tpu.memref_slice %arg10[%dma_start3A_191, %dma_start3A_192] : memref<96x128xf32, #tpu.memory_space<vmem>> -> memref<64x128xf32, #tpu.memory_space<vmem>>
      %dma_start3A_194 = arith.constant 0 : i32
      %dma_start3A_195 = tpu.memref_slice %arg13[%add3A_174, %dma_start3A_194] : memref<10240x128xf32, #tpu.memory_space<vmem_shared>> -> memref<64x128xf32, #tpu.memory_space<vmem_shared>>
      tpu.enqueue_dma source(%dma_start3A_195 : memref<64x128xf32, #tpu.memory_space<vmem_shared>>) target(%dma_start3A_193 : memref<64x128xf32, #tpu.memory_space<vmem>>) target_semaphore(%run_scoped3A : memref<!tpu.dma_semaphore, #tpu.memory_space<semaphore_mem>>)
      %dma_wait3A_196 = arith.constant 0 : i32
      %dma_wait3A_197 = arith.constant 0 : i32
      %dma_wait3A_198 = tpu.memref_slice %arg10[%dma_wait3A_196, %dma_wait3A_197] : memref<96x128xf32, #tpu.memory_space<vmem>> -> memref<64x128xf32, #tpu.memory_space<vmem>>
      %dma_wait3A_199 = arith.constant 0 : i32
      %dma_wait3A_200 = tpu.memref_slice %arg13[%add3A_174, %dma_wait3A_199] : memref<10240x128xf32, #tpu.memory_space<vmem_shared>> -> memref<64x128xf32, #tpu.memory_space<vmem_shared>>
      %dma_wait3A_201 = arith.constant 0 : i32
      %dma_wait3A_202 = arith.constant 0 : i32
      %dma_wait3A_203 = tpu.memref_slice %arg10[%dma_wait3A_201, %dma_wait3A_202] : memref<96x128xf32, #tpu.memory_space<vmem>> -> memref<64x128xf32, #tpu.memory_space<vmem>>
      %dma_wait3A_204 = arith.constant 0 : i32
      %dma_wait3A_205 = tpu.memref_slice %arg13[%add3A_174, %dma_wait3A_204] : memref<10240x128xf32, #tpu.memory_space<vmem_shared>> -> memref<64x128xf32, #tpu.memory_space<vmem_shared>>
      tpu.wait_dma2 semaphore(%run_scoped3A : memref<!tpu.dma_semaphore, #tpu.memory_space<semaphore_mem>>) src(%dma_wait3A_205 : memref<64x128xf32, #tpu.memory_space<vmem_shared>>) dst(%dma_wait3A_203 : memref<64x128xf32, #tpu.memory_space<vmem>>)
      tpu.yield
    }) : () -> ()
    %mul3A_175 = arith.constant 640 : i32
    %mul3A_176 = arith.muli %arg1, %mul3A_175 : i32
    %add3A_177 = arith.constant 576 : i32
    %add3A_178 = arith.addi %mul3A_176, %add3A_177 : i32
    "tpu.region"() ({
      %run_scoped3A = tpu.sem_alloc : memref<!tpu.dma_semaphore, #tpu.memory_space<semaphore_mem>>
      %dma_start3A_186 = arith.constant 0 : i32
      %dma_start3A_187 = arith.constant 0 : i32
      %dma_start3A_188 = tpu.memref_slice %arg10[%dma_start3A_186, %dma_start3A_187] : memref<96x128xf32, #tpu.memory_space<vmem>> -> memref<64x128xf32, #tpu.memory_space<vmem>>
      %dma_start3A_189 = arith.constant 0 : i32
      %dma_start3A_190 = tpu.memref_slice %arg4[%arg0, %add3A_178, %dma_start3A_189] : memref<2x10240x128xf32, #tpu.memory_space<hbm>> -> memref<1x64x128xf32, #tpu.memory_space<hbm>>
      %dma_start3A_191 = tpu.memref_squeeze %dma_start3A_190 : memref<1x64x128xf32, #tpu.memory_space<hbm>> -> memref<64x128xf32, #tpu.memory_space<hbm>>
      %dma_start3A_192 = arith.constant 0 : i32
      %dma_start3A_193 = tpu.memref_slice %arg4[%arg0, %add3A_178, %dma_start3A_192] : memref<2x10240x128xf32, #tpu.memory_space<hbm>> -> memref<1x64x128xf32, #tpu.memory_space<hbm>>
      %dma_start3A_194 = tpu.memref_squeeze %dma_start3A_193 : memref<1x64x128xf32, #tpu.memory_space<hbm>> -> memref<64x128xf32, #tpu.memory_space<hbm>>
      %dma_start3A_195 = arith.constant 0 : i32
      %dma_start3A_196 = arith.constant 0 : i32
      %dma_start3A_197 = tpu.memref_slice %arg10[%dma_start3A_195, %dma_start3A_196] : memref<96x128xf32, #tpu.memory_space<vmem>> -> memref<64x128xf32, #tpu.memory_space<vmem>>
      tpu.enqueue_dma source(%dma_start3A_197 : memref<64x128xf32, #tpu.memory_space<vmem>>) target(%dma_start3A_194 : memref<64x128xf32, #tpu.memory_space<hbm>>) target_semaphore(%run_scoped3A : memref<!tpu.dma_semaphore, #tpu.memory_space<semaphore_mem>>)
      %dma_wait3A_198 = arith.constant 0 : i32
      %dma_wait3A_199 = arith.constant 0 : i32
      %dma_wait3A_200 = tpu.memref_slice %arg10[%dma_wait3A_198, %dma_wait3A_199] : memref<96x128xf32, #tpu.memory_space<vmem>> -> memref<64x128xf32, #tpu.memory_space<vmem>>
      %dma_wait3A_201 = arith.constant 0 : i32
      %dma_wait3A_202 = tpu.memref_slice %arg4[%arg0, %add3A_178, %dma_wait3A_201] : memref<2x10240x128xf32, #tpu.memory_space<hbm>> -> memref<1x64x128xf32, #tpu.memory_space<hbm>>
      %dma_wait3A_203 = tpu.memref_squeeze %dma_wait3A_202 : memref<1x64x128xf32, #tpu.memory_space<hbm>> -> memref<64x128xf32, #tpu.memory_space<hbm>>
      %dma_wait3A_204 = arith.constant 0 : i32
      %dma_wait3A_205 = tpu.memref_slice %arg4[%arg0, %add3A_178, %dma_wait3A_204] : memref<2x10240x128xf32, #tpu.memory_space<hbm>> -> memref<1x64x128xf32, #tpu.memory_space<hbm>>
      %dma_wait3A_206 = tpu.memref_squeeze %dma_wait3A_205 : memref<1x64x128xf32, #tpu.memory_space<hbm>> -> memref<64x128xf32, #tpu.memory_space<hbm>>
      %dma_wait3A_207 = arith.constant 0 : i32
      %dma_wait3A_208 = arith.constant 0 : i32
      %dma_wait3A_209 = tpu.memref_slice %arg10[%dma_wait3A_207, %dma_wait3A_208] : memref<96x128xf32, #tpu.memory_space<vmem>> -> memref<64x128xf32, #tpu.memory_space<vmem>>
      tpu.wait_dma2 semaphore(%run_scoped3A : memref<!tpu.dma_semaphore, #tpu.memory_space<semaphore_mem>>) src(%dma_wait3A_209 : memref<64x128xf32, #tpu.memory_space<vmem>>) dst(%dma_wait3A_206 : memref<64x128xf32, #tpu.memory_space<hbm>>)
      tpu.yield
    }) : () -> ()
    %mul3A_179 = arith.constant 640 : i32
    %mul3A_180 = arith.muli %arg1, %mul3A_179 : i32
    "tpu.region"() ({
      %run_scoped3A = tpu.sem_alloc : memref<!tpu.dma_semaphore, #tpu.memory_space<semaphore_mem>>
      %dma_start3A_186 = tpu.memref_slice %arg14[%mul3A_180] : memref<10240xf32, #tpu.memory_space<vmem_shared>> -> memref<640xf32, #tpu.memory_space<vmem_shared>>
      %dma_start3A_187 = tpu.memref_slice %arg14[%mul3A_180] : memref<10240xf32, #tpu.memory_space<vmem_shared>> -> memref<640xf32, #tpu.memory_space<vmem_shared>>
      tpu.enqueue_dma source(%dma_start3A_187 : memref<640xf32, #tpu.memory_space<vmem_shared>>) target(%arg17 : memref<640xf32, #tpu.memory_space<vmem>>) target_semaphore(%run_scoped3A : memref<!tpu.dma_semaphore, #tpu.memory_space<semaphore_mem>>)
      %dma_wait3A_188 = tpu.memref_slice %arg14[%mul3A_180] : memref<10240xf32, #tpu.memory_space<vmem_shared>> -> memref<640xf32, #tpu.memory_space<vmem_shared>>
      %dma_wait3A_189 = tpu.memref_slice %arg14[%mul3A_180] : memref<10240xf32, #tpu.memory_space<vmem_shared>> -> memref<640xf32, #tpu.memory_space<vmem_shared>>
      tpu.wait_dma2 semaphore(%run_scoped3A : memref<!tpu.dma_semaphore, #tpu.memory_space<semaphore_mem>>) src(%dma_wait3A_189 : memref<640xf32, #tpu.memory_space<vmem_shared>>) dst(%arg17 : memref<640xf32, #tpu.memory_space<vmem>>)
      tpu.yield
    }) : () -> ()
    %mul3A_181 = arith.constant 10240 : i32
    %mul3A_182 = arith.muli %arg0, %mul3A_181 : i32
    %mul3A_183 = arith.constant 640 : i32
    %mul3A_184 = arith.muli %arg1, %mul3A_183 : i32
    %add3A_185 = arith.addi %mul3A_182, %mul3A_184 : i32
    "tpu.region"() ({
      %run_scoped3A = tpu.sem_alloc : memref<!tpu.dma_semaphore, #tpu.memory_space<semaphore_mem>>
      %dma_start3A_186 = tpu.memref_slice %arg5[%add3A_185] : memref<20480xf32, #tpu.memory_space<hbm>> -> memref<640xf32, #tpu.memory_space<hbm>>
      %dma_start3A_187 = tpu.memref_slice %arg5[%add3A_185] : memref<20480xf32, #tpu.memory_space<hbm>> -> memref<640xf32, #tpu.memory_space<hbm>>
      tpu.enqueue_dma source(%arg17 : memref<640xf32, #tpu.memory_space<vmem>>) target(%dma_start3A_187 : memref<640xf32, #tpu.memory_space<hbm>>) target_semaphore(%run_scoped3A : memref<!tpu.dma_semaphore, #tpu.memory_space<semaphore_mem>>)
      %dma_wait3A_188 = tpu.memref_slice %arg5[%add3A_185] : memref<20480xf32, #tpu.memory_space<hbm>> -> memref<640xf32, #tpu.memory_space<hbm>>
      %dma_wait3A_189 = tpu.memref_slice %arg5[%add3A_185] : memref<20480xf32, #tpu.memory_space<hbm>> -> memref<640xf32, #tpu.memory_space<hbm>>
      tpu.wait_dma2 semaphore(%run_scoped3A : memref<!tpu.dma_semaphore, #tpu.memory_space<semaphore_mem>>) src(%arg17 : memref<640xf32, #tpu.memory_space<vmem>>) dst(%dma_wait3A_189 : memref<640xf32, #tpu.memory_space<hbm>>)
      tpu.yield
    }) : () -> ()
    return
  }
}

module attributes {stable_mosaic.version = 14 : i64} {
  func.func @_layer_final_body(%arg0: i32, %arg1: memref<1x1024x128xf32, #tpu.memory_space<vmem>>, %arg2: memref<1x1024x128xf32, #tpu.memory_space<vmem>>, %arg3: memref<2x8x128xf32, #tpu.memory_space<vmem>>, %arg4: memref<1024x128xf32, #tpu.memory_space<vmem>>, %arg5: memref<128x128xf32, #tpu.memory_space<vmem>>, %arg6: memref<1x128xf32, #tpu.memory_space<vmem>>, %arg7: memref<128x128xf32, #tpu.memory_space<vmem>>, %arg8: memref<128x128xf32, #tpu.memory_space<vmem>>, %arg9: memref<1x128xf32, #tpu.memory_space<vmem>>, %arg10: memref<1024x128xf32, #tpu.memory_space<vmem>>) attributes {dimension_semantics = [#tpu.dimension_semantics<arbitrary>], iteration_bounds = array<i64: 10>, scalar_prefetch = 0 : i64, scratch_operands = 0 : i64, tpu.core_type = #tpu.core_type<tc>, window_params = [{transform_indices = @transform_0, window_bounds = array<i64: 1, 1024, 128>}, {transform_indices = @transform_1, window_bounds = array<i64: 1, 1024, 128>}, {transform_indices = @transform_2, window_bounds = array<i64: 2, 8, 128>}, {transform_indices = @transform_3, window_bounds = array<i64: 1024, 128>}, {pipeline_mode = #tpu.pipeline_mode<synchronous>, transform_indices = @transform_4, window_bounds = array<i64: 128, 128>}, {pipeline_mode = #tpu.pipeline_mode<synchronous>, transform_indices = @transform_5, window_bounds = array<i64: 1, 128>}, {pipeline_mode = #tpu.pipeline_mode<synchronous>, transform_indices = @transform_6, window_bounds = array<i64: 128, 128>}, {pipeline_mode = #tpu.pipeline_mode<synchronous>, transform_indices = @transform_7, window_bounds = array<i64: 128, 128>}, {pipeline_mode = #tpu.pipeline_mode<synchronous>, transform_indices = @transform_8, window_bounds = array<i64: 1, 128>}, {transform_indices = @transform_9, window_bounds = array<i64: 1024, 128>}]} {
    %get3A = arith.constant 0 : index
    %get3A_0 = arith.constant 0 : index
    %get3A_1 = arith.constant 0 : index
    %get3A_2 = vector.load %arg3[%get3A, %get3A_0, %get3A_1] : memref<2x8x128xf32, #tpu.memory_space<vmem>>, vector<1x8x128xf32>
    %get3A_3 = vector.shape_cast %get3A_2 : vector<1x8x128xf32> to vector<8x128xf32>
    %get3A_4 = arith.constant 1 : index
    %get3A_5 = arith.constant 0 : index
    %get3A_6 = arith.constant 0 : index
    %get3A_7 = vector.load %arg3[%get3A_4, %get3A_5, %get3A_6] : memref<2x8x128xf32, #tpu.memory_space<vmem>>, vector<1x8x128xf32>
    %get3A_8 = vector.shape_cast %get3A_7 : vector<1x8x128xf32> to vector<8x128xf32>
    %add3A = arith.addf %get3A_3, %get3A_8 : vector<8x128xf32>
    %slice3A = vector.extract_strided_slice %add3A {offsets = [0, 0], sizes = [1, 128], strides = [1, 1]} : vector<8x128xf32> to vector<1x128xf32>
    %squeeze3A = vector.shape_cast %slice3A : vector<1x128xf32> to vector<128xf32>
    %broadcast_in_dim3A = vector.shape_cast %squeeze3A : vector<128xf32> to vector<1x128xf32>
    %broadcast_in_dim3A_9 = vector.shape_cast %broadcast_in_dim3A : vector<1x128xf32> to vector<1x128xf32>
    %broadcast_in_dim3A_10 = vector.broadcast %broadcast_in_dim3A_9 : vector<1x128xf32> to vector<128x128xf32>
    %transpose3A = tpu.transpose %broadcast_in_dim3A_10, [1, 0] : vector<128x128xf32> -> vector<128x128xf32>
    %slice3A_11 = vector.extract_strided_slice %add3A {offsets = [1, 0], sizes = [1, 128], strides = [1, 1]} : vector<8x128xf32> to vector<1x128xf32>
    %squeeze3A_12 = vector.shape_cast %slice3A_11 : vector<1x128xf32> to vector<128xf32>
    %broadcast_in_dim3A_13 = vector.shape_cast %squeeze3A_12 : vector<128xf32> to vector<1x128xf32>
    %broadcast_in_dim3A_14 = vector.shape_cast %broadcast_in_dim3A_13 : vector<1x128xf32> to vector<1x128xf32>
    %broadcast_in_dim3A_15 = vector.broadcast %broadcast_in_dim3A_14 : vector<1x128xf32> to vector<128x128xf32>
    %transpose3A_16 = tpu.transpose %broadcast_in_dim3A_15, [1, 0] : vector<128x128xf32> -> vector<128x128xf32>
    %slice3A_17 = vector.extract_strided_slice %add3A {offsets = [2, 0], sizes = [1, 128], strides = [1, 1]} : vector<8x128xf32> to vector<1x128xf32>
    %squeeze3A_18 = vector.shape_cast %slice3A_17 : vector<1x128xf32> to vector<128xf32>
    %broadcast_in_dim3A_19 = vector.shape_cast %squeeze3A_18 : vector<128xf32> to vector<1x128xf32>
    %broadcast_in_dim3A_20 = vector.shape_cast %broadcast_in_dim3A_19 : vector<1x128xf32> to vector<1x128xf32>
    %broadcast_in_dim3A_21 = vector.broadcast %broadcast_in_dim3A_20 : vector<1x128xf32> to vector<128x128xf32>
    %transpose3A_22 = tpu.transpose %broadcast_in_dim3A_21, [1, 0] : vector<128x128xf32> -> vector<128x128xf32>
    %slice3A_23 = vector.extract_strided_slice %add3A {offsets = [3, 0], sizes = [1, 128], strides = [1, 1]} : vector<8x128xf32> to vector<1x128xf32>
    %squeeze3A_24 = vector.shape_cast %slice3A_23 : vector<1x128xf32> to vector<128xf32>
    %broadcast_in_dim3A_25 = vector.shape_cast %squeeze3A_24 : vector<128xf32> to vector<1x128xf32>
    %broadcast_in_dim3A_26 = vector.shape_cast %broadcast_in_dim3A_25 : vector<1x128xf32> to vector<1x128xf32>
    %broadcast_in_dim3A_27 = vector.broadcast %broadcast_in_dim3A_26 : vector<1x128xf32> to vector<128x128xf32>
    %transpose3A_28 = tpu.transpose %broadcast_in_dim3A_27, [1, 0] : vector<128x128xf32> -> vector<128x128xf32>
    %slice3A_29 = vector.extract_strided_slice %add3A {offsets = [4, 0], sizes = [1, 128], strides = [1, 1]} : vector<8x128xf32> to vector<1x128xf32>
    %squeeze3A_30 = vector.shape_cast %slice3A_29 : vector<1x128xf32> to vector<128xf32>
    %broadcast_in_dim3A_31 = vector.shape_cast %squeeze3A_30 : vector<128xf32> to vector<1x128xf32>
    %broadcast_in_dim3A_32 = vector.shape_cast %broadcast_in_dim3A_31 : vector<1x128xf32> to vector<1x128xf32>
    %broadcast_in_dim3A_33 = vector.broadcast %broadcast_in_dim3A_32 : vector<1x128xf32> to vector<128x128xf32>
    %transpose3A_34 = tpu.transpose %broadcast_in_dim3A_33, [1, 0] : vector<128x128xf32> -> vector<128x128xf32>
    %slice3A_35 = vector.extract_strided_slice %add3A {offsets = [5, 0], sizes = [1, 128], strides = [1, 1]} : vector<8x128xf32> to vector<1x128xf32>
    %squeeze3A_36 = vector.shape_cast %slice3A_35 : vector<1x128xf32> to vector<128xf32>
    %broadcast_in_dim3A_37 = vector.shape_cast %squeeze3A_36 : vector<128xf32> to vector<1x128xf32>
    %broadcast_in_dim3A_38 = vector.shape_cast %broadcast_in_dim3A_37 : vector<1x128xf32> to vector<1x128xf32>
    %broadcast_in_dim3A_39 = vector.broadcast %broadcast_in_dim3A_38 : vector<1x128xf32> to vector<128x128xf32>
    %transpose3A_40 = tpu.transpose %broadcast_in_dim3A_39, [1, 0] : vector<128x128xf32> -> vector<128x128xf32>
    %slice3A_41 = vector.extract_strided_slice %add3A {offsets = [6, 0], sizes = [1, 128], strides = [1, 1]} : vector<8x128xf32> to vector<1x128xf32>
    %squeeze3A_42 = vector.shape_cast %slice3A_41 : vector<1x128xf32> to vector<128xf32>
    %broadcast_in_dim3A_43 = vector.shape_cast %squeeze3A_42 : vector<128xf32> to vector<1x128xf32>
    %broadcast_in_dim3A_44 = vector.shape_cast %broadcast_in_dim3A_43 : vector<1x128xf32> to vector<1x128xf32>
    %broadcast_in_dim3A_45 = vector.broadcast %broadcast_in_dim3A_44 : vector<1x128xf32> to vector<128x128xf32>
    %transpose3A_46 = tpu.transpose %broadcast_in_dim3A_45, [1, 0] : vector<128x128xf32> -> vector<128x128xf32>
    %slice3A_47 = vector.extract_strided_slice %add3A {offsets = [7, 0], sizes = [1, 128], strides = [1, 1]} : vector<8x128xf32> to vector<1x128xf32>
    %squeeze3A_48 = vector.shape_cast %slice3A_47 : vector<1x128xf32> to vector<128xf32>
    %broadcast_in_dim3A_49 = vector.shape_cast %squeeze3A_48 : vector<128xf32> to vector<1x128xf32>
    %broadcast_in_dim3A_50 = vector.shape_cast %broadcast_in_dim3A_49 : vector<1x128xf32> to vector<1x128xf32>
    %broadcast_in_dim3A_51 = vector.broadcast %broadcast_in_dim3A_50 : vector<1x128xf32> to vector<128x128xf32>
    %transpose3A_52 = tpu.transpose %broadcast_in_dim3A_51, [1, 0] : vector<128x128xf32> -> vector<128x128xf32>
    %concatenate3A = tpu.concatenate %transpose3A, %transpose3A_16, %transpose3A_22, %transpose3A_28, %transpose3A_34, %transpose3A_40, %transpose3A_46, %transpose3A_52 in 0 : vector<128x128xf32>, vector<128x128xf32>, vector<128x128xf32>, vector<128x128xf32>, vector<128x128xf32>, vector<128x128xf32>, vector<128x128xf32>, vector<128x128xf32> -> vector<1024x128xf32>
    %max3A = arith.constant 1.000000e+00 : f32
    %max3A_53 = vector.broadcast %max3A : f32 to vector<1024x128xf32>
    %max3A_54 = arith.maximumf %concatenate3A, %max3A_53 : vector<1024x128xf32>
    %get3A_55 = arith.constant 0 : index
    %get3A_56 = arith.constant 0 : index
    %get3A_57 = arith.constant 0 : index
    %get3A_58 = vector.load %arg1[%get3A_55, %get3A_56, %get3A_57] : memref<1x1024x128xf32, #tpu.memory_space<vmem>>, vector<1x1024x128xf32>
    %get3A_59 = vector.shape_cast %get3A_58 : vector<1x1024x128xf32> to vector<1024x128xf32>
    %get3A_60 = arith.constant 0 : index
    %get3A_61 = arith.constant 0 : index
    %get3A_62 = arith.constant 0 : index
    %get3A_63 = vector.load %arg2[%get3A_60, %get3A_61, %get3A_62] : memref<1x1024x128xf32, #tpu.memory_space<vmem>>, vector<1x1024x128xf32>
    %get3A_64 = vector.shape_cast %get3A_63 : vector<1x1024x128xf32> to vector<1024x128xf32>
    %add3A_65 = arith.addf %get3A_59, %get3A_64 : vector<1024x128xf32>
    %div3A = arith.divf %add3A_65, %max3A_54 : vector<1024x128xf32>
    %get3A_66 = arith.constant 0 : index
    %get3A_67 = arith.constant 0 : index
    %get3A_68 = vector.load %arg5[%get3A_66, %get3A_67] : memref<128x128xf32, #tpu.memory_space<vmem>>, vector<128x128xf32>
    %dot_general3A = arith.constant dense<0.000000e+00> : vector<1024x128xf32>
    %dot_general3A_69 = tpu.matmul %div3A, %get3A_68, %dot_general3A {dimension_numbers = #tpu.dot_dimension_numbers<[1], [0], [0], [1], [0, 0, 1, 1], [], []>, transpose_lhs_hint = false} : vector<1024x128xf32>, vector<128x128xf32>, vector<1024x128xf32> -> vector<1024x128xf32>
    %get3A_70 = arith.constant 0 : index
    %get3A_71 = arith.constant 0 : index
    %get3A_72 = vector.load %arg6[%get3A_70, %get3A_71] : memref<1x128xf32, #tpu.memory_space<vmem>>, vector<1x128xf32>
    %add3A_73 = vector.broadcast %get3A_72 : vector<1x128xf32> to vector<1024x128xf32>
    %add3A_74 = arith.addf %dot_general3A_69, %add3A_73 : vector<1024x128xf32>
    %get3A_75 = arith.constant 0 : index
    %get3A_76 = arith.constant 0 : index
    %get3A_77 = vector.load %arg4[%get3A_75, %get3A_76] : memref<1024x128xf32, #tpu.memory_space<vmem>>, vector<1024x128xf32>
    %get3A_78 = arith.constant 0 : index
    %get3A_79 = arith.constant 0 : index
    %get3A_80 = vector.load %arg7[%get3A_78, %get3A_79] : memref<128x128xf32, #tpu.memory_space<vmem>>, vector<128x128xf32>
    %dot_general3A_81 = arith.constant dense<0.000000e+00> : vector<1024x128xf32>
    %dot_general3A_82 = tpu.matmul %get3A_77, %get3A_80, %dot_general3A_81 {dimension_numbers = #tpu.dot_dimension_numbers<[1], [0], [0], [1], [0, 0, 1, 1], [], []>, transpose_lhs_hint = false} : vector<1024x128xf32>, vector<128x128xf32>, vector<1024x128xf32> -> vector<1024x128xf32>
    %add3A_83 = arith.addf %add3A_74, %dot_general3A_82 : vector<1024x128xf32>
    %max3A_84 = arith.constant 0.000000e+00 : f32
    %max3A_85 = vector.broadcast %max3A_84 : f32 to vector<1024x128xf32>
    %max3A_86 = arith.maximumf %add3A_83, %max3A_85 : vector<1024x128xf32>
    %get3A_87 = arith.constant 0 : index
    %get3A_88 = arith.constant 0 : index
    %get3A_89 = vector.load %arg8[%get3A_87, %get3A_88] : memref<128x128xf32, #tpu.memory_space<vmem>>, vector<128x128xf32>
    %dot_general3A_90 = arith.constant dense<0.000000e+00> : vector<1024x128xf32>
    %dot_general3A_91 = tpu.matmul %max3A_86, %get3A_89, %dot_general3A_90 {dimension_numbers = #tpu.dot_dimension_numbers<[1], [0], [0], [1], [0, 0, 1, 1], [], []>, transpose_lhs_hint = false} : vector<1024x128xf32>, vector<128x128xf32>, vector<1024x128xf32> -> vector<1024x128xf32>
    %get3A_92 = arith.constant 0 : index
    %get3A_93 = arith.constant 0 : index
    %get3A_94 = vector.load %arg9[%get3A_92, %get3A_93] : memref<1x128xf32, #tpu.memory_space<vmem>>, vector<1x128xf32>
    %add3A_95 = vector.broadcast %get3A_94 : vector<1x128xf32> to vector<1024x128xf32>
    %add3A_96 = arith.addf %dot_general3A_91, %add3A_95 : vector<1024x128xf32>
    %swap3A = arith.constant 0 : index
    %swap3A_97 = arith.constant 0 : index
    %swap3A_98 = vector.load %arg10[%swap3A, %swap3A_97] : memref<1024x128xf32, #tpu.memory_space<vmem>>, vector<1024x128xf32>
    tpu.vector_store %arg10[%swap3A, %swap3A_97], %add3A_96 {strides = array<i32>} : memref<1024x128xf32, #tpu.memory_space<vmem>>, vector<1024x128xf32>,
    return
  }
  func.func @transform_0(%arg0: i32) -> (i32, i32, i32) {
    %c0_i32 = arith.constant 0 : i32
    %c0_i32_0 = arith.constant 0 : i32
    %c0_i32_1 = arith.constant 0 : i32
    return %c0_i32, %arg0, %c0_i32_0 : i32, i32, i32
  }
  func.func @transform_1(%arg0: i32) -> (i32, i32, i32) {
    %c1_i32 = arith.constant 1 : i32
    %c0_i32 = arith.constant 0 : i32
    %c0_i32_0 = arith.constant 0 : i32
    return %c1_i32, %arg0, %c0_i32 : i32, i32, i32
  }
  func.func @transform_2(%arg0: i32) -> (i32, i32, i32) {
    %c0_i32 = arith.constant 0 : i32
    %c0_i32_0 = arith.constant 0 : i32
    %c0_i32_1 = arith.constant 0 : i32
    return %c0_i32, %arg0, %c0_i32_0 : i32, i32, i32
  }
  func.func @transform_3(%arg0: i32) -> (i32, i32) {
    %c0_i32 = arith.constant 0 : i32
    %c0_i32_0 = arith.constant 0 : i32
    return %arg0, %c0_i32 : i32, i32
  }
  func.func @transform_4(%arg0: i32) -> (i32, i32) {
    %c0_i32 = arith.constant 0 : i32
    %c0_i32_0 = arith.constant 0 : i32
    %c0_i32_1 = arith.constant 0 : i32
    return %c0_i32, %c0_i32_0 : i32, i32
  }
  func.func @transform_5(%arg0: i32) -> (i32, i32) {
    %c0_i32 = arith.constant 0 : i32
    %c0_i32_0 = arith.constant 0 : i32
    %c0_i32_1 = arith.constant 0 : i32
    return %c0_i32, %c0_i32_0 : i32, i32
  }
  func.func @transform_6(%arg0: i32) -> (i32, i32) {
    %c0_i32 = arith.constant 0 : i32
    %c0_i32_0 = arith.constant 0 : i32
    %c0_i32_1 = arith.constant 0 : i32
    return %c0_i32, %c0_i32_0 : i32, i32
  }
  func.func @transform_7(%arg0: i32) -> (i32, i32) {
    %c0_i32 = arith.constant 0 : i32
    %c0_i32_0 = arith.constant 0 : i32
    %c0_i32_1 = arith.constant 0 : i32
    return %c0_i32, %c0_i32_0 : i32, i32
  }
  func.func @transform_8(%arg0: i32) -> (i32, i32) {
    %c0_i32 = arith.constant 0 : i32
    %c0_i32_0 = arith.constant 0 : i32
    %c0_i32_1 = arith.constant 0 : i32
    return %c0_i32, %c0_i32_0 : i32, i32
  }
  func.func @transform_9(%arg0: i32) -> (i32, i32) {
    %c0_i32 = arith.constant 0 : i32
    %c0_i32_0 = arith.constant 0 : i32
    return %arg0, %c0_i32 : i32, i32
  }
}

module attributes {stable_mosaic.version = 14 : i64} {
  func.func @_t0_body(%arg0: i32, %arg1: memref<1024x128xf32, #tpu.memory_space<vmem>>, %arg2: memref<128x128xf32, #tpu.memory_space<vmem>>, %arg3: memref<1x128xf32, #tpu.memory_space<vmem>>, %arg4: memref<1024x128xf32, #tpu.memory_space<vmem>>) attributes {dimension_semantics = [#tpu.dimension_semantics<arbitrary>], iteration_bounds = array<i64: 10>, scalar_prefetch = 0 : i64, scratch_operands = 0 : i64, tpu.core_type = #tpu.core_type<tc>, window_params = [{transform_indices = @transform_0, window_bounds = array<i64: 1024, 128>}, {pipeline_mode = #tpu.pipeline_mode<synchronous>, transform_indices = @transform_1, window_bounds = array<i64: 128, 128>}, {pipeline_mode = #tpu.pipeline_mode<synchronous>, transform_indices = @transform_2, window_bounds = array<i64: 1, 128>}, {transform_indices = @transform_3, window_bounds = array<i64: 1024, 128>}]} {
    %get3A = arith.constant 0 : index
    %get3A_0 = arith.constant 0 : index
    %get3A_1 = vector.load %arg1[%get3A, %get3A_0] : memref<1024x128xf32, #tpu.memory_space<vmem>>, vector<1024x128xf32>
    %get3A_2 = arith.constant 0 : index
    %get3A_3 = arith.constant 0 : index
    %get3A_4 = vector.load %arg2[%get3A_2, %get3A_3] : memref<128x128xf32, #tpu.memory_space<vmem>>, vector<128x128xf32>
    %dot_general3A = arith.constant dense<0.000000e+00> : vector<1024x128xf32>
    %dot_general3A_5 = tpu.matmul %get3A_1, %get3A_4, %dot_general3A {dimension_numbers = #tpu.dot_dimension_numbers<[1], [0], [0], [1], [0, 0, 1, 1], [], []>, transpose_lhs_hint = false} : vector<1024x128xf32>, vector<128x128xf32>, vector<1024x128xf32> -> vector<1024x128xf32>
    %get3A_6 = arith.constant 0 : index
    %get3A_7 = arith.constant 0 : index
    %get3A_8 = vector.load %arg3[%get3A_6, %get3A_7] : memref<1x128xf32, #tpu.memory_space<vmem>>, vector<1x128xf32>
    %add3A = vector.broadcast %get3A_8 : vector<1x128xf32> to vector<1024x128xf32>
    %add3A_9 = arith.addf %dot_general3A_5, %add3A : vector<1024x128xf32>
    %max3A = arith.constant 0.000000e+00 : f32
    %max3A_10 = vector.broadcast %max3A : f32 to vector<1024x128xf32>
    %max3A_11 = arith.maximumf %add3A_9, %max3A_10 : vector<1024x128xf32>
    %swap3A = arith.constant 0 : index
    %swap3A_12 = arith.constant 0 : index
    %swap3A_13 = vector.load %arg4[%swap3A, %swap3A_12] : memref<1024x128xf32, #tpu.memory_space<vmem>>, vector<1024x128xf32>
    tpu.vector_store %arg4[%swap3A, %swap3A_12], %max3A_11 {strides = array<i32>} : memref<1024x128xf32, #tpu.memory_space<vmem>>, vector<1024x128xf32>,
    return
  }
  func.func @transform_0(%arg0: i32) -> (i32, i32) {
    %c0_i32 = arith.constant 0 : i32
    %c0_i32_0 = arith.constant 0 : i32
    return %arg0, %c0_i32 : i32, i32
  }
  func.func @transform_1(%arg0: i32) -> (i32, i32) {
    %c0_i32 = arith.constant 0 : i32
    %c0_i32_0 = arith.constant 0 : i32
    %c0_i32_1 = arith.constant 0 : i32
    return %c0_i32, %c0_i32_0 : i32, i32
  }
  func.func @transform_2(%arg0: i32) -> (i32, i32) {
    %c0_i32 = arith.constant 0 : i32
    %c0_i32_0 = arith.constant 0 : i32
    %c0_i32_1 = arith.constant 0 : i32
    return %c0_i32, %c0_i32_0 : i32, i32
  }
  func.func @transform_3(%arg0: i32) -> (i32, i32) {
    %c0_i32 = arith.constant 0 : i32
    %c0_i32_0 = arith.constant 0 : i32
    return %arg0, %c0_i32 : i32, i32
  }
}

module attributes {stable_mosaic.version = 14 : i64} {
  func.func @_layer_body(%arg0: i32, %arg1: memref<1x1024x128xf32, #tpu.memory_space<vmem>>, %arg2: memref<1x1024x128xf32, #tpu.memory_space<vmem>>, %arg3: memref<2x8x128xf32, #tpu.memory_space<vmem>>, %arg4: memref<1024x128xf32, #tpu.memory_space<vmem>>, %arg5: memref<128x128xf32, #tpu.memory_space<vmem>>, %arg6: memref<1x128xf32, #tpu.memory_space<vmem>>, %arg7: memref<128x128xf32, #tpu.memory_space<vmem>>, %arg8: memref<1024x128xf32, #tpu.memory_space<vmem>>) attributes {dimension_semantics = [#tpu.dimension_semantics<arbitrary>], iteration_bounds = array<i64: 10>, scalar_prefetch = 0 : i64, scratch_operands = 0 : i64, tpu.core_type = #tpu.core_type<tc>, window_params = [{transform_indices = @transform_0, window_bounds = array<i64: 1, 1024, 128>}, {transform_indices = @transform_1, window_bounds = array<i64: 1, 1024, 128>}, {transform_indices = @transform_2, window_bounds = array<i64: 2, 8, 128>}, {transform_indices = @transform_3, window_bounds = array<i64: 1024, 128>}, {pipeline_mode = #tpu.pipeline_mode<synchronous>, transform_indices = @transform_4, window_bounds = array<i64: 128, 128>}, {pipeline_mode = #tpu.pipeline_mode<synchronous>, transform_indices = @transform_5, window_bounds = array<i64: 1, 128>}, {pipeline_mode = #tpu.pipeline_mode<synchronous>, transform_indices = @transform_6, window_bounds = array<i64: 128, 128>}, {transform_indices = @transform_7, window_bounds = array<i64: 1024, 128>}]} {
    %get3A = arith.constant 0 : index
    %get3A_0 = arith.constant 0 : index
    %get3A_1 = arith.constant 0 : index
    %get3A_2 = vector.load %arg3[%get3A, %get3A_0, %get3A_1] : memref<2x8x128xf32, #tpu.memory_space<vmem>>, vector<1x8x128xf32>
    %get3A_3 = vector.shape_cast %get3A_2 : vector<1x8x128xf32> to vector<8x128xf32>
    %get3A_4 = arith.constant 1 : index
    %get3A_5 = arith.constant 0 : index
    %get3A_6 = arith.constant 0 : index
    %get3A_7 = vector.load %arg3[%get3A_4, %get3A_5, %get3A_6] : memref<2x8x128xf32, #tpu.memory_space<vmem>>, vector<1x8x128xf32>
    %get3A_8 = vector.shape_cast %get3A_7 : vector<1x8x128xf32> to vector<8x128xf32>
    %add3A = arith.addf %get3A_3, %get3A_8 : vector<8x128xf32>
    %slice3A = vector.extract_strided_slice %add3A {offsets = [0, 0], sizes = [1, 128], strides = [1, 1]} : vector<8x128xf32> to vector<1x128xf32>
    %squeeze3A = vector.shape_cast %slice3A : vector<1x128xf32> to vector<128xf32>
    %broadcast_in_dim3A = vector.shape_cast %squeeze3A : vector<128xf32> to vector<1x128xf32>
    %broadcast_in_dim3A_9 = vector.shape_cast %broadcast_in_dim3A : vector<1x128xf32> to vector<1x128xf32>
    %broadcast_in_dim3A_10 = vector.broadcast %broadcast_in_dim3A_9 : vector<1x128xf32> to vector<128x128xf32>
    %transpose3A = tpu.transpose %broadcast_in_dim3A_10, [1, 0] : vector<128x128xf32> -> vector<128x128xf32>
    %slice3A_11 = vector.extract_strided_slice %add3A {offsets = [1, 0], sizes = [1, 128], strides = [1, 1]} : vector<8x128xf32> to vector<1x128xf32>
    %squeeze3A_12 = vector.shape_cast %slice3A_11 : vector<1x128xf32> to vector<128xf32>
    %broadcast_in_dim3A_13 = vector.shape_cast %squeeze3A_12 : vector<128xf32> to vector<1x128xf32>
    %broadcast_in_dim3A_14 = vector.shape_cast %broadcast_in_dim3A_13 : vector<1x128xf32> to vector<1x128xf32>
    %broadcast_in_dim3A_15 = vector.broadcast %broadcast_in_dim3A_14 : vector<1x128xf32> to vector<128x128xf32>
    %transpose3A_16 = tpu.transpose %broadcast_in_dim3A_15, [1, 0] : vector<128x128xf32> -> vector<128x128xf32>
    %slice3A_17 = vector.extract_strided_slice %add3A {offsets = [2, 0], sizes = [1, 128], strides = [1, 1]} : vector<8x128xf32> to vector<1x128xf32>
    %squeeze3A_18 = vector.shape_cast %slice3A_17 : vector<1x128xf32> to vector<128xf32>
    %broadcast_in_dim3A_19 = vector.shape_cast %squeeze3A_18 : vector<128xf32> to vector<1x128xf32>
    %broadcast_in_dim3A_20 = vector.shape_cast %broadcast_in_dim3A_19 : vector<1x128xf32> to vector<1x128xf32>
    %broadcast_in_dim3A_21 = vector.broadcast %broadcast_in_dim3A_20 : vector<1x128xf32> to vector<128x128xf32>
    %transpose3A_22 = tpu.transpose %broadcast_in_dim3A_21, [1, 0] : vector<128x128xf32> -> vector<128x128xf32>
    %slice3A_23 = vector.extract_strided_slice %add3A {offsets = [3, 0], sizes = [1, 128], strides = [1, 1]} : vector<8x128xf32> to vector<1x128xf32>
    %squeeze3A_24 = vector.shape_cast %slice3A_23 : vector<1x128xf32> to vector<128xf32>
    %broadcast_in_dim3A_25 = vector.shape_cast %squeeze3A_24 : vector<128xf32> to vector<1x128xf32>
    %broadcast_in_dim3A_26 = vector.shape_cast %broadcast_in_dim3A_25 : vector<1x128xf32> to vector<1x128xf32>
    %broadcast_in_dim3A_27 = vector.broadcast %broadcast_in_dim3A_26 : vector<1x128xf32> to vector<128x128xf32>
    %transpose3A_28 = tpu.transpose %broadcast_in_dim3A_27, [1, 0] : vector<128x128xf32> -> vector<128x128xf32>
    %slice3A_29 = vector.extract_strided_slice %add3A {offsets = [4, 0], sizes = [1, 128], strides = [1, 1]} : vector<8x128xf32> to vector<1x128xf32>
    %squeeze3A_30 = vector.shape_cast %slice3A_29 : vector<1x128xf32> to vector<128xf32>
    %broadcast_in_dim3A_31 = vector.shape_cast %squeeze3A_30 : vector<128xf32> to vector<1x128xf32>
    %broadcast_in_dim3A_32 = vector.shape_cast %broadcast_in_dim3A_31 : vector<1x128xf32> to vector<1x128xf32>
    %broadcast_in_dim3A_33 = vector.broadcast %broadcast_in_dim3A_32 : vector<1x128xf32> to vector<128x128xf32>
    %transpose3A_34 = tpu.transpose %broadcast_in_dim3A_33, [1, 0] : vector<128x128xf32> -> vector<128x128xf32>
    %slice3A_35 = vector.extract_strided_slice %add3A {offsets = [5, 0], sizes = [1, 128], strides = [1, 1]} : vector<8x128xf32> to vector<1x128xf32>
    %squeeze3A_36 = vector.shape_cast %slice3A_35 : vector<1x128xf32> to vector<128xf32>
    %broadcast_in_dim3A_37 = vector.shape_cast %squeeze3A_36 : vector<128xf32> to vector<1x128xf32>
    %broadcast_in_dim3A_38 = vector.shape_cast %broadcast_in_dim3A_37 : vector<1x128xf32> to vector<1x128xf32>
    %broadcast_in_dim3A_39 = vector.broadcast %broadcast_in_dim3A_38 : vector<1x128xf32> to vector<128x128xf32>
    %transpose3A_40 = tpu.transpose %broadcast_in_dim3A_39, [1, 0] : vector<128x128xf32> -> vector<128x128xf32>
    %slice3A_41 = vector.extract_strided_slice %add3A {offsets = [6, 0], sizes = [1, 128], strides = [1, 1]} : vector<8x128xf32> to vector<1x128xf32>
    %squeeze3A_42 = vector.shape_cast %slice3A_41 : vector<1x128xf32> to vector<128xf32>
    %broadcast_in_dim3A_43 = vector.shape_cast %squeeze3A_42 : vector<128xf32> to vector<1x128xf32>
    %broadcast_in_dim3A_44 = vector.shape_cast %broadcast_in_dim3A_43 : vector<1x128xf32> to vector<1x128xf32>
    %broadcast_in_dim3A_45 = vector.broadcast %broadcast_in_dim3A_44 : vector<1x128xf32> to vector<128x128xf32>
    %transpose3A_46 = tpu.transpose %broadcast_in_dim3A_45, [1, 0] : vector<128x128xf32> -> vector<128x128xf32>
    %slice3A_47 = vector.extract_strided_slice %add3A {offsets = [7, 0], sizes = [1, 128], strides = [1, 1]} : vector<8x128xf32> to vector<1x128xf32>
    %squeeze3A_48 = vector.shape_cast %slice3A_47 : vector<1x128xf32> to vector<128xf32>
    %broadcast_in_dim3A_49 = vector.shape_cast %squeeze3A_48 : vector<128xf32> to vector<1x128xf32>
    %broadcast_in_dim3A_50 = vector.shape_cast %broadcast_in_dim3A_49 : vector<1x128xf32> to vector<1x128xf32>
    %broadcast_in_dim3A_51 = vector.broadcast %broadcast_in_dim3A_50 : vector<1x128xf32> to vector<128x128xf32>
    %transpose3A_52 = tpu.transpose %broadcast_in_dim3A_51, [1, 0] : vector<128x128xf32> -> vector<128x128xf32>
    %concatenate3A = tpu.concatenate %transpose3A, %transpose3A_16, %transpose3A_22, %transpose3A_28, %transpose3A_34, %transpose3A_40, %transpose3A_46, %transpose3A_52 in 0 : vector<128x128xf32>, vector<128x128xf32>, vector<128x128xf32>, vector<128x128xf32>, vector<128x128xf32>, vector<128x128xf32>, vector<128x128xf32>, vector<128x128xf32> -> vector<1024x128xf32>
    %max3A = arith.constant 1.000000e+00 : f32
    %max3A_53 = vector.broadcast %max3A : f32 to vector<1024x128xf32>
    %max3A_54 = arith.maximumf %concatenate3A, %max3A_53 : vector<1024x128xf32>
    %get3A_55 = arith.constant 0 : index
    %get3A_56 = arith.constant 0 : index
    %get3A_57 = arith.constant 0 : index
    %get3A_58 = vector.load %arg1[%get3A_55, %get3A_56, %get3A_57] : memref<1x1024x128xf32, #tpu.memory_space<vmem>>, vector<1x1024x128xf32>
    %get3A_59 = vector.shape_cast %get3A_58 : vector<1x1024x128xf32> to vector<1024x128xf32>
    %get3A_60 = arith.constant 0 : index
    %get3A_61 = arith.constant 0 : index
    %get3A_62 = arith.constant 0 : index
    %get3A_63 = vector.load %arg2[%get3A_60, %get3A_61, %get3A_62] : memref<1x1024x128xf32, #tpu.memory_space<vmem>>, vector<1x1024x128xf32>
    %get3A_64 = vector.shape_cast %get3A_63 : vector<1x1024x128xf32> to vector<1024x128xf32>
    %add3A_65 = arith.addf %get3A_59, %get3A_64 : vector<1024x128xf32>
    %div3A = arith.divf %add3A_65, %max3A_54 : vector<1024x128xf32>
    %get3A_66 = arith.constant 0 : index
    %get3A_67 = arith.constant 0 : index
    %get3A_68 = vector.load %arg5[%get3A_66, %get3A_67] : memref<128x128xf32, #tpu.memory_space<vmem>>, vector<128x128xf32>
    %dot_general3A = arith.constant dense<0.000000e+00> : vector<1024x128xf32>
    %dot_general3A_69 = tpu.matmul %div3A, %get3A_68, %dot_general3A {dimension_numbers = #tpu.dot_dimension_numbers<[1], [0], [0], [1], [0, 0, 1, 1], [], []>, transpose_lhs_hint = false} : vector<1024x128xf32>, vector<128x128xf32>, vector<1024x128xf32> -> vector<1024x128xf32>
    %get3A_70 = arith.constant 0 : index
    %get3A_71 = arith.constant 0 : index
    %get3A_72 = vector.load %arg6[%get3A_70, %get3A_71] : memref<1x128xf32, #tpu.memory_space<vmem>>, vector<1x128xf32>
    %add3A_73 = vector.broadcast %get3A_72 : vector<1x128xf32> to vector<1024x128xf32>
    %add3A_74 = arith.addf %dot_general3A_69, %add3A_73 : vector<1024x128xf32>
    %get3A_75 = arith.constant 0 : index
    %get3A_76 = arith.constant 0 : index
    %get3A_77 = vector.load %arg4[%get3A_75, %get3A_76] : memref<1024x128xf32, #tpu.memory_space<vmem>>, vector<1024x128xf32>
    %get3A_78 = arith.constant 0 : index
    %get3A_79 = arith.constant 0 : index
    %get3A_80 = vector.load %arg7[%get3A_78, %get3A_79] : memref<128x128xf32, #tpu.memory_space<vmem>>, vector<128x128xf32>
    %dot_general3A_81 = arith.constant dense<0.000000e+00> : vector<1024x128xf32>
    %dot_general3A_82 = tpu.matmul %get3A_77, %get3A_80, %dot_general3A_81 {dimension_numbers = #tpu.dot_dimension_numbers<[1], [0], [0], [1], [0, 0, 1, 1], [], []>, transpose_lhs_hint = false} : vector<1024x128xf32>, vector<128x128xf32>, vector<1024x128xf32> -> vector<1024x128xf32>
    %add3A_83 = arith.addf %add3A_74, %dot_general3A_82 : vector<1024x128xf32>
    %max3A_84 = arith.constant 0.000000e+00 : f32
    %max3A_85 = vector.broadcast %max3A_84 : f32 to vector<1024x128xf32>
    %max3A_86 = arith.maximumf %add3A_83, %max3A_85 : vector<1024x128xf32>
    %swap3A = arith.constant 0 : index
    %swap3A_87 = arith.constant 0 : index
    %swap3A_88 = vector.load %arg8[%swap3A, %swap3A_87] : memref<1024x128xf32, #tpu.memory_space<vmem>>, vector<1024x128xf32>
    tpu.vector_store %arg8[%swap3A, %swap3A_87], %max3A_86 {strides = array<i32>} : memref<1024x128xf32, #tpu.memory_space<vmem>>, vector<1024x128xf32>,
    return
  }
  func.func @transform_0(%arg0: i32) -> (i32, i32, i32) {
    %c0_i32 = arith.constant 0 : i32
    %c0_i32_0 = arith.constant 0 : i32
    %c0_i32_1 = arith.constant 0 : i32
    return %c0_i32, %arg0, %c0_i32_0 : i32, i32, i32
  }
  func.func @transform_1(%arg0: i32) -> (i32, i32, i32) {
    %c1_i32 = arith.constant 1 : i32
    %c0_i32 = arith.constant 0 : i32
    %c0_i32_0 = arith.constant 0 : i32
    return %c1_i32, %arg0, %c0_i32 : i32, i32, i32
  }
  func.func @transform_2(%arg0: i32) -> (i32, i32, i32) {
    %c0_i32 = arith.constant 0 : i32
    %c0_i32_0 = arith.constant 0 : i32
    %c0_i32_1 = arith.constant 0 : i32
    return %c0_i32, %arg0, %c0_i32_0 : i32, i32, i32
  }
  func.func @transform_3(%arg0: i32) -> (i32, i32) {
    %c0_i32 = arith.constant 0 : i32
    %c0_i32_0 = arith.constant 0 : i32
    return %arg0, %c0_i32 : i32, i32
  }
  func.func @transform_4(%arg0: i32) -> (i32, i32) {
    %c0_i32 = arith.constant 0 : i32
    %c0_i32_0 = arith.constant 0 : i32
    %c0_i32_1 = arith.constant 0 : i32
    return %c0_i32, %c0_i32_0 : i32, i32
  }
  func.func @transform_5(%arg0: i32) -> (i32, i32) {
    %c0_i32 = arith.constant 0 : i32
    %c0_i32_0 = arith.constant 0 : i32
    %c0_i32_1 = arith.constant 0 : i32
    return %c0_i32, %c0_i32_0 : i32, i32
  }
  func.func @transform_6(%arg0: i32) -> (i32, i32) {
    %c0_i32 = arith.constant 0 : i32
    %c0_i32_0 = arith.constant 0 : i32
    %c0_i32_1 = arith.constant 0 : i32
    return %c0_i32, %c0_i32_0 : i32, i32
  }
  func.func @transform_7(%arg0: i32) -> (i32, i32) {
    %c0_i32 = arith.constant 0 : i32
    %c0_i32_0 = arith.constant 0 : i32
    return %arg0, %c0_i32 : i32, i32
  }
}

</mosaic_0001>

<sc_bundles>
// kernel: kernel.10.cloned.1.call-start
scs
__scs_entry_jumppad:
0x0: {  	(pc) =	sbr.rel $0x88, $3  }
0x1: {  	(tag) =	ssettag $0x0;
	lr =	simm.s32 $0x1  }
0x2: {  	[smem:$0x3F95] =	sst lr;
	_ =	strace $0xD0000000  }
0x3: {  	_ = 	snop  }
0x4: {  	_ = 	snop  }
0x5: {  	_ = 	snop  }
0x6: {  	_ = 	snop  }
0x7: {  	_ = 	snop  }
__scs_overlays_trampoline_lowered:
0x8: {  	[smem:$0x3FA4] =	sst s0  }
0x9: {  	[smem:$0x3FA5] =	sst s1  }
0xa: {  	[smem:$0x3FA6] =	sst s2  }
0xb: {  	[smem:$0x3FA7] =	sst s3  }
0xc: {  	[smem:$0x3FA8] =	sst s4  }
0xd: {  	[smem:$0x3FA9] =	sst s5  }
0xe: {  	[smem:$0x3FAA] =	sst s6  }
0xf: {  	[smem:$0x3FAB] =	sst s7  }
0x10: {  	[smem:$0x3FAC] =	sst s8  }
0x11: {  	[smem:$0x3FAD] =	sst s9;
	s0 =	simm.s32 @!p0 $0x0  }
0x12: {  	s1 =	sld [smem:$0x3F93];
	s0 =	simm.s32 @p0 $0x1  }
0x13: {  	[smem:$0x3FAE] =	sst s0;
	s0 =	simm.s32 @!p1 $0x0  }
0x14: {  	s2 =	sld [smem:$0x3F92];
	s0 =	simm.s32 @p1 $0x1  }
0x15: {  	[smem:$0x3FAF] =	sst s0;
	s0 =	simm.s32 @!p2 $0x0  }
0x16: {  	s3 =	sld [smem:$0x3FDB];
	s0 =	simm.s32 @p2 $0x1  }
0x17: {  	s4 =	simm.s32 $0x1BF5;
	[smem:$0x3FB1] =	sst s0  }
0x18: {  	s0 =	sld [smem:$0x3F94];
	_ =	swait.ge [sflag:s4], $0x0  }
0x19: {  	s7 =	sld [smem:$0x3F95]  }
0x1a: {  	s8 =	sadd.s32 $0xFFFFE003, lr  }
0x1b: {  	s9 =	sadd.s32 $0xFFFFFEF7, lr;
	s5 =	simm.s32 $0xFFFFFFFF;
	p2 =	slt.u32 s8, $0xFFFFF086  }
0x1c: {  	p1 =	slt.u32 s9, $0xF7A;
	s5 =	simm.s32 @!p2 $0x0  }
0x1d: {  	s5 =	simm.s32 @p1 $0x1;
	p0 =	seq.s32 s7, s2  }
0x1e: {  	s7 =	smul.u32 @!p0 $0xF7A, s2;
	p2 =	seq.s32 @!p0 s5, $0x0  }
0x1f: {  	s9 =	smul.u32 $0xF7A, s1;
	s8 =	simm.s32 @!p0 $0x1BF5;
	p2 =	por !p2, p0  }
0x20: {  	[sflag:s8] =	ssyncset.s32 @!p0 $0xFFFFF086;
	s6 =	sadd.s32 @!p0 s3, s7;
	s7 =	simm.s32 @!p0 $0x108  }
0x21: {  	s3 =	sadd.s32 s3, s9;
	s6 =	sadd.s32 @!p0 $0x88, s6;
	s7 =	simm.s32 @p2 $0x1082  }
0x22: {  	[simem:s7], [sflag:s8] =	dma.local @!p0 [hbm:s6], $0xF7A  }
0x23: {  	s9 =	sor.u32 $0xD0000000, s2;
	s6 =	simm.s32 $0x108;
	_ =	swait.ge @!p0 [sflag:s8], $0x0  }
0x24: {  	s3 =	sadd.s32 $0x88, s3;
	s6 =	simm.s32 @!p1 $0x1082;
	[sflag:s4] =	ssyncset.s32 $0xFFFFF086  }
0x25: {  	[simem:s6], [sflag:s4] =	dma.local [hbm:s3], $0xF7A  }
0x26: {  	[smem:$0x3F95] =	sst s1;
	(tag) =	ssettag s2;
	_ =	strace s9  }
0x27: {  	s1 =	sld [smem:$0x3FA5]  }
0x28: {  	s2 =	sld [smem:$0x3FA6]  }
0x29: {  	s4 =	sld [smem:$0x3FA8]  }
0x2a: {  	p0 =	seq.s32 s5, $0x0;
	s5 =	sld [smem:$0x3FA9]  }
0x2b: {  	s6 =	sld [smem:$0x3FAA]  }
0x2c: {  	s7 =	sld [smem:$0x3FAB]  }
0x2d: {  	s3 =	simm.s32 $0x108;
	s8 =	sld [smem:$0x3FAC]  }
0x2e: {  	s3 =	simm.s32 @!p0 $0x1082;
	s9 =	sld [smem:$0x3FAD]  }
0x2f: {  	lr =	sadd.s32 s0, s3;
	s0 =	sld [smem:$0x3FA4]  }
0x30: {  	s3 =	sld [smem:$0x3FA7]  }
0x31: {  	[smem:$0x3FB0] =	sst s10  }
0x32: {  	s10 =	sld [smem:$0x3FAE];
	_ =	sdelay $0x3  }
0x33: {  	p0 =	seq.s32 s10, $0x1;
	s10 =	sld [smem:$0x3FB0];
	_ =	sdelay $0x3  }
0x34: {  	[smem:$0x3FB0] =	sst s10  }
0x35: {  	s10 =	sld [smem:$0x3FAF];
	_ =	sdelay $0x3  }
0x36: {  	p1 =	seq.s32 s10, $0x1;
	s10 =	sld [smem:$0x3FB0];
	_ =	sdelay $0x3  }
0x37: {  	[smem:$0x3FB0] =	sst s10  }
0x38: {  	s10 =	sld [smem:$0x3FB1]  }
0x39: {  	_ = 	snop;
	(pc) =	sbr.ind lr, $3  }
0x3a: {  	_ = 	snop  }
0x3b: {  	_ = 	snop  }
0x3c: {  	p2 =	seq.s32 s10, $0x1;
	s10 =	sld [smem:$0x3FB0]  }
0x3d: {  	_ =	shalt  }
0x3e: {  	_ =	shalt  }
0x3f: {  	_ =	shalt  }
0x40: {  	_ =	shalt  }
0x41: {  	_ =	shalt  }
0x42: {  	_ =	shalt  }
0x43: {  	_ =	shalt  }
0x44: {  	_ =	shalt  }
0x45: {  	_ =	shalt  }
0x46: {  	_ =	shalt  }
0x47: {  	_ =	shalt  }
0x48: {  	_ =	shalt  }
0x49: {  	_ =	shalt  }
0x4a: {  	_ =	shalt  }
0x4b: {  	_ =	shalt  }
0x4c: {  	_ =	shalt  }
0x4d: {  	_ =	shalt  }
0x4e: {  	_ =	shalt  }
0x4f: {  	_ =	shalt  }
0x50: {  	_ =	shalt  }
0x51: {  	_ =	shalt  }
0x52: {  	_ =	shalt  }
0x53: {  	_ =	shalt  }
0x54: {  	_ =	shalt  }
0x55: {  	_ =	shalt  }
0x56: {  	_ =	shalt  }
0x57: {  	_ =	shalt  }
0x58: {  	_ =	shalt  }
0x59: {  	_ =	shalt  }
0x5a: {  	_ =	shalt  }
0x5b: {  	_ =	shalt  }
0x5c: {  	_ =	shalt  }
0x5d: {  	_ =	shalt  }
0x5e: {  	_ =	shalt  }
0x5f: {  	_ =	shalt  }
0x60: {  	_ =	shalt  }
0x61: {  	_ =	shalt  }
0x62: {  	_ =	shalt  }
0x63: {  	_ =	shalt  }
0x64: {  	_ =	shalt  }
0x65: {  	_ =	shalt  }
0x66: {  	_ =	shalt  }
0x67: {  	_ =	shalt  }
0x68: {  	_ =	shalt  }
0x69: {  	_ =	shalt  }
0x6a: {  	_ =	shalt  }
0x6b: {  	_ =	shalt  }
0x6c: {  	_ =	shalt  }
0x6d: {  	_ =	shalt  }
0x6e: {  	_ =	shalt  }
0x6f: {  	_ =	shalt  }
0x70: {  	_ =	shalt  }
0x71: {  	_ =	shalt  }
0x72: {  	_ =	shalt  }
0x73: {  	_ =	shalt  }
0x74: {  	_ =	shalt  }
0x75: {  	_ =	shalt  }
0x76: {  	_ =	shalt  }
0x77: {  	_ =	shalt  }
0x78: {  	_ =	shalt  }
0x79: {  	_ =	shalt  }
0x7a: {  	_ =	shalt  }
0x7b: {  	_ =	shalt  }
0x7c: {  	_ =	shalt  }
0x7d: {  	_ =	shalt  }
0x7e: {  	_ =	shalt  }
0x7f: {  	_ =	shalt  }
0x80: {  	_ =	shalt  }
0x81: {  	_ =	shalt  }
0x82: {  	_ =	shalt  }
0x83: {  	_ =	shalt  }
0x84: {  	_ =	shalt  }
0x85: {  	_ =	shalt  }
0x86: {  	_ =	shalt  }
0x87: {  	_ =	shalt  }
.Lfunc_end0:
.L_simem_size_0:
called_computation.1_lowered:
.L_overlay_start_0:
0x88: {  	s2 =	sld [smem:$0x3FD9]  }
0x89: {  	s3 =	sld [smem:$0x3FFE];
	_ =	sdelay $0x1  }
0x8a: {  	s1 =	srdreg.scid  }
0x8b: {  	s0 =	sand.u32 $0x1, s1  }
0x8c: {  	s17 =	sshll.u32 s0, $0xA;
	s2 =	sadd.s32 s3, s2  }
0x8d: {  	s2 =	sadd.s32 s2, s17  }
0x8e: {  	[smem:$0x3FBC] =	sst s2  }
0x8f: {  	_ = 	snop  }
0x90: {  	s2 =	sld [smem:$0x3FD0];
	(tm) =	ssettm $0x1  }
0x91: {  	s18 =	sld [smem:$0x3FFB];
	_ =	sdelay $0x3  }
0x92: {  	_ =	strace s18  }
0x93: {  	s3 =	sld [smem:$0x3FFC];
	_ =	sdelay $0x3  }
0x94: {  	_ =	strace s3  }
0x95: {  	s3 =	sld [smem:$0x3FFD];
	_ =	sdelay $0x3  }
0x96: {  	_ =	strace s3  }
0x97: {  	_ =	strace $0x8FFFFFFF  }
0x98: {  	s19 =	sld [smem:$0x3FDB];
	_ =	sdelay $0x1  }
0x99: {  	s4 =	simm.s32 $_scs_section_size  }
0x9a: {  	s5 =	simm.s32 $_size__tile_overlayer_lowered;
	s6 =	simm.s32 $_tile_overlayer_lowered  }
0x9b: {  	s22 =	simm.s32 $0x1BFF;
	s21 =	sshll.u32 s6, $0x1;
	s3 =	sadd.s32 s4, s19  }
0x9c: {  	s7 =	simm.s32 $0x0;
	s20 =	sshll.u32 s5, $0x1;
	s5 =	sadd.s32 s21, s3  }
0x9d: {  	[timem:s7], [sflag:s22] =	dma.local [hbm:s5], s20  }
0x9e: {  	_ =	swait.ge [sflag:s22], s20  }
0x9f: {  	s4 =	ssub.s32 $0x0, s20;
	[sflag:s22] =	ssyncset.done $0x0  }
0xa0: {  	[sflag:s22] =	ssyncadd.s32 s4;
	_ =	sdelay $0x1  }
0xa1: {  	s23 =	simm.s32 $0x1B8B  }
0xa2: {  	_ =	swait.ge [sflag:s23], $0x1  }
0xa3: {  	[sflag:s23] =	ssyncset.done $0x0  }
0xa4: {  	s25 =	simm.s32 $0x1B8E;
	s24 =	sld [smem:$0x3FFE];
	[sflag:s23] =	ssyncadd.s32 $0xFFFFFFFF  }
0xa5: {  	s26 =	simm.s32 $execute0_lowered;
	[smem:$0x3FD2] =	sst s25  }
0xa6: {  	s5 =	sshll.u32 s26, $0x1;
	_ =	strace $0x80000049;
	[dreg:$0x1] =	wrdreg $0xFFFFFFFF  }
0xa7: {  	s28 =	simm.s32 $_size_execute0_lowered;
	s3 =	sadd.s32 s3, s5;
	[dreg:$0x0] =	wrdreg $0x0  }
0xa8: {  	s5 =	sshll.u32 s28, $0x1;
	[dreg:$0x2] =	wrdreg s3  }
0xa9: {  	[dreg:$0x3] =	wrdreg s5  }
0xaa: {  	[dreg:$0x4] =	wrdreg $0xC0  }
0xab: {  	_ =	task [dreg:s7], $0x5FFFF  }
0xac: {  	[dreg:$0x1] =	wrdreg $0xFFFFFFFF  }
0xad: {  	[dreg:$0x0] =	wrdreg $0x60  }
0xae: {  	[dreg:$0x2] =	wrdreg s24  }
0xaf: {  	[dreg:$0x3] =	wrdreg s2  }
0xb0: {  	[dreg:$0x4] =	wrdreg $0x91000  }
0xb1: {  	[dreg:$0x5] =	wrdreg $0x9  }
0xb2: {  	_ =	task.clear_ibuf [dreg:s7], $0x6FFFF;
	_ =	strace $0x90000049  }
0xb3: {  	s29 =	simm.s32 $0x9;
	_ =	strace $0x8000004B  }
0xb4: {  	_ =	swait.ge [sflag:s29], $0x1  }
0xb5: {  	[sflag:s29] =	ssyncadd.s32 $0xFFFFFFFF  }
0xb6: {  	_ =	strace $0x9000004B  }
0xb7: {  	_ =	sfence  }
0xb8: {  	s30 =	sld [smem:$0x0];
	_ =	sdelay $0x2  }
0xb9: {  	s31 =	sshll.u32 s1, $0xD;
	s1 =	sshrl.u32 s1, $0x2  }
0xba: {  	s3 =	sand.u32 $0x4000, s31;
	s1 =	sadd.s32 s1, s30  }
0xbb: {  	s0 =	sor.u32 s3, s0;
	s1 =	sshll.u32 s1, $0x11  }
0xbc: {  	s0 =	sor.u32 s1, s0  }
0xbd: {  	s0 =	sadd.s32 $0x8F2B, s0  }
0xbe: {  	[sflag:s0] =	ssyncadd.remote.s32 $0x1  }
0xbf: {  	_ =	sfence.sel $0xFFFF  }
0xc0: {  	[dreg:$0x0] =	wrdreg $0xFFFFFFFF;
	(pc) =	sbr.abs _section_cstart, $3  }
0xc1: {  	[dreg:$0x1] =	wrdreg $0xFFFFFFFF  }
0xc2: {  	_ =	task.clear_ibuf [dreg:s7], $0x2FFFF;
	_ =	strace $0x9FFFFFFF  }
0xc3: {  	(tm) =	ssettm $0x7FFFFFFF  }
tec
execute0_lowered:
.L_overlay_start_1:
0x0: {  	(tag) =	ssettag $0x1  }
0x1: {  	s2 =	rddreg [dreg:$0x0]  }
0x2: {  	s0 =	rddreg [dreg:$0x1]  }
0x3: {  	s1 =	rddreg [dreg:$0x2]  }
0x4: {  	s3 =	srdreg.scid;
	s22 =	stileid.u32;
	s28 =	simm.s32 $0x2900  }
0x5: {  	s29 =	simm.s32 $0x60;
	s30 =	simm.s32 $0x2780;
	s8 =	smul.u32 $0x50000, s22  }
0x6: {  	s31 =	simm.s32 $0x5900;
	s5 =	sand.u32 $0x1, s3;
	s13 =	smul.u32 $0x14000, s22  }
0x7: {  	s3 =	simm.s32 $0x0;
	s4 =	sshll.u32 s5, $0x4;
	s19 =	smul.u32 $0x140000, s5  }
0x8: {  	[smem:$0x7FF] =	sst s3;
	s7 =	ssub.s32 $0x2, s5;
	s5 =	smul.u32 $0x27100, s5  }
0x9: {  	s6 =	sor.u32 s22, s4;
	_ =	strace $0x8000004A;
	s4 =	sadd.s32 $0x3200, s2  }
0xa: {  	s2 =	sadd.s32 $0x2B200, s2;
	s9 =	sshrl.u32 s7, $0x1;
	s23 =	sshrl.u32 s8, $0x2  }
0xb: {  	s15 =	sor.u32 $0x3000, s13;
	s16 =	sadd.s32 $0x6000, s13;
	s17 =	sadd.s32 $0x9000, s13  }
0xc: {  	s18 =	sadd.s32 $0xC000, s13;
	s20 =	sadd.s32 $0xF000, s13;
	s21 =	sadd.s32 $0x12000, s13  }
0xd: {  	s6 =	smul.u32 $0x2710, s6;
	s14 =	ssub.s32 s7, s9;
	s7 =	sadd.s32 s15, s1  }
0xe: {  	s8 =	sadd.s32 s16, s1;
	s9 =	sadd.s32 s17, s1;
	s10 =	sadd.s32 s18, s1  }
0xf: {  	s11 =	sadd.s32 s20, s1;
	s12 =	sadd.s32 s21, s1;
	s13 =	sadd.s32 s13, s19  }
0x10: {  	s15 =	sadd.s32 s19, s15;
	s26 =	sadd.s32 s19, s16;
	s17 =	sadd.s32 s19, s17  }
0x11: {  	s18 =	sadd.s32 s19, s18;
	s13 =	sshrl.u32 s13, $0x3;
	s25 =	sshrl.u32 s15, $0x3  }
0x12: {  	s16 =	sshrl.u32 s26, $0x3;
	s15 =	sshrl.u32 s17, $0x3;
	s26 =	smul.u32 $0x2710, s22  }
0x13: {  	s6 =	sshrl.u32 s6, $0x3;
	s13 =	sadd.s32 s2, s13;
	s15 =	sadd.s32 s2, s15  }
0x14: {  	s24 =	sadd.s32 s0, s6;
	s6 =	sadd.s32 s23, s1;
	[dreg:$0x5] =	wrdreg s13  }
0x15: {  	s13 =	sadd.s32 s2, s25;
	s25 =	sadd.s32 s19, s21;
	[dreg:$0x8] =	wrdreg s15  }
0x16: {  	s5 =	sadd.s32 s26, s5;
	s26 =	smax.u32 s14, $0x1;
	s14 =	simm.s32 $0x2  }
0x17: {  	s15 =	simm.s32 $0x4;
	s23 =	sadd.s32 $0x9C40, s24;
	[dreg:$0x6] =	wrdreg s13  }
0x18: {  	s13 =	sadd.s32 s2, s16;
	s16 =	sshrl.u32 s18, $0x3;
	[dreg:$0xe] =	wrdreg s26  }
0x19: {  	s22 =	sadd.s32 $0x9C4C, s24;
	s26 =	simm.s32 $0x5;
	[dreg:$0x4] =	wrdreg s23  }
0x1a: {  	s18 =	simm.s32 $0x0;
	s23 =	sadd.s32 s19, s20;
	[dreg:$0x7] =	wrdreg s13  }
0x1b: {  	s13 =	sadd.s32 s2, s16;
	s19 =	sshrl.u32 s25, $0x3;
	s20 =	sadd.s32 $0x4E320, s5  }
0x1c: {  	s5 =	sadd.s32 $0x4E2C0, s5;
	[dreg:$0xc] =	wrdreg s22;
	s25 =	smov.u32 s24  }
0x1d: {  	s24 =	sadd.s32 $0xA120, s24;
	s16 =	simm.s32 $0x8900;
	[dreg:$0x9] =	wrdreg s13  }
0x1e: {  	s17 =	sshrl.u32 s23, $0x3;
	s21 =	sshrl.u32 s20, $0x3;
	s23 =	sshrl.u32 s5, $0x3  }
0x1f: {  	[dreg:$0xd] =	wrdreg s24;
	s5 =	simm.s32 $0x10;
	s13 =	sadd.s32 s2, s17  }
0x20: {  	s2 =	sadd.s32 s2, s19;
	s22 =	sadd.s32 s21, s0;
	s23 =	sadd.s32 s23, s0  }
0x21: {  	s0 =	simm.s32 $0x2800;
	s17 =	simm.s32 $0x2880;
	[dreg:$0xa] =	wrdreg s13  }
0x22: {  	v0 =	vimm.f32 $0.0e+00;
	[dreg:$0xb] =	wrdreg s2;
	s2 =	simm.s32 $0x1;
	s13 =	simm.s32 $0x3  }
.LBB2_1:
0x23: {  	[tilespmem:s3], [sflag:$0x5] =	stream.linear.gather [hbm4b:s25+s3], $0x2710, $0x38;
	[tilespmem:$0x1D100] =	vst v63  }
0x24: {  	_ =	swait.ge [sflag:s26], $0x2710  }
0x25: {  	[sflag:s26] =	ssyncset.done $0x0  }
0x26: {  	s19 =	simm.s32 $0x70;
	s20 =	simm.s32 $0x3C0;
	[sflag:s26] =	ssyncadd.s32 $0xFFFFD8F0  }
.LBB2_2:
0x27: {  	p0 =	sne.s32 s20, $0xBFC0;
	[tilespmem:s19+$0x2900] =	vst v0  }
0x28: {  	[tilespmem:s19+$0x2890] =	vst v0  }
0x29: {  	[tilespmem:s19+$0x28A0] =	vst v0  }
.Ltmp0:
0x2a: {  	[tilespmem:s19+$0x28B0] =	vst v0;
	(pc) =	sbr.rel @p0 .LBB2_2-.Ltmp0, $4  }
0x2b: {  	[tilespmem:s19+$0x28C0] =	vst v0  }
0x2c: {  	[tilespmem:s19+$0x28D0] =	vst v0  }
0x2d: {  	[tilespmem:s19+$0x28E0] =	vst v0  }
0x2e: {  	[tilespmem:s19+$0x28F0] =	vst v0;
	s19 =	sshra.s32 s20, $0x2;
	s20 =	sadd.s32 $0x200, s20  }
0x2f: {  	[tilespmem:s19+$0x2900] =	vst v0  }
0x30: {  	[tilespmem:s19+$0x2890] =	vst v0  }
0x31: {  	[tilespmem:s19+$0x28A0] =	vst v0  }
0x32: {  	[tilespmem:s19+$0x28B0] =	vst v0  }
0x33: {  	[tilespmem:s19+$0x28C0] =	vst v0  }
0x34: {  	[tilespmem:s19+$0x28D0] =	vst v0  }
0x35: {  	[tilespmem:s19+$0x28E0] =	vst v0  }
0x36: {  	[tilespmem:s19+$0x28F0] =	vst v0  }
0x37: {  	[spmem:s6] =	stream.linear.scatter [tilespmem:s28], [sflag:$0x5], $0x3000, $0x38;
	[tilespmem:$0x1D100] =	vst v63  }
0x38: {  	_ =	swait.ge [sflag:s26], $0x3000  }
0x39: {  	[sflag:s26] =	ssyncset.done $0x0  }
0x3a: {  	[sflag:s26] =	ssyncadd.s32 $0xFFFFD000  }
0x3b: {  	[spmem:s7] =	stream.linear.scatter [tilespmem:s28], [sflag:$0x5], $0x3000, $0x38;
	[tilespmem:$0x1D100] =	vst v63  }
0x3c: {  	_ =	swait.ge [sflag:s26], $0x3000  }
0x3d: {  	[sflag:s26] =	ssyncset.done $0x0  }
0x3e: {  	[sflag:s26] =	ssyncadd.s32 $0xFFFFD000  }
0x3f: {  	[spmem:s8] =	stream.linear.scatter [tilespmem:s28], [sflag:$0x5], $0x3000, $0x38;
	[tilespmem:$0x1D100] =	vst v63  }
0x40: {  	_ =	swait.ge [sflag:s26], $0x3000  }
0x41: {  	[sflag:s26] =	ssyncset.done $0x0  }
0x42: {  	[sflag:s26] =	ssyncadd.s32 $0xFFFFD000  }
0x43: {  	[spmem:s9] =	stream.linear.scatter [tilespmem:s28], [sflag:$0x5], $0x3000, $0x38;
	[tilespmem:$0x1D100] =	vst v63  }
0x44: {  	_ =	swait.ge [sflag:s26], $0x3000  }
0x45: {  	[sflag:s26] =	ssyncset.done $0x0  }
0x46: {  	[sflag:s26] =	ssyncadd.s32 $0xFFFFD000  }
0x47: {  	[spmem:s10] =	stream.linear.scatter [tilespmem:s28], [sflag:$0x5], $0x3000, $0x38;
	[tilespmem:$0x1D100] =	vst v63  }
0x48: {  	_ =	swait.ge [sflag:s26], $0x3000  }
0x49: {  	[sflag:s26] =	ssyncset.done $0x0  }
0x4a: {  	[sflag:s26] =	ssyncadd.s32 $0xFFFFD000  }
0x4b: {  	[spmem:s11] =	stream.linear.scatter [tilespmem:s28], [sflag:$0x5], $0x3000, $0x38;
	[tilespmem:$0x1D100] =	vst v63  }
0x4c: {  	_ =	swait.ge [sflag:s26], $0x3000  }
0x4d: {  	[sflag:s26] =	ssyncset.done $0x0  }
0x4e: {  	[sflag:s26] =	ssyncadd.s32 $0xFFFFD000  }
0x4f: {  	[spmem:s12] =	stream.linear.scatter [tilespmem:s28], [sflag:$0x5], $0x2000, $0x38;
	[tilespmem:$0x1D100] =	vst v63  }
0x50: {  	_ =	swait.ge [sflag:s26], $0x2000  }
0x51: {  	[sflag:s26] =	ssyncset.done $0x0  }
0x52: {  	[sflag:s26] =	ssyncadd.s32 $0xFFFFE000  }
0x53: {  	s21 =	simm.s32 $0x0;
	[bflag:$0x0] =	sbarrier.arrive $0xFFFF  }
0x54: {  	[tilespmem:s28], [sflag:$0x1] =	stream.indirect.gather [hbm4b:s4+s29], $0x80, s21, s29, $0xb8;
	[tilespmem:$0x1D100] =	vst v63  }
0x55: {  	s20 =	rddreg [dreg:$0x4]  }
0x56: {  	[tilespmem:s30], [sflag:$0x3] =	stream.linear.gather [hbm4b:s20+s21], $0x60, $0x38;
	[tilespmem:$0x1D100] =	vst v63  }
0x57: {  	_ = 	snop  }
0x58: {  	[tilespmem:s31], [sflag:$0x2] =	stream.indirect.gather [hbm4b:s4+s29], $0x80, s29, s29, $0xb8;
	[tilespmem:$0x1D100] =	vst v63  }
0x59: {  	s24 =	rddreg [dreg:$0xc]  }
0x5a: {  	[tilespmem:s0], [sflag:$0x4] =	stream.linear.gather [hbm4b:s24+s21], $0x60, $0x38;
	[tilespmem:$0x1D100] =	vst v63  }
0x5b: {  	_ =	swait.ge [sflag:s2], $0x3000  }
0x5c: {  	[sflag:s2] =	ssyncset.done $0x0  }
0x5d: {  	[sflag:s2] =	ssyncadd.s32 $0xFFFFD000  }
0x5e: {  	_ =	swait.ge [sflag:s13], $0x60  }
0x5f: {  	[sflag:s13] =	ssyncset.done $0x0  }
0x60: {  	[sflag:s13] =	ssyncadd.s32 $0xFFFFFFA0  }
0x61: {  	[spmem:s1] =	stream.indirect.scatter.add.f32 [tilespmem:s28], [sflag:$0x5], $0x80, s30, s29, $0xb8;
	[tilespmem:$0x1D100] =	vst v63  }
0x62: {  	_ =	swait.ge [sflag:s26], $0x3000  }
0x63: {  	[sflag:s26] =	ssyncset.done $0x0  }
0x64: {  	s20 =	simm.s32 $0xC0;
	[sflag:s26] =	ssyncadd.s32 $0xFFFFD000  }
0x65: {  	[tilespmem:s28], [sflag:$0x1] =	stream.indirect.gather [hbm4b:s4+s29], $0x80, s20, s29, $0xb8;
	[tilespmem:$0x1D100] =	vst v63  }
0x66: {  	s21 =	sadd.s32 $0x0, s23  }
0x67: {  	[tilespmem:s30], [sflag:$0x3] =	stream.linear.gather [hbm4b:s21+s3], $0x60, $0x38;
	[tilespmem:$0x1D100] =	vst v63  }
0x68: {  	_ =	swait.ge [sflag:s14], $0x3000  }
0x69: {  	[sflag:s14] =	ssyncset.done $0x0  }
0x6a: {  	[sflag:s14] =	ssyncadd.s32 $0xFFFFD000  }
0x6b: {  	_ =	swait.ge [sflag:s15], $0x60  }
0x6c: {  	[sflag:s15] =	ssyncset.done $0x0  }
0x6d: {  	[sflag:s15] =	ssyncadd.s32 $0xFFFFFFA0  }
0x6e: {  	[spmem:s1] =	stream.indirect.scatter.add.f32 [tilespmem:s31], [sflag:$0x5], $0x80, s0, s29, $0xb8;
	[tilespmem:$0x1D100] =	vst v63  }
0x6f: {  	_ =	swait.ge [sflag:s26], $0x3000  }
0x70: {  	s19 =	simm.s32 $0x18;
	s24 =	simm.s32 $0x120;
	[sflag:s26] =	ssyncset.done $0x0  }
0x71: {  	s20 =	simm.s32 $0x1E0;
	s21 =	sadd.s32 $0x0, s22;
	[sflag:s26] =	ssyncadd.s32 $0xFFFFD000  }
0x72: {  	[tilespmem:s31], [sflag:$0x2] =	stream.indirect.gather [hbm4b:s4+s29], $0x80, s24, s29, $0xb8;
	[tilespmem:$0x1D100] =	vst v63  }
.LBB2_4:
0x73: {  	[tilespmem:s0], [sflag:$0x4] =	stream.linear.gather [hbm4b:s21+s3], $0x60, $0x38;
	[tilespmem:$0x1D100] =	vst v63  }
0x74: {  	s21 =	smov.u32 s19  }
0x75: {  	p0 =	sne.s32 s19, $0x4B0;
	s19 =	sadd.s32 $0x18, s19;
	_ =	swait.ge [sflag:s2], $0x3000  }
0x76: {  	[sflag:s2] =	ssyncset.done $0x0  }
0x77: {  	[sflag:s2] =	ssyncadd.s32 $0xFFFFD000  }
0x78: {  	_ =	swait.ge [sflag:s13], $0x60  }
0x79: {  	[sflag:s13] =	ssyncset.done $0x0  }
0x7a: {  	[sflag:s13] =	ssyncadd.s32 $0xFFFFFFA0  }
0x7b: {  	[spmem:s1] =	stream.indirect.scatter.add.f32 [tilespmem:s28], [sflag:$0x5], $0x80, s30, s29, $0xb8;
	[tilespmem:$0x1D100] =	vst v63  }
0x7c: {  	_ =	swait.ge [sflag:s26], $0x3000  }
0x7d: {  	[sflag:s26] =	ssyncset.done $0x0  }
0x7e: {  	s24 =	sadd.s32 $0xFFFFFFA0, s20;
	[sflag:s26] =	ssyncadd.s32 $0xFFFFD000  }
0x7f: {  	[tilespmem:s28], [sflag:$0x1] =	stream.indirect.gather [hbm4b:s4+s29], $0x80, s24, s29, $0xb8;
	[tilespmem:$0x1D100] =	vst v63  }
0x80: {  	s24 =	sadd.s32 s21, s23  }
0x81: {  	[tilespmem:s30], [sflag:$0x3] =	stream.linear.gather [hbm4b:s24+s3], $0x60, $0x38;
	[tilespmem:$0x1D100] =	vst v63  }
0x82: {  	_ =	swait.ge [sflag:s14], $0x3000  }
0x83: {  	[sflag:s14] =	ssyncset.done $0x0  }
0x84: {  	[sflag:s14] =	ssyncadd.s32 $0xFFFFD000  }
0x85: {  	_ =	swait.ge [sflag:s15], $0x60  }
0x86: {  	[sflag:s15] =	ssyncset.done $0x0  }
0x87: {  	[sflag:s15] =	ssyncadd.s32 $0xFFFFFFA0  }
0x88: {  	[spmem:s1] =	stream.indirect.scatter.add.f32 [tilespmem:s31], [sflag:$0x5], $0x80, s0, s29, $0xb8;
	[tilespmem:$0x1D100] =	vst v63  }
.Ltmp1:
0x89: {  	_ =	swait.ge [sflag:s26], $0x3000;
	(pc) =	sbr.rel @p0 .LBB2_4-.Ltmp1, $4  }
0x8a: {  	[sflag:s26] =	ssyncset.done $0x0  }
0x8b: {  	[sflag:s26] =	ssyncadd.s32 $0xFFFFD000  }
0x8c: {  	[tilespmem:s31], [sflag:$0x2] =	stream.indirect.gather [hbm4b:s4+s29], $0x80, s20, s29, $0xb8;
	[tilespmem:$0x1D100] =	vst v63  }
0x8d: {  	s21 =	sadd.s32 s21, s22;
	s20 =	sadd.s32 $0xC0, s20  }
0x8e: {  	[tilespmem:s0], [sflag:$0x4] =	stream.linear.gather [hbm4b:s21+s3], $0x60, $0x38;
	[tilespmem:$0x1D100] =	vst v63  }
0x8f: {  	_ =	swait.ge [sflag:s2], $0x3000  }
0x90: {  	[sflag:s2] =	ssyncset.done $0x0  }
0x91: {  	[sflag:s2] =	ssyncadd.s32 $0xFFFFD000  }
0x92: {  	_ =	swait.ge [sflag:s13], $0x60  }
0x93: {  	[sflag:s13] =	ssyncset.done $0x0  }
0x94: {  	[sflag:s13] =	ssyncadd.s32 $0xFFFFFFA0  }
0x95: {  	[spmem:s1] =	stream.indirect.scatter.add.f32 [tilespmem:s28], [sflag:$0x5], $0x80, s30, s29, $0xb8;
	[tilespmem:$0x1D100] =	vst v63  }
0x96: {  	_ =	swait.ge [sflag:s26], $0x3000  }
0x97: {  	[sflag:s26] =	ssyncset.done $0x0  }
0x98: {  	[sflag:s26] =	ssyncadd.s32 $0xFFFFD000  }
0x99: {  	_ =	swait.ge [sflag:s14], $0x3000  }
0x9a: {  	[sflag:s14] =	ssyncset.done $0x0  }
0x9b: {  	[sflag:s14] =	ssyncadd.s32 $0xFFFFD000  }
0x9c: {  	_ =	swait.ge [sflag:s15], $0x60  }
0x9d: {  	[sflag:s15] =	ssyncset.done $0x0  }
0x9e: {  	[sflag:s15] =	ssyncadd.s32 $0xFFFFFFA0  }
0x9f: {  	[spmem:s1] =	stream.indirect.scatter.add.f32 [tilespmem:s31], [sflag:$0x5], $0x80, s0, s29, $0xb8;
	[tilespmem:$0x1D100] =	vst v63  }
0xa0: {  	_ =	swait.ge [sflag:s26], $0x3000  }
0xa1: {  	[sflag:s26] =	ssyncset.done $0x0  }
0xa2: {  	s19 =	simm.s32 $0x2700;
	[sflag:s26] =	ssyncadd.s32 $0xFFFFD000  }
0xa3: {  	[tilespmem:s16], [sflag:$0x1] =	stream.indirect.gather [hbm4b:s4+s5], $0x80, s19, s5, $0xb8;
	[tilespmem:$0x1D100] =	vst v63  }
0xa4: {  	s20 =	rddreg [dreg:$0xd]  }
0xa5: {  	[tilespmem:s17], [sflag:$0x5] =	stream.linear.gather [hbm4b:s20+s3], $0x10, $0x38;
	[tilespmem:$0x1D100] =	vst v63  }
0xa6: {  	_ =	swait.ge [sflag:s26], $0x10  }
0xa7: {  	[sflag:s26] =	ssyncset.done $0x0  }
0xa8: {  	[sflag:s26] =	ssyncadd.s32 $0xFFFFFFF0  }
0xa9: {  	_ =	swait.ge [sflag:s2], $0x800  }
0xaa: {  	[sflag:s2] =	ssyncset.done $0x0  }
0xab: {  	[sflag:s2] =	ssyncadd.s32 $0xFFFFF800  }
0xac: {  	[spmem:s1] =	stream.indirect.scatter.add.f32 [tilespmem:s16], [sflag:$0x5], $0x80, s17, s5, $0xb8;
	[tilespmem:$0x1D100] =	vst v63  }
0xad: {  	_ =	swait.ge [sflag:s26], $0x800  }
0xae: {  	[sflag:s26] =	ssyncset.done $0x0  }
0xaf: {  	[sflag:s26] =	ssyncadd.s32 $0xFFFFF800  }
0xb0: {  	[bflag:$0x0] =	sbarrier.arrive $0xFFFF  }
0xb1: {  	[tilespmem:s28], [sflag:$0x5] =	stream.linear.gather [spmem:s6], $0x3000, $0x38;
	[tilespmem:$0x1D100] =	vst v63  }
0xb2: {  	_ =	swait.ge [sflag:s26], $0x3000  }
0xb3: {  	[sflag:s26] =	ssyncset.done $0x0  }
0xb4: {  	s21 =	rddreg [dreg:$0x5];
	[sflag:s26] =	ssyncadd.s32 $0xFFFFD000  }
0xb5: {  	[hbm4b:s21+s3] =	stream.linear.scatter [tilespmem:s28], [sflag:$0x5], $0x3000, $0x38;
	[tilespmem:$0x1D100] =	vst v63  }
0xb6: {  	_ =	swait.ge [sflag:s26], $0x3000  }
0xb7: {  	[sflag:s26] =	ssyncset.done $0x0  }
0xb8: {  	[sflag:s26] =	ssyncadd.s32 $0xFFFFD000  }
0xb9: {  	[tilespmem:s28], [sflag:$0x5] =	stream.linear.gather [spmem:s7], $0x3000, $0x38;
	[tilespmem:$0x1D100] =	vst v63  }
0xba: {  	_ =	swait.ge [sflag:s26], $0x3000  }
0xbb: {  	[sflag:s26] =	ssyncset.done $0x0  }
0xbc: {  	s24 =	rddreg [dreg:$0x6];
	[sflag:s26] =	ssyncadd.s32 $0xFFFFD000  }
0xbd: {  	[hbm4b:s24+s3] =	stream.linear.scatter [tilespmem:s28], [sflag:$0x5], $0x3000, $0x38;
	[tilespmem:$0x1D100] =	vst v63  }
0xbe: {  	_ =	swait.ge [sflag:s26], $0x3000  }
0xbf: {  	[sflag:s26] =	ssyncset.done $0x0  }
0xc0: {  	[sflag:s26] =	ssyncadd.s32 $0xFFFFD000  }
0xc1: {  	[tilespmem:s28], [sflag:$0x5] =	stream.linear.gather [spmem:s8], $0x3000, $0x38;
	[tilespmem:$0x1D100] =	vst v63  }
0xc2: {  	_ =	swait.ge [sflag:s26], $0x3000  }
0xc3: {  	[sflag:s26] =	ssyncset.done $0x0  }
0xc4: {  	s20 =	rddreg [dreg:$0x7];
	[sflag:s26] =	ssyncadd.s32 $0xFFFFD000  }
0xc5: {  	[hbm4b:s20+s3] =	stream.linear.scatter [tilespmem:s28], [sflag:$0x5], $0x3000, $0x38;
	[tilespmem:$0x1D100] =	vst v63  }
0xc6: {  	_ =	swait.ge [sflag:s26], $0x3000  }
0xc7: {  	[sflag:s26] =	ssyncset.done $0x0  }
0xc8: {  	[sflag:s26] =	ssyncadd.s32 $0xFFFFD000  }
0xc9: {  	[tilespmem:s28], [sflag:$0x5] =	stream.linear.gather [spmem:s9], $0x3000, $0x38;
	[tilespmem:$0x1D100] =	vst v63  }
0xca: {  	_ =	swait.ge [sflag:s26], $0x3000  }
0xcb: {  	[sflag:s26] =	ssyncset.done $0x0  }
0xcc: {  	s21 =	rddreg [dreg:$0x8];
	[sflag:s26] =	ssyncadd.s32 $0xFFFFD000  }
0xcd: {  	[hbm4b:s21+s3] =	stream.linear.scatter [tilespmem:s28], [sflag:$0x5], $0x3000, $0x38;
	[tilespmem:$0x1D100] =	vst v63  }
0xce: {  	_ =	swait.ge [sflag:s26], $0x3000  }
0xcf: {  	[sflag:s26] =	ssyncset.done $0x0  }
0xd0: {  	[sflag:s26] =	ssyncadd.s32 $0xFFFFD000  }
0xd1: {  	[tilespmem:s28], [sflag:$0x5] =	stream.linear.gather [spmem:s10], $0x3000, $0x38;
	[tilespmem:$0x1D100] =	vst v63  }
0xd2: {  	_ =	swait.ge [sflag:s26], $0x3000  }
0xd3: {  	[sflag:s26] =	ssyncset.done $0x0  }
0xd4: {  	s24 =	rddreg [dreg:$0x9];
	[sflag:s26] =	ssyncadd.s32 $0xFFFFD000  }
0xd5: {  	[hbm4b:s24+s3] =	stream.linear.scatter [tilespmem:s28], [sflag:$0x5], $0x3000, $0x38;
	[tilespmem:$0x1D100] =	vst v63  }
0xd6: {  	_ =	swait.ge [sflag:s26], $0x3000  }
0xd7: {  	[sflag:s26] =	ssyncset.done $0x0  }
0xd8: {  	[sflag:s26] =	ssyncadd.s32 $0xFFFFD000  }
0xd9: {  	[tilespmem:s28], [sflag:$0x5] =	stream.linear.gather [spmem:s11], $0x3000, $0x38;
	[tilespmem:$0x1D100] =	vst v63  }
0xda: {  	_ =	swait.ge [sflag:s26], $0x3000  }
0xdb: {  	[sflag:s26] =	ssyncset.done $0x0  }
0xdc: {  	s20 =	rddreg [dreg:$0xa];
	[sflag:s26] =	ssyncadd.s32 $0xFFFFD000  }
0xdd: {  	[hbm4b:s20+s3] =	stream.linear.scatter [tilespmem:s28], [sflag:$0x5], $0x3000, $0x38;
	[tilespmem:$0x1D100] =	vst v63  }
0xde: {  	_ =	swait.ge [sflag:s26], $0x3000  }
0xdf: {  	[sflag:s26] =	ssyncset.done $0x0  }
0xe0: {  	[sflag:s26] =	ssyncadd.s32 $0xFFFFD000  }
0xe1: {  	[tilespmem:s28], [sflag:$0x5] =	stream.linear.gather [spmem:s12], $0x2000, $0x38;
	[tilespmem:$0x1D100] =	vst v63  }
0xe2: {  	_ =	swait.ge [sflag:s26], $0x2000  }
0xe3: {  	[sflag:s26] =	ssyncset.done $0x0  }
0xe4: {  	s21 =	rddreg [dreg:$0xb];
	[sflag:s26] =	ssyncadd.s32 $0xFFFFE000  }
0xe5: {  	[hbm4b:s21+s3] =	stream.linear.scatter [tilespmem:s28], [sflag:$0x5], $0x2000, $0x38;
	[tilespmem:$0x1D100] =	vst v63  }
0xe6: {  	_ =	swait.ge [sflag:s26], $0x2000  }
0xe7: {  	s18 =	sadd.s32 $0x1, s18;
	s24 =	rddreg [dreg:$0xe]  }
0xe8: {  	p0 =	sne.s32 s18, s24  }
.Ltmp2:
0xe9: {  	_ = 	snop;
	(pc) =	sbr.rel @p0 .LBB2_1-.Ltmp2, $3  }
0xea: {  	_ =	sdelay $0x1  }
0xeb: {  	[sflag:s26] =	ssyncset.done $0x0  }
0xec: {  	[sflag:s26] =	ssyncadd.s32 $0xFFFFE000  }
0xed: {  	_ =	sfence.sel $0x180000  }
0xee: {  	[bflag:$0x0] =	sbarrier.arrive $0xFFFF  }
0xef: {  	_ =	strace $0x9000004A  }
0xf0: {  	s0 =	stileid.u32;
	[bflag:$0x2] =	sbarrier.arrive $0xFFFF  }
0xf1: {  	p0 =	sne.s32 s0, $0x0;
	s0 =	rddreg [dreg:$0x3]  }
0xf2: {  	s0 =	sadd.s32 @!p0 $0x100000, s0  }
0xf3: {  	[sflag:s0] =	ssyncadd.tile.s32 @!p0 $0x1;
	_ =	shalt  }
.Lfunc_end2:
_tile_overlayer_lowered:
.L_overlay_start_2:
0xf4: {  	(tag) =	ssettag $0x2  }
0xf5: {  	s0 =	rddreg [dreg:$0x0];
	s2 =	stileid.u32  }
0xf6: {  	s1 =	rddreg [dreg:$0x1];
	p0 =	sne.s32 s2, $0x0  }
0xf7: {  	s3 =	rddreg [dreg:$0x2];
	[bflag:$0x3] =	sbarrier.arrive $0xFFFF;
	s2 =	simm.s32 @!p0 $0x1C05  }
0xf8: {  	[timem:s3], [sflag:s2] =	dma.local @!p0 [hbm:s0], s1  }
0xf9: {  	s0 =	simm.s32 @!p0 $0x5  }
0xfa: {  	_ =	swait.ge @!p0 [sflag:s0], s1  }
0xfb: {  	s1 =	ssub.s32 @!p0 $0x0, s1;
	[sflag:s0] =	ssyncset.done @!p0 $0x0  }
0xfc: {  	[sflag:s0] =	ssyncadd.s32 @!p0 s1  }
0xfd: {  	[bflag:$0x3] =	sbarrier.arrive $0xFFFF  }
0xfe: {  	_ =	shalt  }

// kernel: kernel.7.cloned.1.call-start
scs
__scs_entry_jumppad:
0x0: {  	(pc) =	sbr.rel $0x88, $3  }
0x1: {  	(tag) =	ssettag $0x0;
	lr =	simm.s32 $0x1  }
0x2: {  	[smem:$0x3F95] =	sst lr;
	_ =	strace $0xD0000000  }
0x3: {  	_ = 	snop  }
0x4: {  	_ = 	snop  }
0x5: {  	_ = 	snop  }
0x6: {  	_ = 	snop  }
0x7: {  	_ = 	snop  }
__scs_overlays_trampoline_lowered:
0x8: {  	[smem:$0x3FA4] =	sst s0  }
0x9: {  	[smem:$0x3FA5] =	sst s1  }
0xa: {  	[smem:$0x3FA6] =	sst s2  }
0xb: {  	[smem:$0x3FA7] =	sst s3  }
0xc: {  	[smem:$0x3FA8] =	sst s4  }
0xd: {  	[smem:$0x3FA9] =	sst s5  }
0xe: {  	[smem:$0x3FAA] =	sst s6  }
0xf: {  	[smem:$0x3FAB] =	sst s7  }
0x10: {  	[smem:$0x3FAC] =	sst s8  }
0x11: {  	[smem:$0x3FAD] =	sst s9;
	s0 =	simm.s32 @!p0 $0x0  }
0x12: {  	s1 =	sld [smem:$0x3F93];
	s0 =	simm.s32 @p0 $0x1  }
0x13: {  	[smem:$0x3FAE] =	sst s0;
	s0 =	simm.s32 @!p1 $0x0  }
0x14: {  	s2 =	sld [smem:$0x3F92];
	s0 =	simm.s32 @p1 $0x1  }
0x15: {  	[smem:$0x3FAF] =	sst s0;
	s0 =	simm.s32 @!p2 $0x0  }
0x16: {  	s3 =	sld [smem:$0x3FDB];
	s0 =	simm.s32 @p2 $0x1  }
0x17: {  	s4 =	simm.s32 $0x1BF5;
	[smem:$0x3FB1] =	sst s0  }
0x18: {  	s0 =	sld [smem:$0x3F94];
	_ =	swait.ge [sflag:s4], $0x0  }
0x19: {  	s7 =	sld [smem:$0x3F95]  }
0x1a: {  	s8 =	sadd.s32 $0xFFFFE003, lr  }
0x1b: {  	s9 =	sadd.s32 $0xFFFFFEF7, lr;
	s5 =	simm.s32 $0xFFFFFFFF;
	p2 =	slt.u32 s8, $0xFFFFF086  }
0x1c: {  	p1 =	slt.u32 s9, $0xF7A;
	s5 =	simm.s32 @!p2 $0x0  }
0x1d: {  	s5 =	simm.s32 @p1 $0x1;
	p0 =	seq.s32 s7, s2  }
0x1e: {  	s7 =	smul.u32 @!p0 $0xF7A, s2;
	p2 =	seq.s32 @!p0 s5, $0x0  }
0x1f: {  	s9 =	smul.u32 $0xF7A, s1;
	s8 =	simm.s32 @!p0 $0x1BF5;
	p2 =	por !p2, p0  }
0x20: {  	[sflag:s8] =	ssyncset.s32 @!p0 $0xFFFFF086;
	s6 =	sadd.s32 @!p0 s3, s7;
	s7 =	simm.s32 @!p0 $0x108  }
0x21: {  	s3 =	sadd.s32 s3, s9;
	s6 =	sadd.s32 @!p0 $0x88, s6;
	s7 =	simm.s32 @p2 $0x1082  }
0x22: {  	[simem:s7], [sflag:s8] =	dma.local @!p0 [hbm:s6], $0xF7A  }
0x23: {  	s9 =	sor.u32 $0xD0000000, s2;
	s6 =	simm.s32 $0x108;
	_ =	swait.ge @!p0 [sflag:s8], $0x0  }
0x24: {  	s3 =	sadd.s32 $0x88, s3;
	s6 =	simm.s32 @!p1 $0x1082;
	[sflag:s4] =	ssyncset.s32 $0xFFFFF086  }
0x25: {  	[simem:s6], [sflag:s4] =	dma.local [hbm:s3], $0xF7A  }
0x26: {  	[smem:$0x3F95] =	sst s1;
	(tag) =	ssettag s2;
	_ =	strace s9  }
0x27: {  	s1 =	sld [smem:$0x3FA5]  }
0x28: {  	s2 =	sld [smem:$0x3FA6]  }
0x29: {  	s4 =	sld [smem:$0x3FA8]  }
0x2a: {  	p0 =	seq.s32 s5, $0x0;
	s5 =	sld [smem:$0x3FA9]  }
0x2b: {  	s6 =	sld [smem:$0x3FAA]  }
0x2c: {  	s7 =	sld [smem:$0x3FAB]  }
0x2d: {  	s3 =	simm.s32 $0x108;
	s8 =	sld [smem:$0x3FAC]  }
0x2e: {  	s3 =	simm.s32 @!p0 $0x1082;
	s9 =	sld [smem:$0x3FAD]  }
0x2f: {  	lr =	sadd.s32 s0, s3;
	s0 =	sld [smem:$0x3FA4]  }
0x30: {  	s3 =	sld [smem:$0x3FA7]  }
0x31: {  	[smem:$0x3FB0] =	sst s10  }
0x32: {  	s10 =	sld [smem:$0x3FAE];
	_ =	sdelay $0x3  }
0x33: {  	p0 =	seq.s32 s10, $0x1;
	s10 =	sld [smem:$0x3FB0];
	_ =	sdelay $0x3  }
0x34: {  	[smem:$0x3FB0] =	sst s10  }
0x35: {  	s10 =	sld [smem:$0x3FAF];
	_ =	sdelay $0x3  }
0x36: {  	p1 =	seq.s32 s10, $0x1;
	s10 =	sld [smem:$0x3FB0];
	_ =	sdelay $0x3  }
0x37: {  	[smem:$0x3FB0] =	sst s10  }
0x38: {  	s10 =	sld [smem:$0x3FB1]  }
0x39: {  	_ = 	snop;
	(pc) =	sbr.ind lr, $3  }
0x3a: {  	_ = 	snop  }
0x3b: {  	_ = 	snop  }
0x3c: {  	p2 =	seq.s32 s10, $0x1;
	s10 =	sld [smem:$0x3FB0]  }
0x3d: {  	_ =	shalt  }
0x3e: {  	_ =	shalt  }
0x3f: {  	_ =	shalt  }
0x40: {  	_ =	shalt  }
0x41: {  	_ =	shalt  }
0x42: {  	_ =	shalt  }
0x43: {  	_ =	shalt  }
0x44: {  	_ =	shalt  }
0x45: {  	_ =	shalt  }
0x46: {  	_ =	shalt  }
0x47: {  	_ =	shalt  }
0x48: {  	_ =	shalt  }
0x49: {  	_ =	shalt  }
0x4a: {  	_ =	shalt  }
0x4b: {  	_ =	shalt  }
0x4c: {  	_ =	shalt  }
0x4d: {  	_ =	shalt  }
0x4e: {  	_ =	shalt  }
0x4f: {  	_ =	shalt  }
0x50: {  	_ =	shalt  }
0x51: {  	_ =	shalt  }
0x52: {  	_ =	shalt  }
0x53: {  	_ =	shalt  }
0x54: {  	_ =	shalt  }
0x55: {  	_ =	shalt  }
0x56: {  	_ =	shalt  }
0x57: {  	_ =	shalt  }
0x58: {  	_ =	shalt  }
0x59: {  	_ =	shalt  }
0x5a: {  	_ =	shalt  }
0x5b: {  	_ =	shalt  }
0x5c: {  	_ =	shalt  }
0x5d: {  	_ =	shalt  }
0x5e: {  	_ =	shalt  }
0x5f: {  	_ =	shalt  }
0x60: {  	_ =	shalt  }
0x61: {  	_ =	shalt  }
0x62: {  	_ =	shalt  }
0x63: {  	_ =	shalt  }
0x64: {  	_ =	shalt  }
0x65: {  	_ =	shalt  }
0x66: {  	_ =	shalt  }
0x67: {  	_ =	shalt  }
0x68: {  	_ =	shalt  }
0x69: {  	_ =	shalt  }
0x6a: {  	_ =	shalt  }
0x6b: {  	_ =	shalt  }
0x6c: {  	_ =	shalt  }
0x6d: {  	_ =	shalt  }
0x6e: {  	_ =	shalt  }
0x6f: {  	_ =	shalt  }
0x70: {  	_ =	shalt  }
0x71: {  	_ =	shalt  }
0x72: {  	_ =	shalt  }
0x73: {  	_ =	shalt  }
0x74: {  	_ =	shalt  }
0x75: {  	_ =	shalt  }
0x76: {  	_ =	shalt  }
0x77: {  	_ =	shalt  }
0x78: {  	_ =	shalt  }
0x79: {  	_ =	shalt  }
0x7a: {  	_ =	shalt  }
0x7b: {  	_ =	shalt  }
0x7c: {  	_ =	shalt  }
0x7d: {  	_ =	shalt  }
0x7e: {  	_ =	shalt  }
0x7f: {  	_ =	shalt  }
0x80: {  	_ =	shalt  }
0x81: {  	_ =	shalt  }
0x82: {  	_ =	shalt  }
0x83: {  	_ =	shalt  }
0x84: {  	_ =	shalt  }
0x85: {  	_ =	shalt  }
0x86: {  	_ =	shalt  }
0x87: {  	_ =	shalt  }
.Lfunc_end0:
.L_simem_size_0:
called_computation_lowered:
.L_overlay_start_0:
0x88: {  	s2 =	sld [smem:$0x3FD9]  }
0x89: {  	s3 =	sld [smem:$0x3FFE];
	_ =	sdelay $0x1  }
0x8a: {  	s1 =	srdreg.scid  }
0x8b: {  	s0 =	sand.u32 $0x1, s1  }
0x8c: {  	s17 =	sshll.u32 s0, $0xA;
	s2 =	sadd.s32 s3, s2  }
0x8d: {  	s2 =	sadd.s32 s2, s17  }
0x8e: {  	[smem:$0x3FBC] =	sst s2  }
0x8f: {  	_ = 	snop  }
0x90: {  	s2 =	sld [smem:$0x3FD0];
	(tm) =	ssettm $0x1  }
0x91: {  	s18 =	sld [smem:$0x3FFB];
	_ =	sdelay $0x3  }
0x92: {  	_ =	strace s18  }
0x93: {  	s3 =	sld [smem:$0x3FFC];
	_ =	sdelay $0x3  }
0x94: {  	_ =	strace s3  }
0x95: {  	s3 =	sld [smem:$0x3FFD];
	_ =	sdelay $0x3  }
0x96: {  	_ =	strace s3  }
0x97: {  	_ =	strace $0x8FFFFFFF  }
0x98: {  	s19 =	sld [smem:$0x3FDB];
	_ =	sdelay $0x1  }
0x99: {  	s4 =	simm.s32 $_scs_section_size  }
0x9a: {  	s5 =	simm.s32 $_size__tile_overlayer_lowered;
	s6 =	simm.s32 $_tile_overlayer_lowered  }
0x9b: {  	s22 =	simm.s32 $0x1BFF;
	s21 =	sshll.u32 s6, $0x1;
	s3 =	sadd.s32 s4, s19  }
0x9c: {  	s7 =	simm.s32 $0x0;
	s20 =	sshll.u32 s5, $0x1;
	s5 =	sadd.s32 s21, s3  }
0x9d: {  	[timem:s7], [sflag:s22] =	dma.local [hbm:s5], s20  }
0x9e: {  	_ =	swait.ge [sflag:s22], s20  }
0x9f: {  	s4 =	ssub.s32 $0x0, s20;
	[sflag:s22] =	ssyncset.done $0x0  }
0xa0: {  	[sflag:s22] =	ssyncadd.s32 s4;
	_ =	sdelay $0x1  }
0xa1: {  	s23 =	simm.s32 $0x1B8B  }
0xa2: {  	_ =	swait.ge [sflag:s23], $0x1  }
0xa3: {  	[sflag:s23] =	ssyncset.done $0x0  }
0xa4: {  	s25 =	simm.s32 $0x1B8E;
	s24 =	sld [smem:$0x3FFE];
	[sflag:s23] =	ssyncadd.s32 $0xFFFFFFFF  }
0xa5: {  	s26 =	simm.s32 $execute0_lowered;
	[smem:$0x3FD2] =	sst s25  }
0xa6: {  	s5 =	sshll.u32 s26, $0x1;
	_ =	strace $0x80000046;
	[dreg:$0x1] =	wrdreg $0xFFFFFFFF  }
0xa7: {  	s28 =	simm.s32 $_size_execute0_lowered;
	s3 =	sadd.s32 s3, s5;
	[dreg:$0x0] =	wrdreg $0x0  }
0xa8: {  	s5 =	sshll.u32 s28, $0x1;
	[dreg:$0x2] =	wrdreg s3  }
0xa9: {  	[dreg:$0x3] =	wrdreg s5  }
0xaa: {  	[dreg:$0x4] =	wrdreg $0xC0  }
0xab: {  	_ =	task [dreg:s7], $0x5FFFF  }
0xac: {  	[dreg:$0x1] =	wrdreg $0xFFFFFFFF  }
0xad: {  	[dreg:$0x0] =	wrdreg $0x60  }
0xae: {  	[dreg:$0x2] =	wrdreg s24  }
0xaf: {  	[dreg:$0x3] =	wrdreg s2  }
0xb0: {  	[dreg:$0x4] =	wrdreg $0x91000  }
0xb1: {  	[dreg:$0x5] =	wrdreg $0x1D1000  }
0xb2: {  	[dreg:$0x6] =	wrdreg $0x9  }
0xb3: {  	_ =	task.clear_ibuf [dreg:s7], $0x7FFFF;
	_ =	strace $0x90000046  }
0xb4: {  	s29 =	simm.s32 $0x9;
	_ =	strace $0x80000048  }
0xb5: {  	_ =	swait.ge [sflag:s29], $0x1  }
0xb6: {  	[sflag:s29] =	ssyncadd.s32 $0xFFFFFFFF  }
0xb7: {  	_ =	strace $0x90000048  }
0xb8: {  	_ =	sfence  }
0xb9: {  	s30 =	sld [smem:$0x0];
	_ =	sdelay $0x2  }
0xba: {  	s31 =	sshll.u32 s1, $0xD;
	s1 =	sshrl.u32 s1, $0x2  }
0xbb: {  	s3 =	sand.u32 $0x4000, s31;
	s1 =	sadd.s32 s1, s30  }
0xbc: {  	s0 =	sor.u32 s3, s0;
	s1 =	sshll.u32 s1, $0x11  }
0xbd: {  	s0 =	sor.u32 s1, s0  }
0xbe: {  	s0 =	sadd.s32 $0x8F2B, s0  }
0xbf: {  	[sflag:s0] =	ssyncadd.remote.s32 $0x1  }
0xc0: {  	_ =	sfence.sel $0xFFFF  }
0xc1: {  	[dreg:$0x0] =	wrdreg $0xFFFFFFFF;
	(pc) =	sbr.abs _section_cstart, $3  }
0xc2: {  	[dreg:$0x1] =	wrdreg $0xFFFFFFFF  }
0xc3: {  	_ =	task.clear_ibuf [dreg:s7], $0x2FFFF;
	_ =	strace $0x9FFFFFFF  }
0xc4: {  	(tm) =	ssettm $0x7FFFFFFF  }
0xc5: {  	_ =	shalt  }
tec
execute0_lowered:
.L_overlay_start_1:
0x0: {  	(tag) =	ssettag $0x1  }
0x1: {  	s0 =	rddreg [dreg:$0x0]  }
0x2: {  	s5 =	rddreg [dreg:$0x1]  }
0x3: {  	s1 =	srdreg.scid;
	s22 =	stileid.u32  }
0x4: {  	s2 =	rddreg [dreg:$0x2];
	s6 =	sand.u32 $0x1, s1;
	s1 =	smul.u32 $0x280, s22  }
0x5: {  	s3 =	rddreg [dreg:$0x3];
	s4 =	simm.s32 $0x0;
	s13 =	smul.u32 $0x14000, s22  }
0x6: {  	s30 =	simm.s32 $0x5;
	s31 =	simm.s32 $0x2900;
	s16 =	smul.u32 $0x2710, s22  }
0x7: {  	s28 =	simm.s32 $0x2880;
	s29 =	simm.s32 $0x0;
	s8 =	smul.u32 $0x2800, s6  }
0x8: {  	s10 =	sadd.s32 $0x2B200, s0;
	[smem:$0x7FF] =	sst s4;
	s12 =	smul.u32 $0x140000, s6  }
0x9: {  	s7 =	sshll.u32 s6, $0x4;
	s9 =	ssub.s32 $0x2, s6;
	s6 =	smul.u32 $0x27100, s6  }
0xa: {  	s7 =	sor.u32 s22, s7;
	s11 =	sshrl.u32 s9, $0x1;
	s23 =	sshll.u32 s1, $0x7  }
0xb: {  	s7 =	smul.u32 $0x2710, s7;
	s9 =	ssub.s32 s9, s11;
	s17 =	sor.u32 $0x3000, s23  }
0xc: {  	s18 =	sadd.s32 $0x6000, s23;
	s19 =	sadd.s32 $0x9000, s23;
	s20 =	sadd.s32 $0xC000, s23  }
0xd: {  	s21 =	sadd.s32 $0xF000, s23;
	s13 =	sadd.s32 s13, s12;
	s11 =	sadd.s32 $0x12000, s23  }
0xe: {  	s6 =	sadd.s32 s16, s6;
	s14 =	sadd.s32 s12, s17;
	s13 =	sshrl.u32 s13, $0x3  }
0xf: {  	s25 =	sadd.s32 s12, s18;
	s26 =	sadd.s32 s12, s19;
	s15 =	sadd.s32 s12, s20  }
0x10: {  	s16 =	sadd.s32 s12, s21;
	s12 =	sadd.s32 s12, s11;
	s17 =	sadd.s32 s17, s2  }
0x11: {  	s18 =	sadd.s32 s18, s2;
	s19 =	sadd.s32 s19, s2;
	s20 =	sadd.s32 s20, s2  }
0x12: {  	s21 =	sadd.s32 s21, s2;
	s7 =	sshrl.u32 s7, $0x3;
	s14 =	sshrl.u32 s14, $0x3  }
0x13: {  	s13 =	sadd.s32 s10, s13;
	s15 =	sshrl.u32 s15, $0x3;
	s23 =	sshrl.u32 s16, $0x3  }
0x14: {  	s12 =	sshrl.u32 s12, $0x3;
	[dreg:$0x5] =	wrdreg s13;
	s24 =	sadd.s32 s10, s14  }
0x15: {  	s13 =	sshrl.u32 s25, $0x3;
	s14 =	sshrl.u32 s26, $0x3;
	s26 =	smul.u32 $0x50000, s22  }
0x16: {  	s22 =	sadd.s32 s11, s2;
	s11 =	smax.u32 s9, $0x1;
	s9 =	simm.s32 $0x3  }
0x17: {  	[dreg:$0x6] =	wrdreg s24;
	s13 =	sadd.s32 s10, s13;
	s14 =	sadd.s32 s10, s14  }
0x18: {  	s24 =	sadd.s32 $0x4E320, s6;
	s6 =	sadd.s32 $0x4E2C0, s6;
	[dreg:$0x7] =	wrdreg s13  }
0x19: {  	[dreg:$0x8] =	wrdreg s14;
	s13 =	sadd.s32 s10, s15;
	s25 =	sshrl.u32 s24, $0x3  }
0x1a: {  	s6 =	sshrl.u32 s6, $0x3;
	s15 =	sadd.s32 $0x3200, s0;
	[dreg:$0x9] =	wrdreg s13  }
0x1b: {  	s13 =	sadd.s32 s10, s23;
	s10 =	sadd.s32 s10, s12;
	s12 =	sadd.s32 s5, s7  }
0x1c: {  	s14 =	sadd.s32 s6, s5;
	s6 =	sadd.s32 s1, s8;
	s8 =	sshrl.u32 s26, $0x2  }
0x1d: {  	s23 =	sadd.s32 s1, s3;
	s1 =	simm.s32 $0x60;
	[dreg:$0xa] =	wrdreg s13  }
0x1e: {  	s7 =	simm.s32 $0x2800;
	[dreg:$0xb] =	wrdreg s10;
	s13 =	sadd.s32 s25, s5  }
0x1f: {  	s24 =	sadd.s32 $0x9C40, s12;
	_ =	strace $0x80000047;
	[dreg:$0xe] =	wrdreg s11  }
0x20: {  	s5 =	sshrl.u32 s6, $0x3;
	s25 =	sadd.s32 $0x9C4C, s12;
	[dreg:$0xf] =	wrdreg s24  }
0x21: {  	s16 =	sadd.s32 s8, s2;
	s26 =	sadd.s32 $0xA120, s12;
	[dreg:$0x10] =	wrdreg s25  }
0x22: {  	s6 =	simm.s32 $0x5900;
	s8 =	simm.s32 $0x1;
	[dreg:$0xc] =	wrdreg s12  }
0x23: {  	s5 =	sadd.s32 s5, s0;
	[dreg:$0x11] =	wrdreg s26;
	s25 =	simm.s32 $0x1D480  }
0x24: {  	s11 =	simm.s32 $0x2;
	s24 =	simm.s32 $0x4;
	s10 =	sadd.s32 $0x7B200, s5  }
0x25: {  	v0 =	vimm.f32 $0.0e+00;
	v1 =	vimm.f32 $1.000000000e+00;
	s5 =	simm.s32 $0x2780;
	[dreg:$0xd] =	wrdreg s10;
	s10 =	simm.s32 $0x1D380  }
.LBB2_1:
0x26: {  	s0 =	rddreg [dreg:$0xc]  }
0x27: {  	[tilespmem:s4], [sflag:$0x5] =	stream.linear.gather [hbm4b:s0+s4], $0x2710, $0x38;
	[tilespmem:$0x1D700] =	vst v63  }
0x28: {  	_ =	swait.ge [sflag:s30], $0x2710  }
0x29: {  	[sflag:s30] =	ssyncset.done $0x0  }
0x2a: {  	s12 =	simm.s32 $0x3C0;
	s0 =	simm.s32 $0x70;
	[sflag:s30] =	ssyncadd.s32 $0xFFFFD8F0  }
.LBB2_2:
0x2b: {  	p0 =	sne.s32 s12, $0xBFC0;
	[tilespmem:s0+$0x2900] =	vst v0  }
0x2c: {  	[tilespmem:s0+$0x2890] =	vst v0  }
0x2d: {  	[tilespmem:s0+$0x28A0] =	vst v0  }
.Ltmp0:
0x2e: {  	[tilespmem:s0+$0x28B0] =	vst v0;
	(pc) =	sbr.rel @p0 .LBB2_2-.Ltmp0, $4  }
0x2f: {  	[tilespmem:s0+$0x28C0] =	vst v0  }
0x30: {  	[tilespmem:s0+$0x28D0] =	vst v0  }
0x31: {  	[tilespmem:s0+$0x28E0] =	vst v0  }
0x32: {  	[tilespmem:s0+$0x28F0] =	vst v0;
	s0 =	sshra.s32 s12, $0x2;
	s12 =	sadd.s32 $0x200, s12  }
0x33: {  	[tilespmem:s0+$0x2900] =	vst v0  }
0x34: {  	[tilespmem:s0+$0x2890] =	vst v0  }
0x35: {  	[tilespmem:s0+$0x28A0] =	vst v0  }
0x36: {  	[tilespmem:s0+$0x28B0] =	vst v0  }
0x37: {  	[tilespmem:s0+$0x28C0] =	vst v0  }
0x38: {  	[tilespmem:s0+$0x28D0] =	vst v0  }
0x39: {  	[tilespmem:s0+$0x28E0] =	vst v0  }
0x3a: {  	[tilespmem:s0+$0x28F0] =	vst v0  }
0x3b: {  	[spmem:s16] =	stream.linear.scatter [tilespmem:s31], [sflag:$0x5], $0x3000, $0x38;
	[tilespmem:$0x1D700] =	vst v63  }
0x3c: {  	_ =	swait.ge [sflag:s30], $0x3000  }
0x3d: {  	[sflag:s30] =	ssyncset.done $0x0  }
0x3e: {  	[sflag:s30] =	ssyncadd.s32 $0xFFFFD000  }
0x3f: {  	[spmem:s17] =	stream.linear.scatter [tilespmem:s31], [sflag:$0x5], $0x3000, $0x38;
	[tilespmem:$0x1D700] =	vst v63  }
0x40: {  	_ =	swait.ge [sflag:s30], $0x3000  }
0x41: {  	[sflag:s30] =	ssyncset.done $0x0  }
0x42: {  	[sflag:s30] =	ssyncadd.s32 $0xFFFFD000  }
0x43: {  	[spmem:s18] =	stream.linear.scatter [tilespmem:s31], [sflag:$0x5], $0x3000, $0x38;
	[tilespmem:$0x1D700] =	vst v63  }
0x44: {  	_ =	swait.ge [sflag:s30], $0x3000  }
0x45: {  	[sflag:s30] =	ssyncset.done $0x0  }
0x46: {  	[sflag:s30] =	ssyncadd.s32 $0xFFFFD000  }
0x47: {  	[spmem:s19] =	stream.linear.scatter [tilespmem:s31], [sflag:$0x5], $0x3000, $0x38;
	[tilespmem:$0x1D700] =	vst v63  }
0x48: {  	_ =	swait.ge [sflag:s30], $0x3000  }
0x49: {  	[sflag:s30] =	ssyncset.done $0x0  }
0x4a: {  	[sflag:s30] =	ssyncadd.s32 $0xFFFFD000  }
0x4b: {  	[spmem:s20] =	stream.linear.scatter [tilespmem:s31], [sflag:$0x5], $0x3000, $0x38;
	[tilespmem:$0x1D700] =	vst v63  }
0x4c: {  	_ =	swait.ge [sflag:s30], $0x3000  }
0x4d: {  	[sflag:s30] =	ssyncset.done $0x0  }
0x4e: {  	[sflag:s30] =	ssyncadd.s32 $0xFFFFD000  }
0x4f: {  	[spmem:s21] =	stream.linear.scatter [tilespmem:s31], [sflag:$0x5], $0x3000, $0x38;
	[tilespmem:$0x1D700] =	vst v63  }
0x50: {  	_ =	swait.ge [sflag:s30], $0x3000  }
0x51: {  	[sflag:s30] =	ssyncset.done $0x0  }
0x52: {  	[sflag:s30] =	ssyncadd.s32 $0xFFFFD000  }
0x53: {  	[spmem:s22] =	stream.linear.scatter [tilespmem:s31], [sflag:$0x5], $0x2000, $0x38;
	[tilespmem:$0x1D700] =	vst v63  }
0x54: {  	_ =	swait.ge [sflag:s30], $0x2000  }
0x55: {  	[sflag:s30] =	ssyncset.done $0x0  }
0x56: {  	[sflag:s30] =	ssyncadd.s32 $0xFFFFE000  }
0x57: {  	[tilespmem:$0x1D480] =	vst v0  }
0x58: {  	[tilespmem:$0x1D490] =	vst v0  }
0x59: {  	[tilespmem:$0x1D4A0] =	vst v0  }
0x5a: {  	[tilespmem:$0x1D4B0] =	vst v0  }
0x5b: {  	[tilespmem:$0x1D4C0] =	vst v0  }
0x5c: {  	[tilespmem:$0x1D4D0] =	vst v0  }
0x5d: {  	[tilespmem:$0x1D4E0] =	vst v0  }
0x5e: {  	[tilespmem:$0x1D4F0] =	vst v0  }
0x5f: {  	[tilespmem:$0x1D500] =	vst v0  }
0x60: {  	[tilespmem:$0x1D510] =	vst v0  }
0x61: {  	[tilespmem:$0x1D520] =	vst v0  }
0x62: {  	[tilespmem:$0x1D530] =	vst v0  }
0x63: {  	[tilespmem:$0x1D540] =	vst v0  }
0x64: {  	[tilespmem:$0x1D550] =	vst v0  }
0x65: {  	[tilespmem:$0x1D560] =	vst v0  }
0x66: {  	[tilespmem:$0x1D570] =	vst v0  }
0x67: {  	[tilespmem:$0x1D580] =	vst v0  }
0x68: {  	[tilespmem:$0x1D590] =	vst v0  }
0x69: {  	[tilespmem:$0x1D5A0] =	vst v0  }
0x6a: {  	[tilespmem:$0x1D5B0] =	vst v0  }
0x6b: {  	[tilespmem:$0x1D5C0] =	vst v0  }
0x6c: {  	[tilespmem:$0x1D5D0] =	vst v0  }
0x6d: {  	[tilespmem:$0x1D5E0] =	vst v0  }
0x6e: {  	[tilespmem:$0x1D5F0] =	vst v0  }
0x6f: {  	[tilespmem:$0x1D600] =	vst v0  }
0x70: {  	[tilespmem:$0x1D610] =	vst v0  }
0x71: {  	[tilespmem:$0x1D620] =	vst v0  }
0x72: {  	[tilespmem:$0x1D630] =	vst v0  }
0x73: {  	[tilespmem:$0x1D640] =	vst v0  }
0x74: {  	[tilespmem:$0x1D650] =	vst v0  }
0x75: {  	[tilespmem:$0x1D660] =	vst v0  }
0x76: {  	[tilespmem:$0x1D670] =	vst v0  }
0x77: {  	[tilespmem:$0x1D680] =	vst v0  }
0x78: {  	[tilespmem:$0x1D690] =	vst v0  }
0x79: {  	[tilespmem:$0x1D6A0] =	vst v0  }
0x7a: {  	[tilespmem:$0x1D6B0] =	vst v0  }
0x7b: {  	[tilespmem:$0x1D6C0] =	vst v0  }
0x7c: {  	[tilespmem:$0x1D6D0] =	vst v0  }
0x7d: {  	[tilespmem:$0x1D6E0] =	vst v0  }
0x7e: {  	[tilespmem:$0x1D6F0] =	vst v0  }
0x7f: {  	[spmem:s23] =	stream.linear.scatter [tilespmem:s25], [sflag:$0x5], $0x280, $0x38;
	[tilespmem:$0x1D700] =	vst v63  }
0x80: {  	_ =	swait.ge [sflag:s30], $0x280  }
0x81: {  	[sflag:s30] =	ssyncset.done $0x0  }
0x82: {  	[sflag:s30] =	ssyncadd.s32 $0xFFFFFD80  }
0x83: {  	[tilespmem:$0x1D380] =	vst v1  }
0x84: {  	[tilespmem:$0x1D390] =	vst v1  }
0x85: {  	[tilespmem:$0x1D3A0] =	vst v1  }
0x86: {  	[tilespmem:$0x1D3B0] =	vst v1  }
0x87: {  	[tilespmem:$0x1D3C0] =	vst v1  }
0x88: {  	[tilespmem:$0x1D3D0] =	vst v1  }
0x89: {  	[tilespmem:$0x1D400] =	vst v1  }
0x8a: {  	s25 =	simm.s32 $0x0;
	[bflag:$0x0] =	sbarrier.arrive $0xFFFF  }
0x8b: {  	[tilespmem:s31], [sflag:$0x1] =	stream.indirect.gather [hbm4b:s15+s1], $0x80, s25, s1, $0xb8;
	[tilespmem:$0x1D700] =	vst v63  }
0x8c: {  	s12 =	rddreg [dreg:$0xf]  }
0x8d: {  	[tilespmem:s5], [sflag:$0x3] =	stream.linear.gather [hbm4b:s12+s25], $0x60, $0x38;
	[tilespmem:$0x1D700] =	vst v63  }
0x8e: {  	_ = 	snop  }
0x8f: {  	[tilespmem:s6], [sflag:$0x2] =	stream.indirect.gather [hbm4b:s15+s1], $0x80, s1, s1, $0xb8;
	[tilespmem:$0x1D700] =	vst v63  }
0x90: {  	s26 =	rddreg [dreg:$0x10]  }
0x91: {  	[tilespmem:s7], [sflag:$0x4] =	stream.linear.gather [hbm4b:s26+s25], $0x60, $0x38;
	[tilespmem:$0x1D700] =	vst v63  }
0x92: {  	_ =	swait.ge [sflag:s8], $0x3000  }
0x93: {  	[sflag:s8] =	ssyncset.done $0x0  }
0x94: {  	[sflag:s8] =	ssyncadd.s32 $0xFFFFD000  }
0x95: {  	_ =	swait.ge [sflag:s9], $0x60  }
0x96: {  	[sflag:s9] =	ssyncset.done $0x0  }
0x97: {  	[sflag:s9] =	ssyncadd.s32 $0xFFFFFFA0  }
0x98: {  	[spmem:s2] =	stream.indirect.scatter.add.f32 [tilespmem:s31], [sflag:$0x5], $0x80, s5, s1, $0xb8;
	[tilespmem:$0x1D700] =	vst v63  }
0x99: {  	_ =	swait.ge [sflag:s30], $0x3000  }
0x9a: {  	[sflag:s30] =	ssyncset.done $0x0  }
0x9b: {  	[sflag:s30] =	ssyncadd.s32 $0xFFFFD000  }
0x9c: {  	[spmem:s3] =	stream.indirect.scatter.add.f32 [tilespmem:s10], [sflag:$0x5], $0x1, s5, s1, $0xb8;
	[tilespmem:$0x1D700] =	vst v63  }
0x9d: {  	_ =	swait.ge [sflag:s30], $0x60  }
0x9e: {  	[sflag:s30] =	ssyncset.done $0x0  }
0x9f: {  	s12 =	simm.s32 $0xC0;
	[sflag:s30] =	ssyncadd.s32 $0xFFFFFFA0  }
0xa0: {  	[tilespmem:s31], [sflag:$0x1] =	stream.indirect.gather [hbm4b:s15+s1], $0x80, s12, s1, $0xb8;
	[tilespmem:$0x1D700] =	vst v63  }
0xa1: {  	s25 =	sadd.s32 $0x0, s14  }
0xa2: {  	[tilespmem:s5], [sflag:$0x3] =	stream.linear.gather [hbm4b:s25+s4], $0x60, $0x38;
	[tilespmem:$0x1D700] =	vst v63  }
0xa3: {  	_ =	swait.ge [sflag:s11], $0x3000  }
0xa4: {  	[sflag:s11] =	ssyncset.done $0x0  }
0xa5: {  	[sflag:s11] =	ssyncadd.s32 $0xFFFFD000  }
0xa6: {  	_ =	swait.ge [sflag:s24], $0x60  }
0xa7: {  	[sflag:s24] =	ssyncset.done $0x0  }
0xa8: {  	[sflag:s24] =	ssyncadd.s32 $0xFFFFFFA0  }
0xa9: {  	[spmem:s2] =	stream.indirect.scatter.add.f32 [tilespmem:s6], [sflag:$0x5], $0x80, s7, s1, $0xb8;
	[tilespmem:$0x1D700] =	vst v63  }
0xaa: {  	_ =	swait.ge [sflag:s30], $0x3000  }
0xab: {  	[sflag:s30] =	ssyncset.done $0x0  }
0xac: {  	[sflag:s30] =	ssyncadd.s32 $0xFFFFD000  }
0xad: {  	[spmem:s3] =	stream.indirect.scatter.add.f32 [tilespmem:s10], [sflag:$0x5], $0x1, s7, s1, $0xb8;
	[tilespmem:$0x1D700] =	vst v63  }
0xae: {  	_ =	swait.ge [sflag:s30], $0x60  }
0xaf: {  	[sflag:s30] =	ssyncset.done $0x0  }
0xb0: {  	s26 =	simm.s32 $0x120;
	[sflag:s30] =	ssyncadd.s32 $0xFFFFFFA0  }
0xb1: {  	[tilespmem:s6], [sflag:$0x2] =	stream.indirect.gather [hbm4b:s15+s1], $0x80, s26, s1, $0xb8;
	[tilespmem:$0x1D700] =	vst v63  }
0xb2: {  	s0 =	sadd.s32 $0x0, s13;
	s12 =	simm.s32 $0x1E0;
	s26 =	simm.s32 $0x18  }
.LBB2_4:
0xb3: {  	[tilespmem:s7], [sflag:$0x4] =	stream.linear.gather [hbm4b:s0+s4], $0x60, $0x38;
	[tilespmem:$0x1D700] =	vst v63  }
0xb4: {  	s0 =	smov.u32 s26  }
0xb5: {  	p0 =	sne.s32 s26, $0x4B0;
	s26 =	sadd.s32 $0x18, s26;
	_ =	swait.ge [sflag:s8], $0x3000  }
0xb6: {  	[sflag:s8] =	ssyncset.done $0x0  }
0xb7: {  	[sflag:s8] =	ssyncadd.s32 $0xFFFFD000  }
0xb8: {  	_ =	swait.ge [sflag:s9], $0x60  }
0xb9: {  	[sflag:s9] =	ssyncset.done $0x0  }
0xba: {  	[sflag:s9] =	ssyncadd.s32 $0xFFFFFFA0  }
0xbb: {  	[spmem:s2] =	stream.indirect.scatter.add.f32 [tilespmem:s31], [sflag:$0x5], $0x80, s5, s1, $0xb8;
	[tilespmem:$0x1D700] =	vst v63  }
0xbc: {  	_ =	swait.ge [sflag:s30], $0x3000  }
0xbd: {  	[sflag:s30] =	ssyncset.done $0x0  }
0xbe: {  	[sflag:s30] =	ssyncadd.s32 $0xFFFFD000  }
0xbf: {  	[spmem:s3] =	stream.indirect.scatter.add.f32 [tilespmem:s10], [sflag:$0x5], $0x1, s5, s1, $0xb8;
	[tilespmem:$0x1D700] =	vst v63  }
0xc0: {  	_ =	swait.ge [sflag:s30], $0x60  }
0xc1: {  	[sflag:s30] =	ssyncset.done $0x0  }
0xc2: {  	s25 =	sadd.s32 $0xFFFFFFA0, s12;
	[sflag:s30] =	ssyncadd.s32 $0xFFFFFFA0  }
0xc3: {  	[tilespmem:s31], [sflag:$0x1] =	stream.indirect.gather [hbm4b:s15+s1], $0x80, s25, s1, $0xb8;
	[tilespmem:$0x1D700] =	vst v63  }
0xc4: {  	s25 =	sadd.s32 s0, s14  }
0xc5: {  	[tilespmem:s5], [sflag:$0x3] =	stream.linear.gather [hbm4b:s25+s4], $0x60, $0x38;
	[tilespmem:$0x1D700] =	vst v63  }
0xc6: {  	_ =	swait.ge [sflag:s11], $0x3000  }
0xc7: {  	[sflag:s11] =	ssyncset.done $0x0  }
0xc8: {  	[sflag:s11] =	ssyncadd.s32 $0xFFFFD000  }
0xc9: {  	_ =	swait.ge [sflag:s24], $0x60  }
0xca: {  	[sflag:s24] =	ssyncset.done $0x0  }
0xcb: {  	[sflag:s24] =	ssyncadd.s32 $0xFFFFFFA0  }
0xcc: {  	[spmem:s2] =	stream.indirect.scatter.add.f32 [tilespmem:s6], [sflag:$0x5], $0x80, s7, s1, $0xb8;
	[tilespmem:$0x1D700] =	vst v63  }
0xcd: {  	_ =	swait.ge [sflag:s30], $0x3000  }
0xce: {  	[sflag:s30] =	ssyncset.done $0x0  }
0xcf: {  	[sflag:s30] =	ssyncadd.s32 $0xFFFFD000  }
0xd0: {  	[spmem:s3] =	stream.indirect.scatter.add.f32 [tilespmem:s10], [sflag:$0x5], $0x1, s7, s1, $0xb8;
	[tilespmem:$0x1D700] =	vst v63  }
.Ltmp1:
0xd1: {  	_ =	swait.ge [sflag:s30], $0x60;
	(pc) =	sbr.rel @p0 .LBB2_4-.Ltmp1, $4  }
0xd2: {  	[sflag:s30] =	ssyncset.done $0x0  }
0xd3: {  	[sflag:s30] =	ssyncadd.s32 $0xFFFFFFA0  }
0xd4: {  	[tilespmem:s6], [sflag:$0x2] =	stream.indirect.gather [hbm4b:s15+s1], $0x80, s12, s1, $0xb8;
	[tilespmem:$0x1D700] =	vst v63  }
0xd5: {  	s0 =	sadd.s32 s0, s13;
	s12 =	sadd.s32 $0xC0, s12  }
0xd6: {  	[tilespmem:s7], [sflag:$0x4] =	stream.linear.gather [hbm4b:s0+s4], $0x60, $0x38;
	[tilespmem:$0x1D700] =	vst v63  }
0xd7: {  	_ =	swait.ge [sflag:s8], $0x3000  }
0xd8: {  	[sflag:s8] =	ssyncset.done $0x0  }
0xd9: {  	[sflag:s8] =	ssyncadd.s32 $0xFFFFD000  }
0xda: {  	_ =	swait.ge [sflag:s9], $0x60  }
0xdb: {  	[sflag:s9] =	ssyncset.done $0x0  }
0xdc: {  	[sflag:s9] =	ssyncadd.s32 $0xFFFFFFA0  }
0xdd: {  	[spmem:s2] =	stream.indirect.scatter.add.f32 [tilespmem:s31], [sflag:$0x5], $0x80, s5, s1, $0xb8;
	[tilespmem:$0x1D700] =	vst v63  }
0xde: {  	_ =	swait.ge [sflag:s30], $0x3000  }
0xdf: {  	[sflag:s30] =	ssyncset.done $0x0  }
0xe0: {  	[sflag:s30] =	ssyncadd.s32 $0xFFFFD000  }
0xe1: {  	[spmem:s3] =	stream.indirect.scatter.add.f32 [tilespmem:s10], [sflag:$0x5], $0x1, s5, s1, $0xb8;
	[tilespmem:$0x1D700] =	vst v63  }
0xe2: {  	_ =	swait.ge [sflag:s30], $0x60  }
0xe3: {  	[sflag:s30] =	ssyncset.done $0x0  }
0xe4: {  	[sflag:s30] =	ssyncadd.s32 $0xFFFFFFA0  }
0xe5: {  	_ =	swait.ge [sflag:s11], $0x3000  }
0xe6: {  	[sflag:s11] =	ssyncset.done $0x0  }
0xe7: {  	[sflag:s11] =	ssyncadd.s32 $0xFFFFD000  }
0xe8: {  	_ =	swait.ge [sflag:s24], $0x60  }
0xe9: {  	[sflag:s24] =	ssyncset.done $0x0  }
0xea: {  	[sflag:s24] =	ssyncadd.s32 $0xFFFFFFA0  }
0xeb: {  	[spmem:s2] =	stream.indirect.scatter.add.f32 [tilespmem:s6], [sflag:$0x5], $0x80, s7, s1, $0xb8;
	[tilespmem:$0x1D700] =	vst v63  }
0xec: {  	_ =	swait.ge [sflag:s30], $0x3000  }
0xed: {  	[sflag:s30] =	ssyncset.done $0x0  }
0xee: {  	[sflag:s30] =	ssyncadd.s32 $0xFFFFD000  }
0xef: {  	[spmem:s3] =	stream.indirect.scatter.add.f32 [tilespmem:s10], [sflag:$0x5], $0x1, s7, s1, $0xb8;
	[tilespmem:$0x1D700] =	vst v63  }
0xf0: {  	_ =	swait.ge [sflag:s30], $0x60  }
0xf1: {  	s12 =	simm.s32 $0x10;
	[sflag:s30] =	ssyncset.done $0x0  }
0xf2: {  	s26 =	simm.s32 $0x2700;
	s25 =	simm.s32 $0x8900;
	[sflag:s30] =	ssyncadd.s32 $0xFFFFFFA0  }
0xf3: {  	[tilespmem:s25], [sflag:$0x1] =	stream.indirect.gather [hbm4b:s15+s12], $0x80, s26, s12, $0xb8;
	[tilespmem:$0x1D700] =	vst v63  }
0xf4: {  	s26 =	rddreg [dreg:$0x11]  }
0xf5: {  	[tilespmem:s28], [sflag:$0x5] =	stream.linear.gather [hbm4b:s26+s4], $0x10, $0x38;
	[tilespmem:$0x1D700] =	vst v63  }
0xf6: {  	_ =	swait.ge [sflag:s30], $0x10  }
0xf7: {  	[sflag:s30] =	ssyncset.done $0x0  }
0xf8: {  	[sflag:s30] =	ssyncadd.s32 $0xFFFFFFF0  }
0xf9: {  	_ =	swait.ge [sflag:s8], $0x800  }
0xfa: {  	[sflag:s8] =	ssyncset.done $0x0  }
0xfb: {  	[sflag:s8] =	ssyncadd.s32 $0xFFFFF800  }
0xfc: {  	[spmem:s2] =	stream.indirect.scatter.add.f32 [tilespmem:s25], [sflag:$0x5], $0x80, s28, s12, $0xb8;
	[tilespmem:$0x1D700] =	vst v63  }
0xfd: {  	_ =	swait.ge [sflag:s30], $0x800  }
0xfe: {  	[sflag:s30] =	ssyncset.done $0x0  }
0xff: {  	s25 =	simm.s32 $0x1D400;
	[sflag:s30] =	ssyncadd.s32 $0xFFFFF800  }
0x100: {  	[spmem:s3] =	stream.indirect.scatter.add.f32 [tilespmem:s25], [sflag:$0x5], $0x1, s28, s12, $0xb8;
	[tilespmem:$0x1D700] =	vst v63  }
0x101: {  	_ =	swait.ge [sflag:s30], $0x10  }
0x102: {  	[sflag:s30] =	ssyncset.done $0x0  }
0x103: {  	[sflag:s30] =	ssyncadd.s32 $0xFFFFFFF0  }
0x104: {  	[bflag:$0x0] =	sbarrier.arrive $0xFFFF  }
0x105: {  	[tilespmem:s31], [sflag:$0x5] =	stream.linear.gather [spmem:s16], $0x3000, $0x38;
	[tilespmem:$0x1D700] =	vst v63  }
0x106: {  	_ =	swait.ge [sflag:s30], $0x3000  }
0x107: {  	[sflag:s30] =	ssyncset.done $0x0  }
0x108: {  	s26 =	rddreg [dreg:$0x5];
	[sflag:s30] =	ssyncadd.s32 $0xFFFFD000  }
0x109: {  	[hbm4b:s26+s4] =	stream.linear.scatter [tilespmem:s31], [sflag:$0x5], $0x3000, $0x38;
	[tilespmem:$0x1D700] =	vst v63  }
0x10a: {  	_ =	swait.ge [sflag:s30], $0x3000  }
0x10b: {  	[sflag:s30] =	ssyncset.done $0x0  }
0x10c: {  	[sflag:s30] =	ssyncadd.s32 $0xFFFFD000  }
0x10d: {  	[tilespmem:s31], [sflag:$0x5] =	stream.linear.gather [spmem:s17], $0x3000, $0x38;
	[tilespmem:$0x1D700] =	vst v63  }
0x10e: {  	_ =	swait.ge [sflag:s30], $0x3000  }
0x10f: {  	[sflag:s30] =	ssyncset.done $0x0  }
0x110: {  	s12 =	rddreg [dreg:$0x6];
	[sflag:s30] =	ssyncadd.s32 $0xFFFFD000  }
0x111: {  	[hbm4b:s12+s4] =	stream.linear.scatter [tilespmem:s31], [sflag:$0x5], $0x3000, $0x38;
	[tilespmem:$0x1D700] =	vst v63  }
0x112: {  	_ =	swait.ge [sflag:s30], $0x3000  }
0x113: {  	[sflag:s30] =	ssyncset.done $0x0  }
0x114: {  	[sflag:s30] =	ssyncadd.s32 $0xFFFFD000  }
0x115: {  	[tilespmem:s31], [sflag:$0x5] =	stream.linear.gather [spmem:s18], $0x3000, $0x38;
	[tilespmem:$0x1D700] =	vst v63  }
0x116: {  	_ =	swait.ge [sflag:s30], $0x3000  }
0x117: {  	[sflag:s30] =	ssyncset.done $0x0  }
0x118: {  	s25 =	rddreg [dreg:$0x7];
	[sflag:s30] =	ssyncadd.s32 $0xFFFFD000  }
0x119: {  	[hbm4b:s25+s4] =	stream.linear.scatter [tilespmem:s31], [sflag:$0x5], $0x3000, $0x38;
	[tilespmem:$0x1D700] =	vst v63  }
0x11a: {  	_ =	swait.ge [sflag:s30], $0x3000  }
0x11b: {  	[sflag:s30] =	ssyncset.done $0x0  }
0x11c: {  	[sflag:s30] =	ssyncadd.s32 $0xFFFFD000  }
0x11d: {  	[tilespmem:s31], [sflag:$0x5] =	stream.linear.gather [spmem:s19], $0x3000, $0x38;
	[tilespmem:$0x1D700] =	vst v63  }
0x11e: {  	_ =	swait.ge [sflag:s30], $0x3000  }
0x11f: {  	[sflag:s30] =	ssyncset.done $0x0  }
0x120: {  	s26 =	rddreg [dreg:$0x8];
	[sflag:s30] =	ssyncadd.s32 $0xFFFFD000  }
0x121: {  	[hbm4b:s26+s4] =	stream.linear.scatter [tilespmem:s31], [sflag:$0x5], $0x3000, $0x38;
	[tilespmem:$0x1D700] =	vst v63  }
0x122: {  	_ =	swait.ge [sflag:s30], $0x3000  }
0x123: {  	[sflag:s30] =	ssyncset.done $0x0  }
0x124: {  	[sflag:s30] =	ssyncadd.s32 $0xFFFFD000  }
0x125: {  	[tilespmem:s31], [sflag:$0x5] =	stream.linear.gather [spmem:s20], $0x3000, $0x38;
	[tilespmem:$0x1D700] =	vst v63  }
0x126: {  	_ =	swait.ge [sflag:s30], $0x3000  }
0x127: {  	[sflag:s30] =	ssyncset.done $0x0  }
0x128: {  	s12 =	rddreg [dreg:$0x9];
	[sflag:s30] =	ssyncadd.s32 $0xFFFFD000  }
0x129: {  	[hbm4b:s12+s4] =	stream.linear.scatter [tilespmem:s31], [sflag:$0x5], $0x3000, $0x38;
	[tilespmem:$0x1D700] =	vst v63  }
0x12a: {  	_ =	swait.ge [sflag:s30], $0x3000  }
0x12b: {  	[sflag:s30] =	ssyncset.done $0x0  }
0x12c: {  	[sflag:s30] =	ssyncadd.s32 $0xFFFFD000  }
0x12d: {  	[tilespmem:s31], [sflag:$0x5] =	stream.linear.gather [spmem:s21], $0x3000, $0x38;
	[tilespmem:$0x1D700] =	vst v63  }
0x12e: {  	_ =	swait.ge [sflag:s30], $0x3000  }
0x12f: {  	[sflag:s30] =	ssyncset.done $0x0  }
0x130: {  	s25 =	rddreg [dreg:$0xa];
	[sflag:s30] =	ssyncadd.s32 $0xFFFFD000  }
0x131: {  	[hbm4b:s25+s4] =	stream.linear.scatter [tilespmem:s31], [sflag:$0x5], $0x3000, $0x38;
	[tilespmem:$0x1D700] =	vst v63  }
0x132: {  	_ =	swait.ge [sflag:s30], $0x3000  }
0x133: {  	[sflag:s30] =	ssyncset.done $0x0  }
0x134: {  	[sflag:s30] =	ssyncadd.s32 $0xFFFFD000  }
0x135: {  	[tilespmem:s31], [sflag:$0x5] =	stream.linear.gather [spmem:s22], $0x2000, $0x38;
	[tilespmem:$0x1D700] =	vst v63  }
0x136: {  	_ =	swait.ge [sflag:s30], $0x2000  }
0x137: {  	[sflag:s30] =	ssyncset.done $0x0  }
0x138: {  	s26 =	rddreg [dreg:$0xb];
	[sflag:s30] =	ssyncadd.s32 $0xFFFFE000  }
0x139: {  	[hbm4b:s26+s4] =	stream.linear.scatter [tilespmem:s31], [sflag:$0x5], $0x2000, $0x38;
	[tilespmem:$0x1D700] =	vst v63  }
0x13a: {  	_ =	swait.ge [sflag:s30], $0x2000  }
0x13b: {  	[sflag:s30] =	ssyncset.done $0x0  }
0x13c: {  	s25 =	simm.s32 $0x1D480;
	[sflag:s30] =	ssyncadd.s32 $0xFFFFE000  }
0x13d: {  	[tilespmem:s25], [sflag:$0x5] =	stream.linear.gather [spmem:s23], $0x280, $0x38;
	[tilespmem:$0x1D700] =	vst v63  }
0x13e: {  	_ =	swait.ge [sflag:s30], $0x280  }
0x13f: {  	[sflag:s30] =	ssyncset.done $0x0  }
0x140: {  	s12 =	rddreg [dreg:$0xd];
	[sflag:s30] =	ssyncadd.s32 $0xFFFFFD80  }
0x141: {  	[hbm4b:s12+s4] =	stream.linear.scatter [tilespmem:s25], [sflag:$0x5], $0x280, $0x38;
	[tilespmem:$0x1D700] =	vst v63  }
0x142: {  	_ =	swait.ge [sflag:s30], $0x280  }
0x143: {  	s29 =	sadd.s32 $0x1, s29;
	s26 =	rddreg [dreg:$0xe]  }
0x144: {  	p0 =	sne.s32 s29, s26  }
.Ltmp2:
0x145: {  	_ = 	snop;
	(pc) =	sbr.rel @p0 .LBB2_1-.Ltmp2, $3  }
0x146: {  	_ =	sdelay $0x1  }
0x147: {  	[sflag:s30] =	ssyncset.done $0x0  }
0x148: {  	[sflag:s30] =	ssyncadd.s32 $0xFFFFFD80  }
0x149: {  	_ =	sfence.sel $0x180000  }
0x14a: {  	[bflag:$0x0] =	sbarrier.arrive $0xFFFF  }
0x14b: {  	_ =	strace $0x90000047  }
0x14c: {  	s0 =	stileid.u32;
	[bflag:$0x2] =	sbarrier.arrive $0xFFFF  }
0x14d: {  	p0 =	sne.s32 s0, $0x0;
	s0 =	rddreg [dreg:$0x4]  }
0x14e: {  	s0 =	sadd.s32 @!p0 $0x100000, s0  }
0x14f: {  	[sflag:s0] =	ssyncadd.tile.s32 @!p0 $0x1;
	_ =	shalt  }
.Lfunc_end2:
_tile_overlayer_lowered:
.L_overlay_start_2:
0x150: {  	(tag) =	ssettag $0x2  }
0x151: {  	s0 =	rddreg [dreg:$0x0];
	s2 =	stileid.u32  }
0x152: {  	s1 =	rddreg [dreg:$0x1];
	p0 =	sne.s32 s2, $0x0  }
0x153: {  	s3 =	rddreg [dreg:$0x2];
	[bflag:$0x3] =	sbarrier.arrive $0xFFFF;
	s2 =	simm.s32 @!p0 $0x1C05  }
0x154: {  	[timem:s3], [sflag:s2] =	dma.local @!p0 [hbm:s0], s1  }
0x155: {  	s0 =	simm.s32 @!p0 $0x5  }
0x156: {  	_ =	swait.ge @!p0 [sflag:s0], s1  }
0x157: {  	s1 =	ssub.s32 @!p0 $0x0, s1;
	[sflag:s0] =	ssyncset.done @!p0 $0x0  }
0x158: {  	[sflag:s0] =	ssyncadd.s32 @!p0 s1  }
0x159: {  	[bflag:$0x3] =	sbarrier.arrive $0xFFFF  }
0x15a: {  	_ =	shalt  }

</sc_bundles>
